<compile_context>
chip_gen: v7x
topology: tpu7x:2x2x1
jax: 0.10.2.dev20260603
libtpu: 0.0.44.dev20260713+nightly
codegen_flags: <defaults>
</compile_context>

<pallas_src>
import functools

import jax
import jax.numpy as jnp
from jax import lax
from jax.experimental import pallas as pl
from jax.experimental.pallas import tpu as pltpu
from jax.experimental.pallas import tpu_sc as plsc

NUM_CORES = 2
NUM_SUBCORES = 16
LANES = 16
NW = NUM_CORES * NUM_SUBCORES

BATCH_TOTAL = 16384
B_PER_W = BATCH_TOTAL // NW
CHUNK = 128
N_CHUNKS = B_PER_W // CHUNK
GROUPS = CHUNK // LANES
EMBED = 128
UNROLL_J = 16


def _tec_kernel(h_hbm, r_hbm, t_hbm, ent_hbm, rel_hbm, out_hbm,
                h_idx, r_idx, t_idx,
                h_buf0, r_buf0, t_buf0, h_buf1, r_buf1, t_buf1,
                out_v, sem0, sem1):
    wid = lax.axis_index("s") * NUM_CORES + lax.axis_index("c")
    base = wid * B_PER_W

    icp_h = pltpu.async_copy(h_hbm.at[pl.ds(base, B_PER_W)], h_idx, sem0)
    icp_r = pltpu.async_copy(r_hbm.at[pl.ds(base, B_PER_W)], r_idx, sem0)
    icp_t = pltpu.async_copy(t_hbm.at[pl.ds(base, B_PER_W)], t_idx, sem0)
    icp_h.wait()
    icp_r.wait()
    icp_t.wait()

    bufs = ((h_buf0, r_buf0, t_buf0), (h_buf1, r_buf1, t_buf1))
    sems = (sem0, sem1)

    def fire(c):
        hb, rb, tb = bufs[c & 1]
        sem = sems[c & 1]
        sl = pl.ds(c * CHUNK, CHUNK)
        return (pltpu.async_copy(ent_hbm.at[h_idx.at[sl]], hb, sem),
                pltpu.async_copy(rel_hbm.at[r_idx.at[sl]], rb, sem),
                pltpu.async_copy(ent_hbm.at[t_idx.at[sl]], tb, sem))

    cps = fire(0)
    for c in range(N_CHUNKS):
        for cp in cps:
            cp.wait()
        if c + 1 < N_CHUNKS:
            cps = fire(c + 1)
        hb, rb, tb = bufs[c & 1]

        lane = lax.iota(jnp.int32, LANES)

        @plsc.parallel_loop(0, GROUPS, step=1, unroll=2)
        def group_body(g):
            rows = g * LANES + lane

            def j_body(jj, accs):
                a0, a1 = accs
                for u in range(UNROLL_J):
                    j = jj * UNROLL_J + u
                    col = (lane + j) & (EMBED - 1)
                    hv = plsc.load_gather(hb, [rows, col])
                    rv = plsc.load_gather(rb, [rows, col])
                    tv = plsc.load_gather(tb, [rows, col])
                    d = jnp.abs(hv + rv - tv)
                    if u % 2 == 0:
                        a0 = a0 + d
                    else:
                        a1 = a1 + d
                return (a0, a1)

            zero = jnp.zeros((LANES,), jnp.float32)
            a0, a1 = lax.fori_loop(0, EMBED // UNROLL_J, j_body, (zero, zero))
            out_v[pl.ds(c * CHUNK + g * LANES, LANES)] = -(a0 + a1)

    pltpu.sync_copy(out_v, out_hbm.at[pl.ds(base, B_PER_W)])


@jax.jit
def _transe_sc(h, r, t, entity_embeddings, relation_embeddings):
    mesh = plsc.VectorSubcoreMesh(core_axis_name="c", subcore_axis_name="s")
    kfn = functools.partial(
        pl.kernel,
        out_type=jax.ShapeDtypeStruct((BATCH_TOTAL,), jnp.float32),
        mesh=mesh,
        compiler_params=pltpu.CompilerParams(needs_layout_passes=False),
        scratch_types=[
            pltpu.VMEM((B_PER_W,), jnp.int32),
            pltpu.VMEM((B_PER_W,), jnp.int32),
            pltpu.VMEM((B_PER_W,), jnp.int32),
            pltpu.VMEM((CHUNK, EMBED), jnp.float32),
            pltpu.VMEM((CHUNK, EMBED), jnp.float32),
            pltpu.VMEM((CHUNK, EMBED), jnp.float32),
            pltpu.VMEM((CHUNK, EMBED), jnp.float32),
            pltpu.VMEM((CHUNK, EMBED), jnp.float32),
            pltpu.VMEM((CHUNK, EMBED), jnp.float32),
            pltpu.VMEM((B_PER_W,), jnp.float32),
            pltpu.SemaphoreType.DMA,
            pltpu.SemaphoreType.DMA,
        ],
    )(_tec_kernel)
    if h.dtype != jnp.int32:
        h = h.astype(jnp.int32)
        r = r.astype(jnp.int32)
        t = t.astype(jnp.int32)
    return kfn(h, r, t, entity_embeddings, relation_embeddings)


def kernel(h, r, t, entity_embeddings, relation_embeddings):
    return _transe_sc(h, r, t, entity_embeddings, relation_embeddings)

# --- scband reference (transcript-rebuilt; emitter-appended) ---
"""Pipeline reference for scband-trans-emodel-20315195310679 (READ-ONLY COPY).

The authoritative reference and input builder live on the scoring server;
editing this copy changes nothing except your own understanding.
"""

import jax, jax.numpy as jnp
import numpy as np

NUM_ENTITIES = 100000
NUM_RELATIONS = 1000
EMBED_DIM = 128
BATCH = 16384

def _xavier_uniform(key, shape):
    fan_in, fan_out = shape[0], shape[1]
    limit = float(np.sqrt(6.0 / (fan_in + fan_out)))
    return jax.random.uniform(key, shape, dtype=jnp.float32, minval=-limit, maxval=limit)

def setup_inputs(seed: int = 0) -> dict:
    key = jax.random.key(seed)
    k1, k2, k3, k4, k5 = jax.random.split(key, 5)
    h = jax.random.randint(k1, (BATCH,), 0, NUM_ENTITIES, dtype=jnp.int64) if jax.config.jax_enable_x64 else jax.random.randint(k1, (BATCH,), 0, NUM_ENTITIES).astype(jnp.int32)
    r = jax.random.randint(k2, (BATCH,), 0, NUM_RELATIONS).astype(h.dtype)
    t = jax.random.randint(k3, (BATCH,), 0, NUM_ENTITIES).astype(h.dtype)
    entity_embeddings = _xavier_uniform(k4, (NUM_ENTITIES, EMBED_DIM))
    relation_embeddings = _xavier_uniform(k5, (NUM_RELATIONS, EMBED_DIM))
    return {"h": h, "r": r, "t": t,
            "entity_embeddings": entity_embeddings,
            "relation_embeddings": relation_embeddings}

def reference(h, r, t, entity_embeddings, relation_embeddings):
    h_emb = jnp.take(entity_embeddings, h, axis=0)
    r_emb = jnp.take(relation_embeddings, r, axis=0)
    t_emb = jnp.take(entity_embeddings, t, axis=0)
    # -torch.norm(h_emb + r_emb - t_emb, p=1, dim=1)
    return -jnp.sum(jnp.abs(h_emb + r_emb - t_emb), axis=1)

if __name__ == "__main__":
    import jax
    _d = setup_inputs()
    print(jax.jit(kernel)(*tuple(_d.values())))

</pallas_src>

<mosaic_0001>
#map = affine_map<(d0, d1) -> (0)>
#map1 = affine_map<(d0, d1) -> (0, 0)>
module attributes {stable_mosaic.version = 14 : i64} {
  func.func @_tec_kernel(%arg0: i32, %arg1: i32, %arg2: memref<16384xi32, #tpu.memory_space<hbm>>, %arg3: memref<16384xi32, #tpu.memory_space<hbm>>, %arg4: memref<16384xi32, #tpu.memory_space<hbm>>, %arg5: memref<100000x128xf32, #tpu.memory_space<hbm>>, %arg6: memref<1000x128xf32, #tpu.memory_space<hbm>>, %arg7: memref<16384xf32, #tpu.memory_space<hbm>>, %arg8: memref<512xi32, #tpu.memory_space<vmem>>, %arg9: memref<512xi32, #tpu.memory_space<vmem>>, %arg10: memref<512xi32, #tpu.memory_space<vmem>>, %arg11: memref<128x128xf32, #tpu.memory_space<vmem>>, %arg12: memref<128x128xf32, #tpu.memory_space<vmem>>, %arg13: memref<128x128xf32, #tpu.memory_space<vmem>>, %arg14: memref<128x128xf32, #tpu.memory_space<vmem>>, %arg15: memref<128x128xf32, #tpu.memory_space<vmem>>, %arg16: memref<128x128xf32, #tpu.memory_space<vmem>>, %arg17: memref<512xf32, #tpu.memory_space<vmem>>, %arg18: memref<!tpu.dma_semaphore, #tpu.memory_space<semaphore_mem>>, %arg19: memref<!tpu.dma_semaphore, #tpu.memory_space<semaphore_mem>>) attributes {dimension_semantics = [#tpu.dimension_semantics<core_parallel>, #tpu.dimension_semantics<subcore_parallel>], iteration_bounds = array<i64: 2, 16>, scalar_prefetch = 0 : i64, scratch_operands = 12 : i64, tpu.core_type = #tpu.core_type<sc_vector_subcore>, window_params = [{transform_indices = #map}, {transform_indices = #map}, {transform_indices = #map}, {transform_indices = #map1}, {transform_indices = #map1}, {transform_indices = #map}]} {
    %mul3A = arith.constant 2 : i32
    %mul3A_0 = arith.muli %arg1, %mul3A : i32
    %add3A = arith.addi %mul3A_0, %arg0 : i32
    %mul3A_1 = arith.constant 512 : i32
    %mul3A_2 = arith.muli %add3A, %mul3A_1 : i32
    %dma_start3A = tpu.memref_slice %arg2[%mul3A_2] : memref<16384xi32, #tpu.memory_space<hbm>> -> memref<512xi32, #tpu.memory_space<hbm>>
    %dma_start3A_3 = tpu.memref_slice %arg2[%mul3A_2] : memref<16384xi32, #tpu.memory_space<hbm>> -> memref<512xi32, #tpu.memory_space<hbm>>
    tpu.enqueue_dma source(%dma_start3A_3 : memref<512xi32, #tpu.memory_space<hbm>>) target(%arg8 : memref<512xi32, #tpu.memory_space<vmem>>) target_semaphore(%arg18 : memref<!tpu.dma_semaphore, #tpu.memory_space<semaphore_mem>>)
    %dma_start3A_4 = tpu.memref_slice %arg3[%mul3A_2] : memref<16384xi32, #tpu.memory_space<hbm>> -> memref<512xi32, #tpu.memory_space<hbm>>
    %dma_start3A_5 = tpu.memref_slice %arg3[%mul3A_2] : memref<16384xi32, #tpu.memory_space<hbm>> -> memref<512xi32, #tpu.memory_space<hbm>>
    tpu.enqueue_dma source(%dma_start3A_5 : memref<512xi32, #tpu.memory_space<hbm>>) target(%arg9 : memref<512xi32, #tpu.memory_space<vmem>>) target_semaphore(%arg18 : memref<!tpu.dma_semaphore, #tpu.memory_space<semaphore_mem>>)
    %dma_start3A_6 = tpu.memref_slice %arg4[%mul3A_2] : memref<16384xi32, #tpu.memory_space<hbm>> -> memref<512xi32, #tpu.memory_space<hbm>>
    %dma_start3A_7 = tpu.memref_slice %arg4[%mul3A_2] : memref<16384xi32, #tpu.memory_space<hbm>> -> memref<512xi32, #tpu.memory_space<hbm>>
    tpu.enqueue_dma source(%dma_start3A_7 : memref<512xi32, #tpu.memory_space<hbm>>) target(%arg10 : memref<512xi32, #tpu.memory_space<vmem>>) target_semaphore(%arg18 : memref<!tpu.dma_semaphore, #tpu.memory_space<semaphore_mem>>)
    %dma_wait3A = tpu.memref_slice %arg2[%mul3A_2] : memref<16384xi32, #tpu.memory_space<hbm>> -> memref<512xi32, #tpu.memory_space<hbm>>
    %dma_wait3A_8 = tpu.memref_slice %arg2[%mul3A_2] : memref<16384xi32, #tpu.memory_space<hbm>> -> memref<512xi32, #tpu.memory_space<hbm>>
    tpu.wait_dma2 semaphore(%arg18 : memref<!tpu.dma_semaphore, #tpu.memory_space<semaphore_mem>>) src(%dma_wait3A_8 : memref<512xi32, #tpu.memory_space<hbm>>) dst(%arg8 : memref<512xi32, #tpu.memory_space<vmem>>)
    %dma_wait3A_9 = tpu.memref_slice %arg3[%mul3A_2] : memref<16384xi32, #tpu.memory_space<hbm>> -> memref<512xi32, #tpu.memory_space<hbm>>
    %dma_wait3A_10 = tpu.memref_slice %arg3[%mul3A_2] : memref<16384xi32, #tpu.memory_space<hbm>> -> memref<512xi32, #tpu.memory_space<hbm>>
    tpu.wait_dma2 semaphore(%arg18 : memref<!tpu.dma_semaphore, #tpu.memory_space<semaphore_mem>>) src(%dma_wait3A_10 : memref<512xi32, #tpu.memory_space<hbm>>) dst(%arg9 : memref<512xi32, #tpu.memory_space<vmem>>)
    %dma_wait3A_11 = tpu.memref_slice %arg4[%mul3A_2] : memref<16384xi32, #tpu.memory_space<hbm>> -> memref<512xi32, #tpu.memory_space<hbm>>
    %dma_wait3A_12 = tpu.memref_slice %arg4[%mul3A_2] : memref<16384xi32, #tpu.memory_space<hbm>> -> memref<512xi32, #tpu.memory_space<hbm>>
    tpu.wait_dma2 semaphore(%arg18 : memref<!tpu.dma_semaphore, #tpu.memory_space<semaphore_mem>>) src(%dma_wait3A_12 : memref<512xi32, #tpu.memory_space<hbm>>) dst(%arg10 : memref<512xi32, #tpu.memory_space<vmem>>)
    %dma_start3A_13 = arith.constant 0 : i32
    %dma_start3A_14 = tpu.memref_slice %arg8[%dma_start3A_13] : memref<512xi32, #tpu.memory_space<vmem>> -> memref<128xi32, #tpu.memory_space<vmem>>
    %dma_start3A_15 = arith.constant 0 : i32
    %dma_start3A_16 = arith.constant 0 : i32
    %dma_start3A_17 = tpu.memref_slice %arg5[%dma_start3A_15, %dma_start3A_16] : memref<100000x128xf32, #tpu.memory_space<hbm>> -> memref<100000x128xf32, #tpu.memory_space<hbm>>
    tpu.enqueue_indirect_dma source(%dma_start3A_17 : memref<100000x128xf32, #tpu.memory_space<hbm>>) target(%arg11 : memref<128x128xf32, #tpu.memory_space<vmem>>) offsets(%dma_start3A_14 : memref<128xi32, #tpu.memory_space<vmem>>) semaphore(%arg18 : memref<!tpu.dma_semaphore, #tpu.memory_space<semaphore_mem>>)
    %dma_start3A_18 = arith.constant 0 : i32
    %dma_start3A_19 = tpu.memref_slice %arg9[%dma_start3A_18] : memref<512xi32, #tpu.memory_space<vmem>> -> memref<128xi32, #tpu.memory_space<vmem>>
    %dma_start3A_20 = arith.constant 0 : i32
    %dma_start3A_21 = arith.constant 0 : i32
    %dma_start3A_22 = tpu.memref_slice %arg6[%dma_start3A_20, %dma_start3A_21] : memref<1000x128xf32, #tpu.memory_space<hbm>> -> memref<1000x128xf32, #tpu.memory_space<hbm>>
    tpu.enqueue_indirect_dma source(%dma_start3A_22 : memref<1000x128xf32, #tpu.memory_space<hbm>>) target(%arg12 : memref<128x128xf32, #tpu.memory_space<vmem>>) offsets(%dma_start3A_19 : memref<128xi32, #tpu.memory_space<vmem>>) semaphore(%arg18 : memref<!tpu.dma_semaphore, #tpu.memory_space<semaphore_mem>>)
    %dma_start3A_23 = arith.constant 0 : i32
    %dma_start3A_24 = tpu.memref_slice %arg10[%dma_start3A_23] : memref<512xi32, #tpu.memory_space<vmem>> -> memref<128xi32, #tpu.memory_space<vmem>>
    %dma_start3A_25 = arith.constant 0 : i32
    %dma_start3A_26 = arith.constant 0 : i32
    %dma_start3A_27 = tpu.memref_slice %arg5[%dma_start3A_25, %dma_start3A_26] : memref<100000x128xf32, #tpu.memory_space<hbm>> -> memref<100000x128xf32, #tpu.memory_space<hbm>>
    tpu.enqueue_indirect_dma source(%dma_start3A_27 : memref<100000x128xf32, #tpu.memory_space<hbm>>) target(%arg13 : memref<128x128xf32, #tpu.memory_space<vmem>>) offsets(%dma_start3A_24 : memref<128xi32, #tpu.memory_space<vmem>>) semaphore(%arg18 : memref<!tpu.dma_semaphore, #tpu.memory_space<semaphore_mem>>)
    %dma_wait3A_28 = arith.constant 0 : i32
    %dma_wait3A_29 = tpu.memref_slice %arg8[%dma_wait3A_28] : memref<512xi32, #tpu.memory_space<vmem>> -> memref<128xi32, #tpu.memory_space<vmem>>
    %dma_wait3A_30 = arith.constant 0 : i32
    %dma_wait3A_31 = arith.constant 0 : i32
    %dma_wait3A_32 = tpu.memref_slice %arg5[%dma_wait3A_30, %dma_wait3A_31] : memref<100000x128xf32, #tpu.memory_space<hbm>> -> memref<100000x128xf32, #tpu.memory_space<hbm>>
    tpu.wait_indirect_dma semaphore(%arg18 : memref<!tpu.dma_semaphore, #tpu.memory_space<semaphore_mem>>) src(%dma_wait3A_32 : memref<100000x128xf32, #tpu.memory_space<hbm>>) dst(%arg11 : memref<128x128xf32, #tpu.memory_space<vmem>>)
    %dma_wait3A_33 = arith.constant 0 : i32
    %dma_wait3A_34 = tpu.memref_slice %arg9[%dma_wait3A_33] : memref<512xi32, #tpu.memory_space<vmem>> -> memref<128xi32, #tpu.memory_space<vmem>>
    %dma_wait3A_35 = arith.constant 0 : i32
    %dma_wait3A_36 = arith.constant 0 : i32
    %dma_wait3A_37 = tpu.memref_slice %arg6[%dma_wait3A_35, %dma_wait3A_36] : memref<1000x128xf32, #tpu.memory_space<hbm>> -> memref<1000x128xf32, #tpu.memory_space<hbm>>
    tpu.wait_indirect_dma semaphore(%arg18 : memref<!tpu.dma_semaphore, #tpu.memory_space<semaphore_mem>>) src(%dma_wait3A_37 : memref<1000x128xf32, #tpu.memory_space<hbm>>) dst(%arg12 : memref<128x128xf32, #tpu.memory_space<vmem>>)
    %dma_wait3A_38 = arith.constant 0 : i32
    %dma_wait3A_39 = tpu.memref_slice %arg10[%dma_wait3A_38] : memref<512xi32, #tpu.memory_space<vmem>> -> memref<128xi32, #tpu.memory_space<vmem>>
    %dma_wait3A_40 = arith.constant 0 : i32
    %dma_wait3A_41 = arith.constant 0 : i32
    %dma_wait3A_42 = tpu.memref_slice %arg5[%dma_wait3A_40, %dma_wait3A_41] : memref<100000x128xf32, #tpu.memory_space<hbm>> -> memref<100000x128xf32, #tpu.memory_space<hbm>>
    tpu.wait_indirect_dma semaphore(%arg18 : memref<!tpu.dma_semaphore, #tpu.memory_space<semaphore_mem>>) src(%dma_wait3A_42 : memref<100000x128xf32, #tpu.memory_space<hbm>>) dst(%arg13 : memref<128x128xf32, #tpu.memory_space<vmem>>)
    %dma_start3A_43 = arith.constant 128 : i32
    %dma_start3A_44 = tpu.memref_slice %arg8[%dma_start3A_43] : memref<512xi32, #tpu.memory_space<vmem>> -> memref<128xi32, #tpu.memory_space<vmem>>
    %dma_start3A_45 = arith.constant 0 : i32
    %dma_start3A_46 = arith.constant 0 : i32
    %dma_start3A_47 = tpu.memref_slice %arg5[%dma_start3A_45, %dma_start3A_46] : memref<100000x128xf32, #tpu.memory_space<hbm>> -> memref<100000x128xf32, #tpu.memory_space<hbm>>
    tpu.enqueue_indirect_dma source(%dma_start3A_47 : memref<100000x128xf32, #tpu.memory_space<hbm>>) target(%arg14 : memref<128x128xf32, #tpu.memory_space<vmem>>) offsets(%dma_start3A_44 : memref<128xi32, #tpu.memory_space<vmem>>) semaphore(%arg19 : memref<!tpu.dma_semaphore, #tpu.memory_space<semaphore_mem>>)
    %dma_start3A_48 = arith.constant 128 : i32
    %dma_start3A_49 = tpu.memref_slice %arg9[%dma_start3A_48] : memref<512xi32, #tpu.memory_space<vmem>> -> memref<128xi32, #tpu.memory_space<vmem>>
    %dma_start3A_50 = arith.constant 0 : i32
    %dma_start3A_51 = arith.constant 0 : i32
    %dma_start3A_52 = tpu.memref_slice %arg6[%dma_start3A_50, %dma_start3A_51] : memref<1000x128xf32, #tpu.memory_space<hbm>> -> memref<1000x128xf32, #tpu.memory_space<hbm>>
    tpu.enqueue_indirect_dma source(%dma_start3A_52 : memref<1000x128xf32, #tpu.memory_space<hbm>>) target(%arg15 : memref<128x128xf32, #tpu.memory_space<vmem>>) offsets(%dma_start3A_49 : memref<128xi32, #tpu.memory_space<vmem>>) semaphore(%arg19 : memref<!tpu.dma_semaphore, #tpu.memory_space<semaphore_mem>>)
    %dma_start3A_53 = arith.constant 128 : i32
    %dma_start3A_54 = tpu.memref_slice %arg10[%dma_start3A_53] : memref<512xi32, #tpu.memory_space<vmem>> -> memref<128xi32, #tpu.memory_space<vmem>>
    %dma_start3A_55 = arith.constant 0 : i32
    %dma_start3A_56 = arith.constant 0 : i32
    %dma_start3A_57 = tpu.memref_slice %arg5[%dma_start3A_55, %dma_start3A_56] : memref<100000x128xf32, #tpu.memory_space<hbm>> -> memref<100000x128xf32, #tpu.memory_space<hbm>>
    tpu.enqueue_indirect_dma source(%dma_start3A_57 : memref<100000x128xf32, #tpu.memory_space<hbm>>) target(%arg16 : memref<128x128xf32, #tpu.memory_space<vmem>>) offsets(%dma_start3A_54 : memref<128xi32, #tpu.memory_space<vmem>>) semaphore(%arg19 : memref<!tpu.dma_semaphore, #tpu.memory_space<semaphore_mem>>)
    %iota3A = tpu.iota {dimensions = array<i32: 0>} : vector<16xi32>
    %parallel_loop3A = arith.constant 0 : i32
    %parallel_loop3A_58 = arith.constant 8 : i32
    %parallel_loop3A_59 = arith.constant 1 : i32
    scf.for %parallel_loop3A_147 = %parallel_loop3A to %parallel_loop3A_58 step %parallel_loop3A_59  : i32 {
      %parallel_loop3A_148 = arith.constant 16 : i32
      %parallel_loop3A_149 = arith.muli %parallel_loop3A_147, %parallel_loop3A_148 : i32
      %parallel_loop3A_150 = vector.broadcast %parallel_loop3A_149 : i32 to vector<16xi32>
      %parallel_loop3A_151 = arith.addi %parallel_loop3A_150, %iota3A : vector<16xi32>
      %parallel_loop3A_152 = arith.constant 0.000000e+00 : f32
      %parallel_loop3A_153 = vector.broadcast %parallel_loop3A_152 : f32 to vector<16xf32>
      %parallel_loop3A_154 = arith.constant 0 : i32
      %parallel_loop3A_155 = arith.constant 8 : i32
      %parallel_loop3A_156 = arith.addi %parallel_loop3A_154, %parallel_loop3A_155 : i32
      %parallel_loop3A_157 = arith.constant 1 : i32
      %parallel_loop3A_158:2 = scf.for %scan3A = %parallel_loop3A_154 to %parallel_loop3A_156 step %parallel_loop3A_157 iter_args(%scan3A_170 = %parallel_loop3A_153, %scan3A_171 = %parallel_loop3A_153) -> (vector<16xf32>, vector<16xf32>)  : i32 {
        %parallel_loop3A_172 = arith.constant 16 : i32
        %parallel_loop3A_173 = arith.muli %scan3A, %parallel_loop3A_172 : i32
        %parallel_loop3A_174 = arith.constant 0 : i32
        %parallel_loop3A_175 = arith.addi %parallel_loop3A_173, %parallel_loop3A_174 : i32
        %parallel_loop3A_176 = vector.broadcast %parallel_loop3A_175 : i32 to vector<16xi32>
        %parallel_loop3A_177 = arith.addi %iota3A, %parallel_loop3A_176 : vector<16xi32>
        %parallel_loop3A_178 = arith.constant 127 : i32
        %parallel_loop3A_179 = vector.broadcast %parallel_loop3A_178 : i32 to vector<16xi32>
        %parallel_loop3A_180 = arith.andi %parallel_loop3A_177, %parallel_loop3A_179 : vector<16xi32>
        %parallel_loop3A_181 = tpu.vector_load_idx %arg11[%parallel_loop3A_151, %parallel_loop3A_180] : memref<128x128xf32, #tpu.memory_space<vmem>>[vector<16xi32>, vector<16xi32>], vector<16xf32>,
        %parallel_loop3A_182 = tpu.vector_load_idx %arg12[%parallel_loop3A_151, %parallel_loop3A_180] : memref<128x128xf32, #tpu.memory_space<vmem>>[vector<16xi32>, vector<16xi32>], vector<16xf32>,
        %parallel_loop3A_183 = tpu.vector_load_idx %arg13[%parallel_loop3A_151, %parallel_loop3A_180] : memref<128x128xf32, #tpu.memory_space<vmem>>[vector<16xi32>, vector<16xi32>], vector<16xf32>,
        %parallel_loop3A_184 = arith.addf %parallel_loop3A_181, %parallel_loop3A_182 : vector<16xf32>
        %parallel_loop3A_185 = arith.subf %parallel_loop3A_184, %parallel_loop3A_183 : vector<16xf32>
        %parallel_loop3A_186 = math.absf %parallel_loop3A_185 : vector<16xf32>
        %parallel_loop3A_187 = arith.addf %scan3A_170, %parallel_loop3A_186 : vector<16xf32>
        %parallel_loop3A_188 = arith.constant 16 : i32
        %parallel_loop3A_189 = arith.muli %scan3A, %parallel_loop3A_188 : i32
        %parallel_loop3A_190 = arith.constant 1 : i32
        %parallel_loop3A_191 = arith.addi %parallel_loop3A_189, %parallel_loop3A_190 : i32
        %parallel_loop3A_192 = vector.broadcast %parallel_loop3A_191 : i32 to vector<16xi32>
        %parallel_loop3A_193 = arith.addi %iota3A, %parallel_loop3A_192 : vector<16xi32>
        %parallel_loop3A_194 = arith.constant 127 : i32
        %parallel_loop3A_195 = vector.broadcast %parallel_loop3A_194 : i32 to vector<16xi32>
        %parallel_loop3A_196 = arith.andi %parallel_loop3A_193, %parallel_loop3A_195 : vector<16xi32>
        %parallel_loop3A_197 = tpu.vector_load_idx %arg11[%parallel_loop3A_151, %parallel_loop3A_196] : memref<128x128xf32, #tpu.memory_space<vmem>>[vector<16xi32>, vector<16xi32>], vector<16xf32>,
        %parallel_loop3A_198 = tpu.vector_load_idx %arg12[%parallel_loop3A_151, %parallel_loop3A_196] : memref<128x128xf32, #tpu.memory_space<vmem>>[vector<16xi32>, vector<16xi32>], vector<16xf32>,
        %parallel_loop3A_199 = tpu.vector_load_idx %arg13[%parallel_loop3A_151, %parallel_loop3A_196] : memref<128x128xf32, #tpu.memory_space<vmem>>[vector<16xi32>, vector<16xi32>], vector<16xf32>,
        %parallel_loop3A_200 = arith.addf %parallel_loop3A_197, %parallel_loop3A_198 : vector<16xf32>
        %parallel_loop3A_201 = arith.subf %parallel_loop3A_200, %parallel_loop3A_199 : vector<16xf32>
        %parallel_loop3A_202 = math.absf %parallel_loop3A_201 : vector<16xf32>
        %parallel_loop3A_203 = arith.addf %scan3A_171, %parallel_loop3A_202 : vector<16xf32>
        %parallel_loop3A_204 = arith.constant 16 : i32
        %parallel_loop3A_205 = arith.muli %scan3A, %parallel_loop3A_204 : i32
        %parallel_loop3A_206 = arith.constant 2 : i32
        %parallel_loop3A_207 = arith.addi %parallel_loop3A_205, %parallel_loop3A_206 : i32
        %parallel_loop3A_208 = vector.broadcast %parallel_loop3A_207 : i32 to vector<16xi32>
        %parallel_loop3A_209 = arith.addi %iota3A, %parallel_loop3A_208 : vector<16xi32>
        %parallel_loop3A_210 = arith.constant 127 : i32
        %parallel_loop3A_211 = vector.broadcast %parallel_loop3A_210 : i32 to vector<16xi32>
        %parallel_loop3A_212 = arith.andi %parallel_loop3A_209, %parallel_loop3A_211 : vector<16xi32>
        %parallel_loop3A_213 = tpu.vector_load_idx %arg11[%parallel_loop3A_151, %parallel_loop3A_212] : memref<128x128xf32, #tpu.memory_space<vmem>>[vector<16xi32>, vector<16xi32>], vector<16xf32>,
        %parallel_loop3A_214 = tpu.vector_load_idx %arg12[%parallel_loop3A_151, %parallel_loop3A_212] : memref<128x128xf32, #tpu.memory_space<vmem>>[vector<16xi32>, vector<16xi32>], vector<16xf32>,
        %parallel_loop3A_215 = tpu.vector_load_idx %arg13[%parallel_loop3A_151, %parallel_loop3A_212] : memref<128x128xf32, #tpu.memory_space<vmem>>[vector<16xi32>, vector<16xi32>], vector<16xf32>,
        %parallel_loop3A_216 = arith.addf %parallel_loop3A_213, %parallel_loop3A_214 : vector<16xf32>
        %parallel_loop3A_217 = arith.subf %parallel_loop3A_216, %parallel_loop3A_215 : vector<16xf32>
        %parallel_loop3A_218 = math.absf %parallel_loop3A_217 : vector<16xf32>
        %parallel_loop3A_219 = arith.addf %parallel_loop3A_187, %parallel_loop3A_218 : vector<16xf32>
        %parallel_loop3A_220 = arith.constant 16 : i32
        %parallel_loop3A_221 = arith.muli %scan3A, %parallel_loop3A_220 : i32
        %parallel_loop3A_222 = arith.constant 3 : i32
        %parallel_loop3A_223 = arith.addi %parallel_loop3A_221, %parallel_loop3A_222 : i32
        %parallel_loop3A_224 = vector.broadcast %parallel_loop3A_223 : i32 to vector<16xi32>
        %parallel_loop3A_225 = arith.addi %iota3A, %parallel_loop3A_224 : vector<16xi32>
        %parallel_loop3A_226 = arith.constant 127 : i32
        %parallel_loop3A_227 = vector.broadcast %parallel_loop3A_226 : i32 to vector<16xi32>
        %parallel_loop3A_228 = arith.andi %parallel_loop3A_225, %parallel_loop3A_227 : vector<16xi32>
        %parallel_loop3A_229 = tpu.vector_load_idx %arg11[%parallel_loop3A_151, %parallel_loop3A_228] : memref<128x128xf32, #tpu.memory_space<vmem>>[vector<16xi32>, vector<16xi32>], vector<16xf32>,
        %parallel_loop3A_230 = tpu.vector_load_idx %arg12[%parallel_loop3A_151, %parallel_loop3A_228] : memref<128x128xf32, #tpu.memory_space<vmem>>[vector<16xi32>, vector<16xi32>], vector<16xf32>,
        %parallel_loop3A_231 = tpu.vector_load_idx %arg13[%parallel_loop3A_151, %parallel_loop3A_228] : memref<128x128xf32, #tpu.memory_space<vmem>>[vector<16xi32>, vector<16xi32>], vector<16xf32>,
        %parallel_loop3A_232 = arith.addf %parallel_loop3A_229, %parallel_loop3A_230 : vector<16xf32>
        %parallel_loop3A_233 = arith.subf %parallel_loop3A_232, %parallel_loop3A_231 : vector<16xf32>
        %parallel_loop3A_234 = math.absf %parallel_loop3A_233 : vector<16xf32>
        %parallel_loop3A_235 = arith.addf %parallel_loop3A_203, %parallel_loop3A_234 : vector<16xf32>
        %parallel_loop3A_236 = arith.constant 16 : i32
        %parallel_loop3A_237 = arith.muli %scan3A, %parallel_loop3A_236 : i32
        %parallel_loop3A_238 = arith.constant 4 : i32
        %parallel_loop3A_239 = arith.addi %parallel_loop3A_237, %parallel_loop3A_238 : i32
        %parallel_loop3A_240 = vector.broadcast %parallel_loop3A_239 : i32 to vector<16xi32>
        %parallel_loop3A_241 = arith.addi %iota3A, %parallel_loop3A_240 : vector<16xi32>
        %parallel_loop3A_242 = arith.constant 127 : i32
        %parallel_loop3A_243 = vector.broadcast %parallel_loop3A_242 : i32 to vector<16xi32>
        %parallel_loop3A_244 = arith.andi %parallel_loop3A_241, %parallel_loop3A_243 : vector<16xi32>
        %parallel_loop3A_245 = tpu.vector_load_idx %arg11[%parallel_loop3A_151, %parallel_loop3A_244] : memref<128x128xf32, #tpu.memory_space<vmem>>[vector<16xi32>, vector<16xi32>], vector<16xf32>,
        %parallel_loop3A_246 = tpu.vector_load_idx %arg12[%parallel_loop3A_151, %parallel_loop3A_244] : memref<128x128xf32, #tpu.memory_space<vmem>>[vector<16xi32>, vector<16xi32>], vector<16xf32>,
        %parallel_loop3A_247 = tpu.vector_load_idx %arg13[%parallel_loop3A_151, %parallel_loop3A_244] : memref<128x128xf32, #tpu.memory_space<vmem>>[vector<16xi32>, vector<16xi32>], vector<16xf32>,
        %parallel_loop3A_248 = arith.addf %parallel_loop3A_245, %parallel_loop3A_246 : vector<16xf32>
        %parallel_loop3A_249 = arith.subf %parallel_loop3A_248, %parallel_loop3A_247 : vector<16xf32>
        %parallel_loop3A_250 = math.absf %parallel_loop3A_249 : vector<16xf32>
        %parallel_loop3A_251 = arith.addf %parallel_loop3A_219, %parallel_loop3A_250 : vector<16xf32>
        %parallel_loop3A_252 = arith.constant 16 : i32
        %parallel_loop3A_253 = arith.muli %scan3A, %parallel_loop3A_252 : i32
        %parallel_loop3A_254 = arith.constant 5 : i32
        %parallel_loop3A_255 = arith.addi %parallel_loop3A_253, %parallel_loop3A_254 : i32
        %parallel_loop3A_256 = vector.broadcast %parallel_loop3A_255 : i32 to vector<16xi32>
        %parallel_loop3A_257 = arith.addi %iota3A, %parallel_loop3A_256 : vector<16xi32>
        %parallel_loop3A_258 = arith.constant 127 : i32
        %parallel_loop3A_259 = vector.broadcast %parallel_loop3A_258 : i32 to vector<16xi32>
        %parallel_loop3A_260 = arith.andi %parallel_loop3A_257, %parallel_loop3A_259 : vector<16xi32>
        %parallel_loop3A_261 = tpu.vector_load_idx %arg11[%parallel_loop3A_151, %parallel_loop3A_260] : memref<128x128xf32, #tpu.memory_space<vmem>>[vector<16xi32>, vector<16xi32>], vector<16xf32>,
        %parallel_loop3A_262 = tpu.vector_load_idx %arg12[%parallel_loop3A_151, %parallel_loop3A_260] : memref<128x128xf32, #tpu.memory_space<vmem>>[vector<16xi32>, vector<16xi32>], vector<16xf32>,
        %parallel_loop3A_263 = tpu.vector_load_idx %arg13[%parallel_loop3A_151, %parallel_loop3A_260] : memref<128x128xf32, #tpu.memory_space<vmem>>[vector<16xi32>, vector<16xi32>], vector<16xf32>,
        %parallel_loop3A_264 = arith.addf %parallel_loop3A_261, %parallel_loop3A_262 : vector<16xf32>
        %parallel_loop3A_265 = arith.subf %parallel_loop3A_264, %parallel_loop3A_263 : vector<16xf32>
        %parallel_loop3A_266 = math.absf %parallel_loop3A_265 : vector<16xf32>
        %parallel_loop3A_267 = arith.addf %parallel_loop3A_235, %parallel_loop3A_266 : vector<16xf32>
        %parallel_loop3A_268 = arith.constant 16 : i32
        %parallel_loop3A_269 = arith.muli %scan3A, %parallel_loop3A_268 : i32
        %parallel_loop3A_270 = arith.constant 6 : i32
        %parallel_loop3A_271 = arith.addi %parallel_loop3A_269, %parallel_loop3A_270 : i32
        %parallel_loop3A_272 = vector.broadcast %parallel_loop3A_271 : i32 to vector<16xi32>
        %parallel_loop3A_273 = arith.addi %iota3A, %parallel_loop3A_272 : vector<16xi32>
        %parallel_loop3A_274 = arith.constant 127 : i32
        %parallel_loop3A_275 = vector.broadcast %parallel_loop3A_274 : i32 to vector<16xi32>
        %parallel_loop3A_276 = arith.andi %parallel_loop3A_273, %parallel_loop3A_275 : vector<16xi32>
        %parallel_loop3A_277 = tpu.vector_load_idx %arg11[%parallel_loop3A_151, %parallel_loop3A_276] : memref<128x128xf32, #tpu.memory_space<vmem>>[vector<16xi32>, vector<16xi32>], vector<16xf32>,
        %parallel_loop3A_278 = tpu.vector_load_idx %arg12[%parallel_loop3A_151, %parallel_loop3A_276] : memref<128x128xf32, #tpu.memory_space<vmem>>[vector<16xi32>, vector<16xi32>], vector<16xf32>,
        %parallel_loop3A_279 = tpu.vector_load_idx %arg13[%parallel_loop3A_151, %parallel_loop3A_276] : memref<128x128xf32, #tpu.memory_space<vmem>>[vector<16xi32>, vector<16xi32>], vector<16xf32>,
        %parallel_loop3A_280 = arith.addf %parallel_loop3A_277, %parallel_loop3A_278 : vector<16xf32>
        %parallel_loop3A_281 = arith.subf %parallel_loop3A_280, %parallel_loop3A_279 : vector<16xf32>
        %parallel_loop3A_282 = math.absf %parallel_loop3A_281 : vector<16xf32>
        %parallel_loop3A_283 = arith.addf %parallel_loop3A_251, %parallel_loop3A_282 : vector<16xf32>
        %parallel_loop3A_284 = arith.constant 16 : i32
        %parallel_loop3A_285 = arith.muli %scan3A, %parallel_loop3A_284 : i32
        %parallel_loop3A_286 = arith.constant 7 : i32
        %parallel_loop3A_287 = arith.addi %parallel_loop3A_285, %parallel_loop3A_286 : i32
        %parallel_loop3A_288 = vector.broadcast %parallel_loop3A_287 : i32 to vector<16xi32>
        %parallel_loop3A_289 = arith.addi %iota3A, %parallel_loop3A_288 : vector<16xi32>
        %parallel_loop3A_290 = arith.constant 127 : i32
        %parallel_loop3A_291 = vector.broadcast %parallel_loop3A_290 : i32 to vector<16xi32>
        %parallel_loop3A_292 = arith.andi %parallel_loop3A_289, %parallel_loop3A_291 : vector<16xi32>
        %parallel_loop3A_293 = tpu.vector_load_idx %arg11[%parallel_loop3A_151, %parallel_loop3A_292] : memref<128x128xf32, #tpu.memory_space<vmem>>[vector<16xi32>, vector<16xi32>], vector<16xf32>,
        %parallel_loop3A_294 = tpu.vector_load_idx %arg12[%parallel_loop3A_151, %parallel_loop3A_292] : memref<128x128xf32, #tpu.memory_space<vmem>>[vector<16xi32>, vector<16xi32>], vector<16xf32>,
        %parallel_loop3A_295 = tpu.vector_load_idx %arg13[%parallel_loop3A_151, %parallel_loop3A_292] : memref<128x128xf32, #tpu.memory_space<vmem>>[vector<16xi32>, vector<16xi32>], vector<16xf32>,
        %parallel_loop3A_296 = arith.addf %parallel_loop3A_293, %parallel_loop3A_294 : vector<16xf32>
        %parallel_loop3A_297 = arith.subf %parallel_loop3A_296, %parallel_loop3A_295 : vector<16xf32>
        %parallel_loop3A_298 = math.absf %parallel_loop3A_297 : vector<16xf32>
        %parallel_loop3A_299 = arith.addf %parallel_loop3A_267, %parallel_loop3A_298 : vector<16xf32>
        %parallel_loop3A_300 = arith.constant 16 : i32
        %parallel_loop3A_301 = arith.muli %scan3A, %parallel_loop3A_300 : i32
        %parallel_loop3A_302 = arith.constant 8 : i32
        %parallel_loop3A_303 = arith.addi %parallel_loop3A_301, %parallel_loop3A_302 : i32
        %parallel_loop3A_304 = vector.broadcast %parallel_loop3A_303 : i32 to vector<16xi32>
        %parallel_loop3A_305 = arith.addi %iota3A, %parallel_loop3A_304 : vector<16xi32>
        %parallel_loop3A_306 = arith.constant 127 : i32
        %parallel_loop3A_307 = vector.broadcast %parallel_loop3A_306 : i32 to vector<16xi32>
        %parallel_loop3A_308 = arith.andi %parallel_loop3A_305, %parallel_loop3A_307 : vector<16xi32>
        %parallel_loop3A_309 = tpu.vector_load_idx %arg11[%parallel_loop3A_151, %parallel_loop3A_308] : memref<128x128xf32, #tpu.memory_space<vmem>>[vector<16xi32>, vector<16xi32>], vector<16xf32>,
        %parallel_loop3A_310 = tpu.vector_load_idx %arg12[%parallel_loop3A_151, %parallel_loop3A_308] : memref<128x128xf32, #tpu.memory_space<vmem>>[vector<16xi32>, vector<16xi32>], vector<16xf32>,
        %parallel_loop3A_311 = tpu.vector_load_idx %arg13[%parallel_loop3A_151, %parallel_loop3A_308] : memref<128x128xf32, #tpu.memory_space<vmem>>[vector<16xi32>, vector<16xi32>], vector<16xf32>,
        %parallel_loop3A_312 = arith.addf %parallel_loop3A_309, %parallel_loop3A_310 : vector<16xf32>
        %parallel_loop3A_313 = arith.subf %parallel_loop3A_312, %parallel_loop3A_311 : vector<16xf32>
        %parallel_loop3A_314 = math.absf %parallel_loop3A_313 : vector<16xf32>
        %parallel_loop3A_315 = arith.addf %parallel_loop3A_283, %parallel_loop3A_314 : vector<16xf32>
        %parallel_loop3A_316 = arith.constant 16 : i32
        %parallel_loop3A_317 = arith.muli %scan3A, %parallel_loop3A_316 : i32
        %parallel_loop3A_318 = arith.constant 9 : i32
        %parallel_loop3A_319 = arith.addi %parallel_loop3A_317, %parallel_loop3A_318 : i32
        %parallel_loop3A_320 = vector.broadcast %parallel_loop3A_319 : i32 to vector<16xi32>
        %parallel_loop3A_321 = arith.addi %iota3A, %parallel_loop3A_320 : vector<16xi32>
        %parallel_loop3A_322 = arith.constant 127 : i32
        %parallel_loop3A_323 = vector.broadcast %parallel_loop3A_322 : i32 to vector<16xi32>
        %parallel_loop3A_324 = arith.andi %parallel_loop3A_321, %parallel_loop3A_323 : vector<16xi32>
        %parallel_loop3A_325 = tpu.vector_load_idx %arg11[%parallel_loop3A_151, %parallel_loop3A_324] : memref<128x128xf32, #tpu.memory_space<vmem>>[vector<16xi32>, vector<16xi32>], vector<16xf32>,
        %parallel_loop3A_326 = tpu.vector_load_idx %arg12[%parallel_loop3A_151, %parallel_loop3A_324] : memref<128x128xf32, #tpu.memory_space<vmem>>[vector<16xi32>, vector<16xi32>], vector<16xf32>,
        %parallel_loop3A_327 = tpu.vector_load_idx %arg13[%parallel_loop3A_151, %parallel_loop3A_324] : memref<128x128xf32, #tpu.memory_space<vmem>>[vector<16xi32>, vector<16xi32>], vector<16xf32>,
        %parallel_loop3A_328 = arith.addf %parallel_loop3A_325, %parallel_loop3A_326 : vector<16xf32>
        %parallel_loop3A_329 = arith.subf %parallel_loop3A_328, %parallel_loop3A_327 : vector<16xf32>
        %parallel_loop3A_330 = math.absf %parallel_loop3A_329 : vector<16xf32>
        %parallel_loop3A_331 = arith.addf %parallel_loop3A_299, %parallel_loop3A_330 : vector<16xf32>
        %parallel_loop3A_332 = arith.constant 16 : i32
        %parallel_loop3A_333 = arith.muli %scan3A, %parallel_loop3A_332 : i32
        %parallel_loop3A_334 = arith.constant 10 : i32
        %parallel_loop3A_335 = arith.addi %parallel_loop3A_333, %parallel_loop3A_334 : i32
        %parallel_loop3A_336 = vector.broadcast %parallel_loop3A_335 : i32 to vector<16xi32>
        %parallel_loop3A_337 = arith.addi %iota3A, %parallel_loop3A_336 : vector<16xi32>
        %parallel_loop3A_338 = arith.constant 127 : i32
        %parallel_loop3A_339 = vector.broadcast %parallel_loop3A_338 : i32 to vector<16xi32>
        %parallel_loop3A_340 = arith.andi %parallel_loop3A_337, %parallel_loop3A_339 : vector<16xi32>
        %parallel_loop3A_341 = tpu.vector_load_idx %arg11[%parallel_loop3A_151, %parallel_loop3A_340] : memref<128x128xf32, #tpu.memory_space<vmem>>[vector<16xi32>, vector<16xi32>], vector<16xf32>,
        %parallel_loop3A_342 = tpu.vector_load_idx %arg12[%parallel_loop3A_151, %parallel_loop3A_340] : memref<128x128xf32, #tpu.memory_space<vmem>>[vector<16xi32>, vector<16xi32>], vector<16xf32>,
        %parallel_loop3A_343 = tpu.vector_load_idx %arg13[%parallel_loop3A_151, %parallel_loop3A_340] : memref<128x128xf32, #tpu.memory_space<vmem>>[vector<16xi32>, vector<16xi32>], vector<16xf32>,
        %parallel_loop3A_344 = arith.addf %parallel_loop3A_341, %parallel_loop3A_342 : vector<16xf32>
        %parallel_loop3A_345 = arith.subf %parallel_loop3A_344, %parallel_loop3A_343 : vector<16xf32>
        %parallel_loop3A_346 = math.absf %parallel_loop3A_345 : vector<16xf32>
        %parallel_loop3A_347 = arith.addf %parallel_loop3A_315, %parallel_loop3A_346 : vector<16xf32>
        %parallel_loop3A_348 = arith.constant 16 : i32
        %parallel_loop3A_349 = arith.muli %scan3A, %parallel_loop3A_348 : i32
        %parallel_loop3A_350 = arith.constant 11 : i32
        %parallel_loop3A_351 = arith.addi %parallel_loop3A_349, %parallel_loop3A_350 : i32
        %parallel_loop3A_352 = vector.broadcast %parallel_loop3A_351 : i32 to vector<16xi32>
        %parallel_loop3A_353 = arith.addi %iota3A, %parallel_loop3A_352 : vector<16xi32>
        %parallel_loop3A_354 = arith.constant 127 : i32
        %parallel_loop3A_355 = vector.broadcast %parallel_loop3A_354 : i32 to vector<16xi32>
        %parallel_loop3A_356 = arith.andi %parallel_loop3A_353, %parallel_loop3A_355 : vector<16xi32>
        %parallel_loop3A_357 = tpu.vector_load_idx %arg11[%parallel_loop3A_151, %parallel_loop3A_356] : memref<128x128xf32, #tpu.memory_space<vmem>>[vector<16xi32>, vector<16xi32>], vector<16xf32>,
        %parallel_loop3A_358 = tpu.vector_load_idx %arg12[%parallel_loop3A_151, %parallel_loop3A_356] : memref<128x128xf32, #tpu.memory_space<vmem>>[vector<16xi32>, vector<16xi32>], vector<16xf32>,
        %parallel_loop3A_359 = tpu.vector_load_idx %arg13[%parallel_loop3A_151, %parallel_loop3A_356] : memref<128x128xf32, #tpu.memory_space<vmem>>[vector<16xi32>, vector<16xi32>], vector<16xf32>,
        %parallel_loop3A_360 = arith.addf %parallel_loop3A_357, %parallel_loop3A_358 : vector<16xf32>
        %parallel_loop3A_361 = arith.subf %parallel_loop3A_360, %parallel_loop3A_359 : vector<16xf32>
        %parallel_loop3A_362 = math.absf %parallel_loop3A_361 : vector<16xf32>
        %parallel_loop3A_363 = arith.addf %parallel_loop3A_331, %parallel_loop3A_362 : vector<16xf32>
        %parallel_loop3A_364 = arith.constant 16 : i32
        %parallel_loop3A_365 = arith.muli %scan3A, %parallel_loop3A_364 : i32
        %parallel_loop3A_366 = arith.constant 12 : i32
        %parallel_loop3A_367 = arith.addi %parallel_loop3A_365, %parallel_loop3A_366 : i32
        %parallel_loop3A_368 = vector.broadcast %parallel_loop3A_367 : i32 to vector<16xi32>
        %parallel_loop3A_369 = arith.addi %iota3A, %parallel_loop3A_368 : vector<16xi32>
        %parallel_loop3A_370 = arith.constant 127 : i32
        %parallel_loop3A_371 = vector.broadcast %parallel_loop3A_370 : i32 to vector<16xi32>
        %parallel_loop3A_372 = arith.andi %parallel_loop3A_369, %parallel_loop3A_371 : vector<16xi32>
        %parallel_loop3A_373 = tpu.vector_load_idx %arg11[%parallel_loop3A_151, %parallel_loop3A_372] : memref<128x128xf32, #tpu.memory_space<vmem>>[vector<16xi32>, vector<16xi32>], vector<16xf32>,
        %parallel_loop3A_374 = tpu.vector_load_idx %arg12[%parallel_loop3A_151, %parallel_loop3A_372] : memref<128x128xf32, #tpu.memory_space<vmem>>[vector<16xi32>, vector<16xi32>], vector<16xf32>,
        %parallel_loop3A_375 = tpu.vector_load_idx %arg13[%parallel_loop3A_151, %parallel_loop3A_372] : memref<128x128xf32, #tpu.memory_space<vmem>>[vector<16xi32>, vector<16xi32>], vector<16xf32>,
        %parallel_loop3A_376 = arith.addf %parallel_loop3A_373, %parallel_loop3A_374 : vector<16xf32>
        %parallel_loop3A_377 = arith.subf %parallel_loop3A_376, %parallel_loop3A_375 : vector<16xf32>
        %parallel_loop3A_378 = math.absf %parallel_loop3A_377 : vector<16xf32>
        %parallel_loop3A_379 = arith.addf %parallel_loop3A_347, %parallel_loop3A_378 : vector<16xf32>
        %parallel_loop3A_380 = arith.constant 16 : i32
        %parallel_loop3A_381 = arith.muli %scan3A, %parallel_loop3A_380 : i32
        %parallel_loop3A_382 = arith.constant 13 : i32
        %parallel_loop3A_383 = arith.addi %parallel_loop3A_381, %parallel_loop3A_382 : i32
        %parallel_loop3A_384 = vector.broadcast %parallel_loop3A_383 : i32 to vector<16xi32>
        %parallel_loop3A_385 = arith.addi %iota3A, %parallel_loop3A_384 : vector<16xi32>
        %parallel_loop3A_386 = arith.constant 127 : i32
        %parallel_loop3A_387 = vector.broadcast %parallel_loop3A_386 : i32 to vector<16xi32>
        %parallel_loop3A_388 = arith.andi %parallel_loop3A_385, %parallel_loop3A_387 : vector<16xi32>
        %parallel_loop3A_389 = tpu.vector_load_idx %arg11[%parallel_loop3A_151, %parallel_loop3A_388] : memref<128x128xf32, #tpu.memory_space<vmem>>[vector<16xi32>, vector<16xi32>], vector<16xf32>,
        %parallel_loop3A_390 = tpu.vector_load_idx %arg12[%parallel_loop3A_151, %parallel_loop3A_388] : memref<128x128xf32, #tpu.memory_space<vmem>>[vector<16xi32>, vector<16xi32>], vector<16xf32>,
        %parallel_loop3A_391 = tpu.vector_load_idx %arg13[%parallel_loop3A_151, %parallel_loop3A_388] : memref<128x128xf32, #tpu.memory_space<vmem>>[vector<16xi32>, vector<16xi32>], vector<16xf32>,
        %parallel_loop3A_392 = arith.addf %parallel_loop3A_389, %parallel_loop3A_390 : vector<16xf32>
        %parallel_loop3A_393 = arith.subf %parallel_loop3A_392, %parallel_loop3A_391 : vector<16xf32>
        %parallel_loop3A_394 = math.absf %parallel_loop3A_393 : vector<16xf32>
        %parallel_loop3A_395 = arith.addf %parallel_loop3A_363, %parallel_loop3A_394 : vector<16xf32>
        %parallel_loop3A_396 = arith.constant 16 : i32
        %parallel_loop3A_397 = arith.muli %scan3A, %parallel_loop3A_396 : i32
        %parallel_loop3A_398 = arith.constant 14 : i32
        %parallel_loop3A_399 = arith.addi %parallel_loop3A_397, %parallel_loop3A_398 : i32
        %parallel_loop3A_400 = vector.broadcast %parallel_loop3A_399 : i32 to vector<16xi32>
        %parallel_loop3A_401 = arith.addi %iota3A, %parallel_loop3A_400 : vector<16xi32>
        %parallel_loop3A_402 = arith.constant 127 : i32
        %parallel_loop3A_403 = vector.broadcast %parallel_loop3A_402 : i32 to vector<16xi32>
        %parallel_loop3A_404 = arith.andi %parallel_loop3A_401, %parallel_loop3A_403 : vector<16xi32>
        %parallel_loop3A_405 = tpu.vector_load_idx %arg11[%parallel_loop3A_151, %parallel_loop3A_404] : memref<128x128xf32, #tpu.memory_space<vmem>>[vector<16xi32>, vector<16xi32>], vector<16xf32>,
        %parallel_loop3A_406 = tpu.vector_load_idx %arg12[%parallel_loop3A_151, %parallel_loop3A_404] : memref<128x128xf32, #tpu.memory_space<vmem>>[vector<16xi32>, vector<16xi32>], vector<16xf32>,
        %parallel_loop3A_407 = tpu.vector_load_idx %arg13[%parallel_loop3A_151, %parallel_loop3A_404] : memref<128x128xf32, #tpu.memory_space<vmem>>[vector<16xi32>, vector<16xi32>], vector<16xf32>,
        %parallel_loop3A_408 = arith.addf %parallel_loop3A_405, %parallel_loop3A_406 : vector<16xf32>
        %parallel_loop3A_409 = arith.subf %parallel_loop3A_408, %parallel_loop3A_407 : vector<16xf32>
        %parallel_loop3A_410 = math.absf %parallel_loop3A_409 : vector<16xf32>
        %parallel_loop3A_411 = arith.addf %parallel_loop3A_379, %parallel_loop3A_410 : vector<16xf32>
        %parallel_loop3A_412 = arith.constant 16 : i32
        %parallel_loop3A_413 = arith.muli %scan3A, %parallel_loop3A_412 : i32
        %parallel_loop3A_414 = arith.constant 15 : i32
        %parallel_loop3A_415 = arith.addi %parallel_loop3A_413, %parallel_loop3A_414 : i32
        %parallel_loop3A_416 = vector.broadcast %parallel_loop3A_415 : i32 to vector<16xi32>
        %parallel_loop3A_417 = arith.addi %iota3A, %parallel_loop3A_416 : vector<16xi32>
        %parallel_loop3A_418 = arith.constant 127 : i32
        %parallel_loop3A_419 = vector.broadcast %parallel_loop3A_418 : i32 to vector<16xi32>
        %parallel_loop3A_420 = arith.andi %parallel_loop3A_417, %parallel_loop3A_419 : vector<16xi32>
        %parallel_loop3A_421 = tpu.vector_load_idx %arg11[%parallel_loop3A_151, %parallel_loop3A_420] : memref<128x128xf32, #tpu.memory_space<vmem>>[vector<16xi32>, vector<16xi32>], vector<16xf32>,
        %parallel_loop3A_422 = tpu.vector_load_idx %arg12[%parallel_loop3A_151, %parallel_loop3A_420] : memref<128x128xf32, #tpu.memory_space<vmem>>[vector<16xi32>, vector<16xi32>], vector<16xf32>,
        %parallel_loop3A_423 = tpu.vector_load_idx %arg13[%parallel_loop3A_151, %parallel_loop3A_420] : memref<128x128xf32, #tpu.memory_space<vmem>>[vector<16xi32>, vector<16xi32>], vector<16xf32>,
        %parallel_loop3A_424 = arith.addf %parallel_loop3A_421, %parallel_loop3A_422 : vector<16xf32>
        %parallel_loop3A_425 = arith.subf %parallel_loop3A_424, %parallel_loop3A_423 : vector<16xf32>
        %parallel_loop3A_426 = math.absf %parallel_loop3A_425 : vector<16xf32>
        %parallel_loop3A_427 = arith.addf %parallel_loop3A_395, %parallel_loop3A_426 : vector<16xf32>
        scf.yield %parallel_loop3A_411, %parallel_loop3A_427 : vector<16xf32>, vector<16xf32>
      }
      %parallel_loop3A_159 = arith.constant 8 : i32
      %parallel_loop3A_160 = arith.addf %parallel_loop3A_158#0, %parallel_loop3A_158#1 : vector<16xf32>
      %parallel_loop3A_161 = arith.constant 0.000000e+00 : f32
      %parallel_loop3A_162 = vector.broadcast %parallel_loop3A_161 : f32 to vector<16xf32>
      %parallel_loop3A_163 = arith.subf %parallel_loop3A_162, %parallel_loop3A_160 : vector<16xf32>
      %parallel_loop3A_164 = arith.constant 16 : i32
      %parallel_loop3A_165 = arith.muli %parallel_loop3A_147, %parallel_loop3A_164 : i32
      %parallel_loop3A_166 = arith.constant 0 : i32
      %parallel_loop3A_167 = arith.addi %parallel_loop3A_166, %parallel_loop3A_165 : i32
      %parallel_loop3A_168 = arith.index_cast %parallel_loop3A_167 : i32 to index
      %parallel_loop3A_169 = tpu.vector_load %arg17[%parallel_loop3A_168] {strides = array<i32>} : memref<512xf32, #tpu.memory_space<vmem>>, vector<16xf32>,
      tpu.vector_store %arg17[%parallel_loop3A_168], %parallel_loop3A_163 {strides = array<i32>} : memref<512xf32, #tpu.memory_space<vmem>>, vector<16xf32>,
    } {sc.loop_unroll_factor = 2 : i64, sc.parallel_access}
    %dma_wait3A_60 = arith.constant 128 : i32
    %dma_wait3A_61 = tpu.memref_slice %arg8[%dma_wait3A_60] : memref<512xi32, #tpu.memory_space<vmem>> -> memref<128xi32, #tpu.memory_space<vmem>>
    %dma_wait3A_62 = arith.constant 0 : i32
    %dma_wait3A_63 = arith.constant 0 : i32
    %dma_wait3A_64 = tpu.memref_slice %arg5[%dma_wait3A_62, %dma_wait3A_63] : memref<100000x128xf32, #tpu.memory_space<hbm>> -> memref<100000x128xf32, #tpu.memory_space<hbm>>
    tpu.wait_indirect_dma semaphore(%arg19 : memref<!tpu.dma_semaphore, #tpu.memory_space<semaphore_mem>>) src(%dma_wait3A_64 : memref<100000x128xf32, #tpu.memory_space<hbm>>) dst(%arg14 : memref<128x128xf32, #tpu.memory_space<vmem>>)
    %dma_wait3A_65 = arith.constant 128 : i32
    %dma_wait3A_66 = tpu.memref_slice %arg9[%dma_wait3A_65] : memref<512xi32, #tpu.memory_space<vmem>> -> memref<128xi32, #tpu.memory_space<vmem>>
    %dma_wait3A_67 = arith.constant 0 : i32
    %dma_wait3A_68 = arith.constant 0 : i32
    %dma_wait3A_69 = tpu.memref_slice %arg6[%dma_wait3A_67, %dma_wait3A_68] : memref<1000x128xf32, #tpu.memory_space<hbm>> -> memref<1000x128xf32, #tpu.memory_space<hbm>>
    tpu.wait_indirect_dma semaphore(%arg19 : memref<!tpu.dma_semaphore, #tpu.memory_space<semaphore_mem>>) src(%dma_wait3A_69 : memref<1000x128xf32, #tpu.memory_space<hbm>>) dst(%arg15 : memref<128x128xf32, #tpu.memory_space<vmem>>)
    %dma_wait3A_70 = arith.constant 128 : i32
    %dma_wait3A_71 = tpu.memref_slice %arg10[%dma_wait3A_70] : memref<512xi32, #tpu.memory_space<vmem>> -> memref<128xi32, #tpu.memory_space<vmem>>
    %dma_wait3A_72 = arith.constant 0 : i32
    %dma_wait3A_73 = arith.constant 0 : i32
    %dma_wait3A_74 = tpu.memref_slice %arg5[%dma_wait3A_72, %dma_wait3A_73] : memref<100000x128xf32, #tpu.memory_space<hbm>> -> memref<100000x128xf32, #tpu.memory_space<hbm>>
    tpu.wait_indirect_dma semaphore(%arg19 : memref<!tpu.dma_semaphore, #tpu.memory_space<semaphore_mem>>) src(%dma_wait3A_74 : memref<100000x128xf32, #tpu.memory_space<hbm>>) dst(%arg16 : memref<128x128xf32, #tpu.memory_space<vmem>>)
    %dma_start3A_75 = arith.constant 256 : i32
    %dma_start3A_76 = tpu.memref_slice %arg8[%dma_start3A_75] : memref<512xi32, #tpu.memory_space<vmem>> -> memref<128xi32, #tpu.memory_space<vmem>>
    %dma_start3A_77 = arith.constant 0 : i32
    %dma_start3A_78 = arith.constant 0 : i32
    %dma_start3A_79 = tpu.memref_slice %arg5[%dma_start3A_77, %dma_start3A_78] : memref<100000x128xf32, #tpu.memory_space<hbm>> -> memref<100000x128xf32, #tpu.memory_space<hbm>>
    tpu.enqueue_indirect_dma source(%dma_start3A_79 : memref<100000x128xf32, #tpu.memory_space<hbm>>) target(%arg11 : memref<128x128xf32, #tpu.memory_space<vmem>>) offsets(%dma_start3A_76 : memref<128xi32, #tpu.memory_space<vmem>>) semaphore(%arg18 : memref<!tpu.dma_semaphore, #tpu.memory_space<semaphore_mem>>)
    %dma_start3A_80 = arith.constant 256 : i32
    %dma_start3A_81 = tpu.memref_slice %arg9[%dma_start3A_80] : memref<512xi32, #tpu.memory_space<vmem>> -> memref<128xi32, #tpu.memory_space<vmem>>
    %dma_start3A_82 = arith.constant 0 : i32
    %dma_start3A_83 = arith.constant 0 : i32
    %dma_start3A_84 = tpu.memref_slice %arg6[%dma_start3A_82, %dma_start3A_83] : memref<1000x128xf32, #tpu.memory_space<hbm>> -> memref<1000x128xf32, #tpu.memory_space<hbm>>
    tpu.enqueue_indirect_dma source(%dma_start3A_84 : memref<1000x128xf32, #tpu.memory_space<hbm>>) target(%arg12 : memref<128x128xf32, #tpu.memory_space<vmem>>) offsets(%dma_start3A_81 : memref<128xi32, #tpu.memory_space<vmem>>) semaphore(%arg18 : memref<!tpu.dma_semaphore, #tpu.memory_space<semaphore_mem>>)
    %dma_start3A_85 = arith.constant 256 : i32
    %dma_start3A_86 = tpu.memref_slice %arg10[%dma_start3A_85] : memref<512xi32, #tpu.memory_space<vmem>> -> memref<128xi32, #tpu.memory_space<vmem>>
    %dma_start3A_87 = arith.constant 0 : i32
    %dma_start3A_88 = arith.constant 0 : i32
    %dma_start3A_89 = tpu.memref_slice %arg5[%dma_start3A_87, %dma_start3A_88] : memref<100000x128xf32, #tpu.memory_space<hbm>> -> memref<100000x128xf32, #tpu.memory_space<hbm>>
    tpu.enqueue_indirect_dma source(%dma_start3A_89 : memref<100000x128xf32, #tpu.memory_space<hbm>>) target(%arg13 : memref<128x128xf32, #tpu.memory_space<vmem>>) offsets(%dma_start3A_86 : memref<128xi32, #tpu.memory_space<vmem>>) semaphore(%arg18 : memref<!tpu.dma_semaphore, #tpu.memory_space<semaphore_mem>>)
    %iota3A_90 = tpu.iota {dimensions = array<i32: 0>} : vector<16xi32>
    %parallel_loop3A_91 = arith.constant 0 : i32
    %parallel_loop3A_92 = arith.constant 8 : i32
    %parallel_loop3A_93 = arith.constant 1 : i32
    scf.for %parallel_loop3A_147 = %parallel_loop3A_91 to %parallel_loop3A_92 step %parallel_loop3A_93  : i32 {
      %parallel_loop3A_148 = arith.constant 16 : i32
      %parallel_loop3A_149 = arith.muli %parallel_loop3A_147, %parallel_loop3A_148 : i32
      %parallel_loop3A_150 = vector.broadcast %parallel_loop3A_149 : i32 to vector<16xi32>
      %parallel_loop3A_151 = arith.addi %parallel_loop3A_150, %iota3A_90 : vector<16xi32>
      %parallel_loop3A_152 = arith.constant 0.000000e+00 : f32
      %parallel_loop3A_153 = vector.broadcast %parallel_loop3A_152 : f32 to vector<16xf32>
      %parallel_loop3A_154 = arith.constant 0 : i32
      %parallel_loop3A_155 = arith.constant 8 : i32
      %parallel_loop3A_156 = arith.addi %parallel_loop3A_154, %parallel_loop3A_155 : i32
      %parallel_loop3A_157 = arith.constant 1 : i32
      %parallel_loop3A_158:2 = scf.for %scan3A = %parallel_loop3A_154 to %parallel_loop3A_156 step %parallel_loop3A_157 iter_args(%scan3A_170 = %parallel_loop3A_153, %scan3A_171 = %parallel_loop3A_153) -> (vector<16xf32>, vector<16xf32>)  : i32 {
        %parallel_loop3A_172 = arith.constant 16 : i32
        %parallel_loop3A_173 = arith.muli %scan3A, %parallel_loop3A_172 : i32
        %parallel_loop3A_174 = arith.constant 0 : i32
        %parallel_loop3A_175 = arith.addi %parallel_loop3A_173, %parallel_loop3A_174 : i32
        %parallel_loop3A_176 = vector.broadcast %parallel_loop3A_175 : i32 to vector<16xi32>
        %parallel_loop3A_177 = arith.addi %iota3A_90, %parallel_loop3A_176 : vector<16xi32>
        %parallel_loop3A_178 = arith.constant 127 : i32
        %parallel_loop3A_179 = vector.broadcast %parallel_loop3A_178 : i32 to vector<16xi32>
        %parallel_loop3A_180 = arith.andi %parallel_loop3A_177, %parallel_loop3A_179 : vector<16xi32>
        %parallel_loop3A_181 = tpu.vector_load_idx %arg14[%parallel_loop3A_151, %parallel_loop3A_180] : memref<128x128xf32, #tpu.memory_space<vmem>>[vector<16xi32>, vector<16xi32>], vector<16xf32>,
        %parallel_loop3A_182 = tpu.vector_load_idx %arg15[%parallel_loop3A_151, %parallel_loop3A_180] : memref<128x128xf32, #tpu.memory_space<vmem>>[vector<16xi32>, vector<16xi32>], vector<16xf32>,
        %parallel_loop3A_183 = tpu.vector_load_idx %arg16[%parallel_loop3A_151, %parallel_loop3A_180] : memref<128x128xf32, #tpu.memory_space<vmem>>[vector<16xi32>, vector<16xi32>], vector<16xf32>,
        %parallel_loop3A_184 = arith.addf %parallel_loop3A_181, %parallel_loop3A_182 : vector<16xf32>
        %parallel_loop3A_185 = arith.subf %parallel_loop3A_184, %parallel_loop3A_183 : vector<16xf32>
        %parallel_loop3A_186 = math.absf %parallel_loop3A_185 : vector<16xf32>
        %parallel_loop3A_187 = arith.addf %scan3A_170, %parallel_loop3A_186 : vector<16xf32>
        %parallel_loop3A_188 = arith.constant 16 : i32
        %parallel_loop3A_189 = arith.muli %scan3A, %parallel_loop3A_188 : i32
        %parallel_loop3A_190 = arith.constant 1 : i32
        %parallel_loop3A_191 = arith.addi %parallel_loop3A_189, %parallel_loop3A_190 : i32
        %parallel_loop3A_192 = vector.broadcast %parallel_loop3A_191 : i32 to vector<16xi32>
        %parallel_loop3A_193 = arith.addi %iota3A_90, %parallel_loop3A_192 : vector<16xi32>
        %parallel_loop3A_194 = arith.constant 127 : i32
        %parallel_loop3A_195 = vector.broadcast %parallel_loop3A_194 : i32 to vector<16xi32>
        %parallel_loop3A_196 = arith.andi %parallel_loop3A_193, %parallel_loop3A_195 : vector<16xi32>
        %parallel_loop3A_197 = tpu.vector_load_idx %arg14[%parallel_loop3A_151, %parallel_loop3A_196] : memref<128x128xf32, #tpu.memory_space<vmem>>[vector<16xi32>, vector<16xi32>], vector<16xf32>,
        %parallel_loop3A_198 = tpu.vector_load_idx %arg15[%parallel_loop3A_151, %parallel_loop3A_196] : memref<128x128xf32, #tpu.memory_space<vmem>>[vector<16xi32>, vector<16xi32>], vector<16xf32>,
        %parallel_loop3A_199 = tpu.vector_load_idx %arg16[%parallel_loop3A_151, %parallel_loop3A_196] : memref<128x128xf32, #tpu.memory_space<vmem>>[vector<16xi32>, vector<16xi32>], vector<16xf32>,
        %parallel_loop3A_200 = arith.addf %parallel_loop3A_197, %parallel_loop3A_198 : vector<16xf32>
        %parallel_loop3A_201 = arith.subf %parallel_loop3A_200, %parallel_loop3A_199 : vector<16xf32>
        %parallel_loop3A_202 = math.absf %parallel_loop3A_201 : vector<16xf32>
        %parallel_loop3A_203 = arith.addf %scan3A_171, %parallel_loop3A_202 : vector<16xf32>
        %parallel_loop3A_204 = arith.constant 16 : i32
        %parallel_loop3A_205 = arith.muli %scan3A, %parallel_loop3A_204 : i32
        %parallel_loop3A_206 = arith.constant 2 : i32
        %parallel_loop3A_207 = arith.addi %parallel_loop3A_205, %parallel_loop3A_206 : i32
        %parallel_loop3A_208 = vector.broadcast %parallel_loop3A_207 : i32 to vector<16xi32>
        %parallel_loop3A_209 = arith.addi %iota3A_90, %parallel_loop3A_208 : vector<16xi32>
        %parallel_loop3A_210 = arith.constant 127 : i32
        %parallel_loop3A_211 = vector.broadcast %parallel_loop3A_210 : i32 to vector<16xi32>
        %parallel_loop3A_212 = arith.andi %parallel_loop3A_209, %parallel_loop3A_211 : vector<16xi32>
        %parallel_loop3A_213 = tpu.vector_load_idx %arg14[%parallel_loop3A_151, %parallel_loop3A_212] : memref<128x128xf32, #tpu.memory_space<vmem>>[vector<16xi32>, vector<16xi32>], vector<16xf32>,
        %parallel_loop3A_214 = tpu.vector_load_idx %arg15[%parallel_loop3A_151, %parallel_loop3A_212] : memref<128x128xf32, #tpu.memory_space<vmem>>[vector<16xi32>, vector<16xi32>], vector<16xf32>,
        %parallel_loop3A_215 = tpu.vector_load_idx %arg16[%parallel_loop3A_151, %parallel_loop3A_212] : memref<128x128xf32, #tpu.memory_space<vmem>>[vector<16xi32>, vector<16xi32>], vector<16xf32>,
        %parallel_loop3A_216 = arith.addf %parallel_loop3A_213, %parallel_loop3A_214 : vector<16xf32>
        %parallel_loop3A_217 = arith.subf %parallel_loop3A_216, %parallel_loop3A_215 : vector<16xf32>
        %parallel_loop3A_218 = math.absf %parallel_loop3A_217 : vector<16xf32>
        %parallel_loop3A_219 = arith.addf %parallel_loop3A_187, %parallel_loop3A_218 : vector<16xf32>
        %parallel_loop3A_220 = arith.constant 16 : i32
        %parallel_loop3A_221 = arith.muli %scan3A, %parallel_loop3A_220 : i32
        %parallel_loop3A_222 = arith.constant 3 : i32
        %parallel_loop3A_223 = arith.addi %parallel_loop3A_221, %parallel_loop3A_222 : i32
        %parallel_loop3A_224 = vector.broadcast %parallel_loop3A_223 : i32 to vector<16xi32>
        %parallel_loop3A_225 = arith.addi %iota3A_90, %parallel_loop3A_224 : vector<16xi32>
        %parallel_loop3A_226 = arith.constant 127 : i32
        %parallel_loop3A_227 = vector.broadcast %parallel_loop3A_226 : i32 to vector<16xi32>
        %parallel_loop3A_228 = arith.andi %parallel_loop3A_225, %parallel_loop3A_227 : vector<16xi32>
        %parallel_loop3A_229 = tpu.vector_load_idx %arg14[%parallel_loop3A_151, %parallel_loop3A_228] : memref<128x128xf32, #tpu.memory_space<vmem>>[vector<16xi32>, vector<16xi32>], vector<16xf32>,
        %parallel_loop3A_230 = tpu.vector_load_idx %arg15[%parallel_loop3A_151, %parallel_loop3A_228] : memref<128x128xf32, #tpu.memory_space<vmem>>[vector<16xi32>, vector<16xi32>], vector<16xf32>,
        %parallel_loop3A_231 = tpu.vector_load_idx %arg16[%parallel_loop3A_151, %parallel_loop3A_228] : memref<128x128xf32, #tpu.memory_space<vmem>>[vector<16xi32>, vector<16xi32>], vector<16xf32>,
        %parallel_loop3A_232 = arith.addf %parallel_loop3A_229, %parallel_loop3A_230 : vector<16xf32>
        %parallel_loop3A_233 = arith.subf %parallel_loop3A_232, %parallel_loop3A_231 : vector<16xf32>
        %parallel_loop3A_234 = math.absf %parallel_loop3A_233 : vector<16xf32>
        %parallel_loop3A_235 = arith.addf %parallel_loop3A_203, %parallel_loop3A_234 : vector<16xf32>
        %parallel_loop3A_236 = arith.constant 16 : i32
        %parallel_loop3A_237 = arith.muli %scan3A, %parallel_loop3A_236 : i32
        %parallel_loop3A_238 = arith.constant 4 : i32
        %parallel_loop3A_239 = arith.addi %parallel_loop3A_237, %parallel_loop3A_238 : i32
        %parallel_loop3A_240 = vector.broadcast %parallel_loop3A_239 : i32 to vector<16xi32>
        %parallel_loop3A_241 = arith.addi %iota3A_90, %parallel_loop3A_240 : vector<16xi32>
        %parallel_loop3A_242 = arith.constant 127 : i32
        %parallel_loop3A_243 = vector.broadcast %parallel_loop3A_242 : i32 to vector<16xi32>
        %parallel_loop3A_244 = arith.andi %parallel_loop3A_241, %parallel_loop3A_243 : vector<16xi32>
        %parallel_loop3A_245 = tpu.vector_load_idx %arg14[%parallel_loop3A_151, %parallel_loop3A_244] : memref<128x128xf32, #tpu.memory_space<vmem>>[vector<16xi32>, vector<16xi32>], vector<16xf32>,
        %parallel_loop3A_246 = tpu.vector_load_idx %arg15[%parallel_loop3A_151, %parallel_loop3A_244] : memref<128x128xf32, #tpu.memory_space<vmem>>[vector<16xi32>, vector<16xi32>], vector<16xf32>,
        %parallel_loop3A_247 = tpu.vector_load_idx %arg16[%parallel_loop3A_151, %parallel_loop3A_244] : memref<128x128xf32, #tpu.memory_space<vmem>>[vector<16xi32>, vector<16xi32>], vector<16xf32>,
        %parallel_loop3A_248 = arith.addf %parallel_loop3A_245, %parallel_loop3A_246 : vector<16xf32>
        %parallel_loop3A_249 = arith.subf %parallel_loop3A_248, %parallel_loop3A_247 : vector<16xf32>
        %parallel_loop3A_250 = math.absf %parallel_loop3A_249 : vector<16xf32>
        %parallel_loop3A_251 = arith.addf %parallel_loop3A_219, %parallel_loop3A_250 : vector<16xf32>
        %parallel_loop3A_252 = arith.constant 16 : i32
        %parallel_loop3A_253 = arith.muli %scan3A, %parallel_loop3A_252 : i32
        %parallel_loop3A_254 = arith.constant 5 : i32
        %parallel_loop3A_255 = arith.addi %parallel_loop3A_253, %parallel_loop3A_254 : i32
        %parallel_loop3A_256 = vector.broadcast %parallel_loop3A_255 : i32 to vector<16xi32>
        %parallel_loop3A_257 = arith.addi %iota3A_90, %parallel_loop3A_256 : vector<16xi32>
        %parallel_loop3A_258 = arith.constant 127 : i32
        %parallel_loop3A_259 = vector.broadcast %parallel_loop3A_258 : i32 to vector<16xi32>
        %parallel_loop3A_260 = arith.andi %parallel_loop3A_257, %parallel_loop3A_259 : vector<16xi32>
        %parallel_loop3A_261 = tpu.vector_load_idx %arg14[%parallel_loop3A_151, %parallel_loop3A_260] : memref<128x128xf32, #tpu.memory_space<vmem>>[vector<16xi32>, vector<16xi32>], vector<16xf32>,
        %parallel_loop3A_262 = tpu.vector_load_idx %arg15[%parallel_loop3A_151, %parallel_loop3A_260] : memref<128x128xf32, #tpu.memory_space<vmem>>[vector<16xi32>, vector<16xi32>], vector<16xf32>,
        %parallel_loop3A_263 = tpu.vector_load_idx %arg16[%parallel_loop3A_151, %parallel_loop3A_260] : memref<128x128xf32, #tpu.memory_space<vmem>>[vector<16xi32>, vector<16xi32>], vector<16xf32>,
        %parallel_loop3A_264 = arith.addf %parallel_loop3A_261, %parallel_loop3A_262 : vector<16xf32>
        %parallel_loop3A_265 = arith.subf %parallel_loop3A_264, %parallel_loop3A_263 : vector<16xf32>
        %parallel_loop3A_266 = math.absf %parallel_loop3A_265 : vector<16xf32>
        %parallel_loop3A_267 = arith.addf %parallel_loop3A_235, %parallel_loop3A_266 : vector<16xf32>
        %parallel_loop3A_268 = arith.constant 16 : i32
        %parallel_loop3A_269 = arith.muli %scan3A, %parallel_loop3A_268 : i32
        %parallel_loop3A_270 = arith.constant 6 : i32
        %parallel_loop3A_271 = arith.addi %parallel_loop3A_269, %parallel_loop3A_270 : i32
        %parallel_loop3A_272 = vector.broadcast %parallel_loop3A_271 : i32 to vector<16xi32>
        %parallel_loop3A_273 = arith.addi %iota3A_90, %parallel_loop3A_272 : vector<16xi32>
        %parallel_loop3A_274 = arith.constant 127 : i32
        %parallel_loop3A_275 = vector.broadcast %parallel_loop3A_274 : i32 to vector<16xi32>
        %parallel_loop3A_276 = arith.andi %parallel_loop3A_273, %parallel_loop3A_275 : vector<16xi32>
        %parallel_loop3A_277 = tpu.vector_load_idx %arg14[%parallel_loop3A_151, %parallel_loop3A_276] : memref<128x128xf32, #tpu.memory_space<vmem>>[vector<16xi32>, vector<16xi32>], vector<16xf32>,
        %parallel_loop3A_278 = tpu.vector_load_idx %arg15[%parallel_loop3A_151, %parallel_loop3A_276] : memref<128x128xf32, #tpu.memory_space<vmem>>[vector<16xi32>, vector<16xi32>], vector<16xf32>,
        %parallel_loop3A_279 = tpu.vector_load_idx %arg16[%parallel_loop3A_151, %parallel_loop3A_276] : memref<128x128xf32, #tpu.memory_space<vmem>>[vector<16xi32>, vector<16xi32>], vector<16xf32>,
        %parallel_loop3A_280 = arith.addf %parallel_loop3A_277, %parallel_loop3A_278 : vector<16xf32>
        %parallel_loop3A_281 = arith.subf %parallel_loop3A_280, %parallel_loop3A_279 : vector<16xf32>
        %parallel_loop3A_282 = math.absf %parallel_loop3A_281 : vector<16xf32>
        %parallel_loop3A_283 = arith.addf %parallel_loop3A_251, %parallel_loop3A_282 : vector<16xf32>
        %parallel_loop3A_284 = arith.constant 16 : i32
        %parallel_loop3A_285 = arith.muli %scan3A, %parallel_loop3A_284 : i32
        %parallel_loop3A_286 = arith.constant 7 : i32
        %parallel_loop3A_287 = arith.addi %parallel_loop3A_285, %parallel_loop3A_286 : i32
        %parallel_loop3A_288 = vector.broadcast %parallel_loop3A_287 : i32 to vector<16xi32>
        %parallel_loop3A_289 = arith.addi %iota3A_90, %parallel_loop3A_288 : vector<16xi32>
        %parallel_loop3A_290 = arith.constant 127 : i32
        %parallel_loop3A_291 = vector.broadcast %parallel_loop3A_290 : i32 to vector<16xi32>
        %parallel_loop3A_292 = arith.andi %parallel_loop3A_289, %parallel_loop3A_291 : vector<16xi32>
        %parallel_loop3A_293 = tpu.vector_load_idx %arg14[%parallel_loop3A_151, %parallel_loop3A_292] : memref<128x128xf32, #tpu.memory_space<vmem>>[vector<16xi32>, vector<16xi32>], vector<16xf32>,
        %parallel_loop3A_294 = tpu.vector_load_idx %arg15[%parallel_loop3A_151, %parallel_loop3A_292] : memref<128x128xf32, #tpu.memory_space<vmem>>[vector<16xi32>, vector<16xi32>], vector<16xf32>,
        %parallel_loop3A_295 = tpu.vector_load_idx %arg16[%parallel_loop3A_151, %parallel_loop3A_292] : memref<128x128xf32, #tpu.memory_space<vmem>>[vector<16xi32>, vector<16xi32>], vector<16xf32>,
        %parallel_loop3A_296 = arith.addf %parallel_loop3A_293, %parallel_loop3A_294 : vector<16xf32>
        %parallel_loop3A_297 = arith.subf %parallel_loop3A_296, %parallel_loop3A_295 : vector<16xf32>
        %parallel_loop3A_298 = math.absf %parallel_loop3A_297 : vector<16xf32>
        %parallel_loop3A_299 = arith.addf %parallel_loop3A_267, %parallel_loop3A_298 : vector<16xf32>
        %parallel_loop3A_300 = arith.constant 16 : i32
        %parallel_loop3A_301 = arith.muli %scan3A, %parallel_loop3A_300 : i32
        %parallel_loop3A_302 = arith.constant 8 : i32
        %parallel_loop3A_303 = arith.addi %parallel_loop3A_301, %parallel_loop3A_302 : i32
        %parallel_loop3A_304 = vector.broadcast %parallel_loop3A_303 : i32 to vector<16xi32>
        %parallel_loop3A_305 = arith.addi %iota3A_90, %parallel_loop3A_304 : vector<16xi32>
        %parallel_loop3A_306 = arith.constant 127 : i32
        %parallel_loop3A_307 = vector.broadcast %parallel_loop3A_306 : i32 to vector<16xi32>
        %parallel_loop3A_308 = arith.andi %parallel_loop3A_305, %parallel_loop3A_307 : vector<16xi32>
        %parallel_loop3A_309 = tpu.vector_load_idx %arg14[%parallel_loop3A_151, %parallel_loop3A_308] : memref<128x128xf32, #tpu.memory_space<vmem>>[vector<16xi32>, vector<16xi32>], vector<16xf32>,
        %parallel_loop3A_310 = tpu.vector_load_idx %arg15[%parallel_loop3A_151, %parallel_loop3A_308] : memref<128x128xf32, #tpu.memory_space<vmem>>[vector<16xi32>, vector<16xi32>], vector<16xf32>,
        %parallel_loop3A_311 = tpu.vector_load_idx %arg16[%parallel_loop3A_151, %parallel_loop3A_308] : memref<128x128xf32, #tpu.memory_space<vmem>>[vector<16xi32>, vector<16xi32>], vector<16xf32>,
        %parallel_loop3A_312 = arith.addf %parallel_loop3A_309, %parallel_loop3A_310 : vector<16xf32>
        %parallel_loop3A_313 = arith.subf %parallel_loop3A_312, %parallel_loop3A_311 : vector<16xf32>
        %parallel_loop3A_314 = math.absf %parallel_loop3A_313 : vector<16xf32>
        %parallel_loop3A_315 = arith.addf %parallel_loop3A_283, %parallel_loop3A_314 : vector<16xf32>
        %parallel_loop3A_316 = arith.constant 16 : i32
        %parallel_loop3A_317 = arith.muli %scan3A, %parallel_loop3A_316 : i32
        %parallel_loop3A_318 = arith.constant 9 : i32
        %parallel_loop3A_319 = arith.addi %parallel_loop3A_317, %parallel_loop3A_318 : i32
        %parallel_loop3A_320 = vector.broadcast %parallel_loop3A_319 : i32 to vector<16xi32>
        %parallel_loop3A_321 = arith.addi %iota3A_90, %parallel_loop3A_320 : vector<16xi32>
        %parallel_loop3A_322 = arith.constant 127 : i32
        %parallel_loop3A_323 = vector.broadcast %parallel_loop3A_322 : i32 to vector<16xi32>
        %parallel_loop3A_324 = arith.andi %parallel_loop3A_321, %parallel_loop3A_323 : vector<16xi32>
        %parallel_loop3A_325 = tpu.vector_load_idx %arg14[%parallel_loop3A_151, %parallel_loop3A_324] : memref<128x128xf32, #tpu.memory_space<vmem>>[vector<16xi32>, vector<16xi32>], vector<16xf32>,
        %parallel_loop3A_326 = tpu.vector_load_idx %arg15[%parallel_loop3A_151, %parallel_loop3A_324] : memref<128x128xf32, #tpu.memory_space<vmem>>[vector<16xi32>, vector<16xi32>], vector<16xf32>,
        %parallel_loop3A_327 = tpu.vector_load_idx %arg16[%parallel_loop3A_151, %parallel_loop3A_324] : memref<128x128xf32, #tpu.memory_space<vmem>>[vector<16xi32>, vector<16xi32>], vector<16xf32>,
        %parallel_loop3A_328 = arith.addf %parallel_loop3A_325, %parallel_loop3A_326 : vector<16xf32>
        %parallel_loop3A_329 = arith.subf %parallel_loop3A_328, %parallel_loop3A_327 : vector<16xf32>
        %parallel_loop3A_330 = math.absf %parallel_loop3A_329 : vector<16xf32>
        %parallel_loop3A_331 = arith.addf %parallel_loop3A_299, %parallel_loop3A_330 : vector<16xf32>
        %parallel_loop3A_332 = arith.constant 16 : i32
        %parallel_loop3A_333 = arith.muli %scan3A, %parallel_loop3A_332 : i32
        %parallel_loop3A_334 = arith.constant 10 : i32
        %parallel_loop3A_335 = arith.addi %parallel_loop3A_333, %parallel_loop3A_334 : i32
        %parallel_loop3A_336 = vector.broadcast %parallel_loop3A_335 : i32 to vector<16xi32>
        %parallel_loop3A_337 = arith.addi %iota3A_90, %parallel_loop3A_336 : vector<16xi32>
        %parallel_loop3A_338 = arith.constant 127 : i32
        %parallel_loop3A_339 = vector.broadcast %parallel_loop3A_338 : i32 to vector<16xi32>
        %parallel_loop3A_340 = arith.andi %parallel_loop3A_337, %parallel_loop3A_339 : vector<16xi32>
        %parallel_loop3A_341 = tpu.vector_load_idx %arg14[%parallel_loop3A_151, %parallel_loop3A_340] : memref<128x128xf32, #tpu.memory_space<vmem>>[vector<16xi32>, vector<16xi32>], vector<16xf32>,
        %parallel_loop3A_342 = tpu.vector_load_idx %arg15[%parallel_loop3A_151, %parallel_loop3A_340] : memref<128x128xf32, #tpu.memory_space<vmem>>[vector<16xi32>, vector<16xi32>], vector<16xf32>,
        %parallel_loop3A_343 = tpu.vector_load_idx %arg16[%parallel_loop3A_151, %parallel_loop3A_340] : memref<128x128xf32, #tpu.memory_space<vmem>>[vector<16xi32>, vector<16xi32>], vector<16xf32>,
        %parallel_loop3A_344 = arith.addf %parallel_loop3A_341, %parallel_loop3A_342 : vector<16xf32>
        %parallel_loop3A_345 = arith.subf %parallel_loop3A_344, %parallel_loop3A_343 : vector<16xf32>
        %parallel_loop3A_346 = math.absf %parallel_loop3A_345 : vector<16xf32>
        %parallel_loop3A_347 = arith.addf %parallel_loop3A_315, %parallel_loop3A_346 : vector<16xf32>
        %parallel_loop3A_348 = arith.constant 16 : i32
        %parallel_loop3A_349 = arith.muli %scan3A, %parallel_loop3A_348 : i32
        %parallel_loop3A_350 = arith.constant 11 : i32
        %parallel_loop3A_351 = arith.addi %parallel_loop3A_349, %parallel_loop3A_350 : i32
        %parallel_loop3A_352 = vector.broadcast %parallel_loop3A_351 : i32 to vector<16xi32>
        %parallel_loop3A_353 = arith.addi %iota3A_90, %parallel_loop3A_352 : vector<16xi32>
        %parallel_loop3A_354 = arith.constant 127 : i32
        %parallel_loop3A_355 = vector.broadcast %parallel_loop3A_354 : i32 to vector<16xi32>
        %parallel_loop3A_356 = arith.andi %parallel_loop3A_353, %parallel_loop3A_355 : vector<16xi32>
        %parallel_loop3A_357 = tpu.vector_load_idx %arg14[%parallel_loop3A_151, %parallel_loop3A_356] : memref<128x128xf32, #tpu.memory_space<vmem>>[vector<16xi32>, vector<16xi32>], vector<16xf32>,
        %parallel_loop3A_358 = tpu.vector_load_idx %arg15[%parallel_loop3A_151, %parallel_loop3A_356] : memref<128x128xf32, #tpu.memory_space<vmem>>[vector<16xi32>, vector<16xi32>], vector<16xf32>,
        %parallel_loop3A_359 = tpu.vector_load_idx %arg16[%parallel_loop3A_151, %parallel_loop3A_356] : memref<128x128xf32, #tpu.memory_space<vmem>>[vector<16xi32>, vector<16xi32>], vector<16xf32>,
        %parallel_loop3A_360 = arith.addf %parallel_loop3A_357, %parallel_loop3A_358 : vector<16xf32>
        %parallel_loop3A_361 = arith.subf %parallel_loop3A_360, %parallel_loop3A_359 : vector<16xf32>
        %parallel_loop3A_362 = math.absf %parallel_loop3A_361 : vector<16xf32>
        %parallel_loop3A_363 = arith.addf %parallel_loop3A_331, %parallel_loop3A_362 : vector<16xf32>
        %parallel_loop3A_364 = arith.constant 16 : i32
        %parallel_loop3A_365 = arith.muli %scan3A, %parallel_loop3A_364 : i32
        %parallel_loop3A_366 = arith.constant 12 : i32
        %parallel_loop3A_367 = arith.addi %parallel_loop3A_365, %parallel_loop3A_366 : i32
        %parallel_loop3A_368 = vector.broadcast %parallel_loop3A_367 : i32 to vector<16xi32>
        %parallel_loop3A_369 = arith.addi %iota3A_90, %parallel_loop3A_368 : vector<16xi32>
        %parallel_loop3A_370 = arith.constant 127 : i32
        %parallel_loop3A_371 = vector.broadcast %parallel_loop3A_370 : i32 to vector<16xi32>
        %parallel_loop3A_372 = arith.andi %parallel_loop3A_369, %parallel_loop3A_371 : vector<16xi32>
        %parallel_loop3A_373 = tpu.vector_load_idx %arg14[%parallel_loop3A_151, %parallel_loop3A_372] : memref<128x128xf32, #tpu.memory_space<vmem>>[vector<16xi32>, vector<16xi32>], vector<16xf32>,
        %parallel_loop3A_374 = tpu.vector_load_idx %arg15[%parallel_loop3A_151, %parallel_loop3A_372] : memref<128x128xf32, #tpu.memory_space<vmem>>[vector<16xi32>, vector<16xi32>], vector<16xf32>,
        %parallel_loop3A_375 = tpu.vector_load_idx %arg16[%parallel_loop3A_151, %parallel_loop3A_372] : memref<128x128xf32, #tpu.memory_space<vmem>>[vector<16xi32>, vector<16xi32>], vector<16xf32>,
        %parallel_loop3A_376 = arith.addf %parallel_loop3A_373, %parallel_loop3A_374 : vector<16xf32>
        %parallel_loop3A_377 = arith.subf %parallel_loop3A_376, %parallel_loop3A_375 : vector<16xf32>
        %parallel_loop3A_378 = math.absf %parallel_loop3A_377 : vector<16xf32>
        %parallel_loop3A_379 = arith.addf %parallel_loop3A_347, %parallel_loop3A_378 : vector<16xf32>
        %parallel_loop3A_380 = arith.constant 16 : i32
        %parallel_loop3A_381 = arith.muli %scan3A, %parallel_loop3A_380 : i32
        %parallel_loop3A_382 = arith.constant 13 : i32
        %parallel_loop3A_383 = arith.addi %parallel_loop3A_381, %parallel_loop3A_382 : i32
        %parallel_loop3A_384 = vector.broadcast %parallel_loop3A_383 : i32 to vector<16xi32>
        %parallel_loop3A_385 = arith.addi %iota3A_90, %parallel_loop3A_384 : vector<16xi32>
        %parallel_loop3A_386 = arith.constant 127 : i32
        %parallel_loop3A_387 = vector.broadcast %parallel_loop3A_386 : i32 to vector<16xi32>
        %parallel_loop3A_388 = arith.andi %parallel_loop3A_385, %parallel_loop3A_387 : vector<16xi32>
        %parallel_loop3A_389 = tpu.vector_load_idx %arg14[%parallel_loop3A_151, %parallel_loop3A_388] : memref<128x128xf32, #tpu.memory_space<vmem>>[vector<16xi32>, vector<16xi32>], vector<16xf32>,
        %parallel_loop3A_390 = tpu.vector_load_idx %arg15[%parallel_loop3A_151, %parallel_loop3A_388] : memref<128x128xf32, #tpu.memory_space<vmem>>[vector<16xi32>, vector<16xi32>], vector<16xf32>,
        %parallel_loop3A_391 = tpu.vector_load_idx %arg16[%parallel_loop3A_151, %parallel_loop3A_388] : memref<128x128xf32, #tpu.memory_space<vmem>>[vector<16xi32>, vector<16xi32>], vector<16xf32>,
        %parallel_loop3A_392 = arith.addf %parallel_loop3A_389, %parallel_loop3A_390 : vector<16xf32>
        %parallel_loop3A_393 = arith.subf %parallel_loop3A_392, %parallel_loop3A_391 : vector<16xf32>
        %parallel_loop3A_394 = math.absf %parallel_loop3A_393 : vector<16xf32>
        %parallel_loop3A_395 = arith.addf %parallel_loop3A_363, %parallel_loop3A_394 : vector<16xf32>
        %parallel_loop3A_396 = arith.constant 16 : i32
        %parallel_loop3A_397 = arith.muli %scan3A, %parallel_loop3A_396 : i32
        %parallel_loop3A_398 = arith.constant 14 : i32
        %parallel_loop3A_399 = arith.addi %parallel_loop3A_397, %parallel_loop3A_398 : i32
        %parallel_loop3A_400 = vector.broadcast %parallel_loop3A_399 : i32 to vector<16xi32>
        %parallel_loop3A_401 = arith.addi %iota3A_90, %parallel_loop3A_400 : vector<16xi32>
        %parallel_loop3A_402 = arith.constant 127 : i32
        %parallel_loop3A_403 = vector.broadcast %parallel_loop3A_402 : i32 to vector<16xi32>
        %parallel_loop3A_404 = arith.andi %parallel_loop3A_401, %parallel_loop3A_403 : vector<16xi32>
        %parallel_loop3A_405 = tpu.vector_load_idx %arg14[%parallel_loop3A_151, %parallel_loop3A_404] : memref<128x128xf32, #tpu.memory_space<vmem>>[vector<16xi32>, vector<16xi32>], vector<16xf32>,
        %parallel_loop3A_406 = tpu.vector_load_idx %arg15[%parallel_loop3A_151, %parallel_loop3A_404] : memref<128x128xf32, #tpu.memory_space<vmem>>[vector<16xi32>, vector<16xi32>], vector<16xf32>,
        %parallel_loop3A_407 = tpu.vector_load_idx %arg16[%parallel_loop3A_151, %parallel_loop3A_404] : memref<128x128xf32, #tpu.memory_space<vmem>>[vector<16xi32>, vector<16xi32>], vector<16xf32>,
        %parallel_loop3A_408 = arith.addf %parallel_loop3A_405, %parallel_loop3A_406 : vector<16xf32>
        %parallel_loop3A_409 = arith.subf %parallel_loop3A_408, %parallel_loop3A_407 : vector<16xf32>
        %parallel_loop3A_410 = math.absf %parallel_loop3A_409 : vector<16xf32>
        %parallel_loop3A_411 = arith.addf %parallel_loop3A_379, %parallel_loop3A_410 : vector<16xf32>
        %parallel_loop3A_412 = arith.constant 16 : i32
        %parallel_loop3A_413 = arith.muli %scan3A, %parallel_loop3A_412 : i32
        %parallel_loop3A_414 = arith.constant 15 : i32
        %parallel_loop3A_415 = arith.addi %parallel_loop3A_413, %parallel_loop3A_414 : i32
        %parallel_loop3A_416 = vector.broadcast %parallel_loop3A_415 : i32 to vector<16xi32>
        %parallel_loop3A_417 = arith.addi %iota3A_90, %parallel_loop3A_416 : vector<16xi32>
        %parallel_loop3A_418 = arith.constant 127 : i32
        %parallel_loop3A_419 = vector.broadcast %parallel_loop3A_418 : i32 to vector<16xi32>
        %parallel_loop3A_420 = arith.andi %parallel_loop3A_417, %parallel_loop3A_419 : vector<16xi32>
        %parallel_loop3A_421 = tpu.vector_load_idx %arg14[%parallel_loop3A_151, %parallel_loop3A_420] : memref<128x128xf32, #tpu.memory_space<vmem>>[vector<16xi32>, vector<16xi32>], vector<16xf32>,
        %parallel_loop3A_422 = tpu.vector_load_idx %arg15[%parallel_loop3A_151, %parallel_loop3A_420] : memref<128x128xf32, #tpu.memory_space<vmem>>[vector<16xi32>, vector<16xi32>], vector<16xf32>,
        %parallel_loop3A_423 = tpu.vector_load_idx %arg16[%parallel_loop3A_151, %parallel_loop3A_420] : memref<128x128xf32, #tpu.memory_space<vmem>>[vector<16xi32>, vector<16xi32>], vector<16xf32>,
        %parallel_loop3A_424 = arith.addf %parallel_loop3A_421, %parallel_loop3A_422 : vector<16xf32>
        %parallel_loop3A_425 = arith.subf %parallel_loop3A_424, %parallel_loop3A_423 : vector<16xf32>
        %parallel_loop3A_426 = math.absf %parallel_loop3A_425 : vector<16xf32>
        %parallel_loop3A_427 = arith.addf %parallel_loop3A_395, %parallel_loop3A_426 : vector<16xf32>
        scf.yield %parallel_loop3A_411, %parallel_loop3A_427 : vector<16xf32>, vector<16xf32>
      }
      %parallel_loop3A_159 = arith.constant 8 : i32
      %parallel_loop3A_160 = arith.addf %parallel_loop3A_158#0, %parallel_loop3A_158#1 : vector<16xf32>
      %parallel_loop3A_161 = arith.constant 0.000000e+00 : f32
      %parallel_loop3A_162 = vector.broadcast %parallel_loop3A_161 : f32 to vector<16xf32>
      %parallel_loop3A_163 = arith.subf %parallel_loop3A_162, %parallel_loop3A_160 : vector<16xf32>
      %parallel_loop3A_164 = arith.constant 16 : i32
      %parallel_loop3A_165 = arith.muli %parallel_loop3A_147, %parallel_loop3A_164 : i32
      %parallel_loop3A_166 = arith.constant 128 : i32
      %parallel_loop3A_167 = arith.addi %parallel_loop3A_166, %parallel_loop3A_165 : i32
      %parallel_loop3A_168 = arith.index_cast %parallel_loop3A_167 : i32 to index
      %parallel_loop3A_169 = tpu.vector_load %arg17[%parallel_loop3A_168] {strides = array<i32>} : memref<512xf32, #tpu.memory_space<vmem>>, vector<16xf32>,
      tpu.vector_store %arg17[%parallel_loop3A_168], %parallel_loop3A_163 {strides = array<i32>} : memref<512xf32, #tpu.memory_space<vmem>>, vector<16xf32>,
    } {sc.loop_unroll_factor = 2 : i64, sc.parallel_access}
    %dma_wait3A_94 = arith.constant 256 : i32
    %dma_wait3A_95 = tpu.memref_slice %arg8[%dma_wait3A_94] : memref<512xi32, #tpu.memory_space<vmem>> -> memref<128xi32, #tpu.memory_space<vmem>>
    %dma_wait3A_96 = arith.constant 0 : i32
    %dma_wait3A_97 = arith.constant 0 : i32
    %dma_wait3A_98 = tpu.memref_slice %arg5[%dma_wait3A_96, %dma_wait3A_97] : memref<100000x128xf32, #tpu.memory_space<hbm>> -> memref<100000x128xf32, #tpu.memory_space<hbm>>
    tpu.wait_indirect_dma semaphore(%arg18 : memref<!tpu.dma_semaphore, #tpu.memory_space<semaphore_mem>>) src(%dma_wait3A_98 : memref<100000x128xf32, #tpu.memory_space<hbm>>) dst(%arg11 : memref<128x128xf32, #tpu.memory_space<vmem>>)
    %dma_wait3A_99 = arith.constant 256 : i32
    %dma_wait3A_100 = tpu.memref_slice %arg9[%dma_wait3A_99] : memref<512xi32, #tpu.memory_space<vmem>> -> memref<128xi32, #tpu.memory_space<vmem>>
    %dma_wait3A_101 = arith.constant 0 : i32
    %dma_wait3A_102 = arith.constant 0 : i32
    %dma_wait3A_103 = tpu.memref_slice %arg6[%dma_wait3A_101, %dma_wait3A_102] : memref<1000x128xf32, #tpu.memory_space<hbm>> -> memref<1000x128xf32, #tpu.memory_space<hbm>>
    tpu.wait_indirect_dma semaphore(%arg18 : memref<!tpu.dma_semaphore, #tpu.memory_space<semaphore_mem>>) src(%dma_wait3A_103 : memref<1000x128xf32, #tpu.memory_space<hbm>>) dst(%arg12 : memref<128x128xf32, #tpu.memory_space<vmem>>)
    %dma_wait3A_104 = arith.constant 256 : i32
    %dma_wait3A_105 = tpu.memref_slice %arg10[%dma_wait3A_104] : memref<512xi32, #tpu.memory_space<vmem>> -> memref<128xi32, #tpu.memory_space<vmem>>
    %dma_wait3A_106 = arith.constant 0 : i32
    %dma_wait3A_107 = arith.constant 0 : i32
    %dma_wait3A_108 = tpu.memref_slice %arg5[%dma_wait3A_106, %dma_wait3A_107] : memref<100000x128xf32, #tpu.memory_space<hbm>> -> memref<100000x128xf32, #tpu.memory_space<hbm>>
    tpu.wait_indirect_dma semaphore(%arg18 : memref<!tpu.dma_semaphore, #tpu.memory_space<semaphore_mem>>) src(%dma_wait3A_108 : memref<100000x128xf32, #tpu.memory_space<hbm>>) dst(%arg13 : memref<128x128xf32, #tpu.memory_space<vmem>>)
    %dma_start3A_109 = arith.constant 384 : i32
    %dma_start3A_110 = tpu.memref_slice %arg8[%dma_start3A_109] : memref<512xi32, #tpu.memory_space<vmem>> -> memref<128xi32, #tpu.memory_space<vmem>>
    %dma_start3A_111 = arith.constant 0 : i32
    %dma_start3A_112 = arith.constant 0 : i32
    %dma_start3A_113 = tpu.memref_slice %arg5[%dma_start3A_111, %dma_start3A_112] : memref<100000x128xf32, #tpu.memory_space<hbm>> -> memref<100000x128xf32, #tpu.memory_space<hbm>>
    tpu.enqueue_indirect_dma source(%dma_start3A_113 : memref<100000x128xf32, #tpu.memory_space<hbm>>) target(%arg14 : memref<128x128xf32, #tpu.memory_space<vmem>>) offsets(%dma_start3A_110 : memref<128xi32, #tpu.memory_space<vmem>>) semaphore(%arg19 : memref<!tpu.dma_semaphore, #tpu.memory_space<semaphore_mem>>)
    %dma_start3A_114 = arith.constant 384 : i32
    %dma_start3A_115 = tpu.memref_slice %arg9[%dma_start3A_114] : memref<512xi32, #tpu.memory_space<vmem>> -> memref<128xi32, #tpu.memory_space<vmem>>
    %dma_start3A_116 = arith.constant 0 : i32
    %dma_start3A_117 = arith.constant 0 : i32
    %dma_start3A_118 = tpu.memref_slice %arg6[%dma_start3A_116, %dma_start3A_117] : memref<1000x128xf32, #tpu.memory_space<hbm>> -> memref<1000x128xf32, #tpu.memory_space<hbm>>
    tpu.enqueue_indirect_dma source(%dma_start3A_118 : memref<1000x128xf32, #tpu.memory_space<hbm>>) target(%arg15 : memref<128x128xf32, #tpu.memory_space<vmem>>) offsets(%dma_start3A_115 : memref<128xi32, #tpu.memory_space<vmem>>) semaphore(%arg19 : memref<!tpu.dma_semaphore, #tpu.memory_space<semaphore_mem>>)
    %dma_start3A_119 = arith.constant 384 : i32
    %dma_start3A_120 = tpu.memref_slice %arg10[%dma_start3A_119] : memref<512xi32, #tpu.memory_space<vmem>> -> memref<128xi32, #tpu.memory_space<vmem>>
    %dma_start3A_121 = arith.constant 0 : i32
    %dma_start3A_122 = arith.constant 0 : i32
    %dma_start3A_123 = tpu.memref_slice %arg5[%dma_start3A_121, %dma_start3A_122] : memref<100000x128xf32, #tpu.memory_space<hbm>> -> memref<100000x128xf32, #tpu.memory_space<hbm>>
    tpu.enqueue_indirect_dma source(%dma_start3A_123 : memref<100000x128xf32, #tpu.memory_space<hbm>>) target(%arg16 : memref<128x128xf32, #tpu.memory_space<vmem>>) offsets(%dma_start3A_120 : memref<128xi32, #tpu.memory_space<vmem>>) semaphore(%arg19 : memref<!tpu.dma_semaphore, #tpu.memory_space<semaphore_mem>>)
    %iota3A_124 = tpu.iota {dimensions = array<i32: 0>} : vector<16xi32>
    %parallel_loop3A_125 = arith.constant 0 : i32
    %parallel_loop3A_126 = arith.constant 8 : i32
    %parallel_loop3A_127 = arith.constant 1 : i32
    scf.for %parallel_loop3A_147 = %parallel_loop3A_125 to %parallel_loop3A_126 step %parallel_loop3A_127  : i32 {
      %parallel_loop3A_148 = arith.constant 16 : i32
      %parallel_loop3A_149 = arith.muli %parallel_loop3A_147, %parallel_loop3A_148 : i32
      %parallel_loop3A_150 = vector.broadcast %parallel_loop3A_149 : i32 to vector<16xi32>
      %parallel_loop3A_151 = arith.addi %parallel_loop3A_150, %iota3A_124 : vector<16xi32>
      %parallel_loop3A_152 = arith.constant 0.000000e+00 : f32
      %parallel_loop3A_153 = vector.broadcast %parallel_loop3A_152 : f32 to vector<16xf32>
      %parallel_loop3A_154 = arith.constant 0 : i32
      %parallel_loop3A_155 = arith.constant 8 : i32
      %parallel_loop3A_156 = arith.addi %parallel_loop3A_154, %parallel_loop3A_155 : i32
      %parallel_loop3A_157 = arith.constant 1 : i32
      %parallel_loop3A_158:2 = scf.for %scan3A = %parallel_loop3A_154 to %parallel_loop3A_156 step %parallel_loop3A_157 iter_args(%scan3A_170 = %parallel_loop3A_153, %scan3A_171 = %parallel_loop3A_153) -> (vector<16xf32>, vector<16xf32>)  : i32 {
        %parallel_loop3A_172 = arith.constant 16 : i32
        %parallel_loop3A_173 = arith.muli %scan3A, %parallel_loop3A_172 : i32
        %parallel_loop3A_174 = arith.constant 0 : i32
        %parallel_loop3A_175 = arith.addi %parallel_loop3A_173, %parallel_loop3A_174 : i32
        %parallel_loop3A_176 = vector.broadcast %parallel_loop3A_175 : i32 to vector<16xi32>
        %parallel_loop3A_177 = arith.addi %iota3A_124, %parallel_loop3A_176 : vector<16xi32>
        %parallel_loop3A_178 = arith.constant 127 : i32
        %parallel_loop3A_179 = vector.broadcast %parallel_loop3A_178 : i32 to vector<16xi32>
        %parallel_loop3A_180 = arith.andi %parallel_loop3A_177, %parallel_loop3A_179 : vector<16xi32>
        %parallel_loop3A_181 = tpu.vector_load_idx %arg11[%parallel_loop3A_151, %parallel_loop3A_180] : memref<128x128xf32, #tpu.memory_space<vmem>>[vector<16xi32>, vector<16xi32>], vector<16xf32>,
        %parallel_loop3A_182 = tpu.vector_load_idx %arg12[%parallel_loop3A_151, %parallel_loop3A_180] : memref<128x128xf32, #tpu.memory_space<vmem>>[vector<16xi32>, vector<16xi32>], vector<16xf32>,
        %parallel_loop3A_183 = tpu.vector_load_idx %arg13[%parallel_loop3A_151, %parallel_loop3A_180] : memref<128x128xf32, #tpu.memory_space<vmem>>[vector<16xi32>, vector<16xi32>], vector<16xf32>,
        %parallel_loop3A_184 = arith.addf %parallel_loop3A_181, %parallel_loop3A_182 : vector<16xf32>
        %parallel_loop3A_185 = arith.subf %parallel_loop3A_184, %parallel_loop3A_183 : vector<16xf32>
        %parallel_loop3A_186 = math.absf %parallel_loop3A_185 : vector<16xf32>
        %parallel_loop3A_187 = arith.addf %scan3A_170, %parallel_loop3A_186 : vector<16xf32>
        %parallel_loop3A_188 = arith.constant 16 : i32
        %parallel_loop3A_189 = arith.muli %scan3A, %parallel_loop3A_188 : i32
        %parallel_loop3A_190 = arith.constant 1 : i32
        %parallel_loop3A_191 = arith.addi %parallel_loop3A_189, %parallel_loop3A_190 : i32
        %parallel_loop3A_192 = vector.broadcast %parallel_loop3A_191 : i32 to vector<16xi32>
        %parallel_loop3A_193 = arith.addi %iota3A_124, %parallel_loop3A_192 : vector<16xi32>
        %parallel_loop3A_194 = arith.constant 127 : i32
        %parallel_loop3A_195 = vector.broadcast %parallel_loop3A_194 : i32 to vector<16xi32>
        %parallel_loop3A_196 = arith.andi %parallel_loop3A_193, %parallel_loop3A_195 : vector<16xi32>
        %parallel_loop3A_197 = tpu.vector_load_idx %arg11[%parallel_loop3A_151, %parallel_loop3A_196] : memref<128x128xf32, #tpu.memory_space<vmem>>[vector<16xi32>, vector<16xi32>], vector<16xf32>,
        %parallel_loop3A_198 = tpu.vector_load_idx %arg12[%parallel_loop3A_151, %parallel_loop3A_196] : memref<128x128xf32, #tpu.memory_space<vmem>>[vector<16xi32>, vector<16xi32>], vector<16xf32>,
        %parallel_loop3A_199 = tpu.vector_load_idx %arg13[%parallel_loop3A_151, %parallel_loop3A_196] : memref<128x128xf32, #tpu.memory_space<vmem>>[vector<16xi32>, vector<16xi32>], vector<16xf32>,
        %parallel_loop3A_200 = arith.addf %parallel_loop3A_197, %parallel_loop3A_198 : vector<16xf32>
        %parallel_loop3A_201 = arith.subf %parallel_loop3A_200, %parallel_loop3A_199 : vector<16xf32>
        %parallel_loop3A_202 = math.absf %parallel_loop3A_201 : vector<16xf32>
        %parallel_loop3A_203 = arith.addf %scan3A_171, %parallel_loop3A_202 : vector<16xf32>
        %parallel_loop3A_204 = arith.constant 16 : i32
        %parallel_loop3A_205 = arith.muli %scan3A, %parallel_loop3A_204 : i32
        %parallel_loop3A_206 = arith.constant 2 : i32
        %parallel_loop3A_207 = arith.addi %parallel_loop3A_205, %parallel_loop3A_206 : i32
        %parallel_loop3A_208 = vector.broadcast %parallel_loop3A_207 : i32 to vector<16xi32>
        %parallel_loop3A_209 = arith.addi %iota3A_124, %parallel_loop3A_208 : vector<16xi32>
        %parallel_loop3A_210 = arith.constant 127 : i32
        %parallel_loop3A_211 = vector.broadcast %parallel_loop3A_210 : i32 to vector<16xi32>
        %parallel_loop3A_212 = arith.andi %parallel_loop3A_209, %parallel_loop3A_211 : vector<16xi32>
        %parallel_loop3A_213 = tpu.vector_load_idx %arg11[%parallel_loop3A_151, %parallel_loop3A_212] : memref<128x128xf32, #tpu.memory_space<vmem>>[vector<16xi32>, vector<16xi32>], vector<16xf32>,
        %parallel_loop3A_214 = tpu.vector_load_idx %arg12[%parallel_loop3A_151, %parallel_loop3A_212] : memref<128x128xf32, #tpu.memory_space<vmem>>[vector<16xi32>, vector<16xi32>], vector<16xf32>,
        %parallel_loop3A_215 = tpu.vector_load_idx %arg13[%parallel_loop3A_151, %parallel_loop3A_212] : memref<128x128xf32, #tpu.memory_space<vmem>>[vector<16xi32>, vector<16xi32>], vector<16xf32>,
        %parallel_loop3A_216 = arith.addf %parallel_loop3A_213, %parallel_loop3A_214 : vector<16xf32>
        %parallel_loop3A_217 = arith.subf %parallel_loop3A_216, %parallel_loop3A_215 : vector<16xf32>
        %parallel_loop3A_218 = math.absf %parallel_loop3A_217 : vector<16xf32>
        %parallel_loop3A_219 = arith.addf %parallel_loop3A_187, %parallel_loop3A_218 : vector<16xf32>
        %parallel_loop3A_220 = arith.constant 16 : i32
        %parallel_loop3A_221 = arith.muli %scan3A, %parallel_loop3A_220 : i32
        %parallel_loop3A_222 = arith.constant 3 : i32
        %parallel_loop3A_223 = arith.addi %parallel_loop3A_221, %parallel_loop3A_222 : i32
        %parallel_loop3A_224 = vector.broadcast %parallel_loop3A_223 : i32 to vector<16xi32>
        %parallel_loop3A_225 = arith.addi %iota3A_124, %parallel_loop3A_224 : vector<16xi32>
        %parallel_loop3A_226 = arith.constant 127 : i32
        %parallel_loop3A_227 = vector.broadcast %parallel_loop3A_226 : i32 to vector<16xi32>
        %parallel_loop3A_228 = arith.andi %parallel_loop3A_225, %parallel_loop3A_227 : vector<16xi32>
        %parallel_loop3A_229 = tpu.vector_load_idx %arg11[%parallel_loop3A_151, %parallel_loop3A_228] : memref<128x128xf32, #tpu.memory_space<vmem>>[vector<16xi32>, vector<16xi32>], vector<16xf32>,
        %parallel_loop3A_230 = tpu.vector_load_idx %arg12[%parallel_loop3A_151, %parallel_loop3A_228] : memref<128x128xf32, #tpu.memory_space<vmem>>[vector<16xi32>, vector<16xi32>], vector<16xf32>,
        %parallel_loop3A_231 = tpu.vector_load_idx %arg13[%parallel_loop3A_151, %parallel_loop3A_228] : memref<128x128xf32, #tpu.memory_space<vmem>>[vector<16xi32>, vector<16xi32>], vector<16xf32>,
        %parallel_loop3A_232 = arith.addf %parallel_loop3A_229, %parallel_loop3A_230 : vector<16xf32>
        %parallel_loop3A_233 = arith.subf %parallel_loop3A_232, %parallel_loop3A_231 : vector<16xf32>
        %parallel_loop3A_234 = math.absf %parallel_loop3A_233 : vector<16xf32>
        %parallel_loop3A_235 = arith.addf %parallel_loop3A_203, %parallel_loop3A_234 : vector<16xf32>
        %parallel_loop3A_236 = arith.constant 16 : i32
        %parallel_loop3A_237 = arith.muli %scan3A, %parallel_loop3A_236 : i32
        %parallel_loop3A_238 = arith.constant 4 : i32
        %parallel_loop3A_239 = arith.addi %parallel_loop3A_237, %parallel_loop3A_238 : i32
        %parallel_loop3A_240 = vector.broadcast %parallel_loop3A_239 : i32 to vector<16xi32>
        %parallel_loop3A_241 = arith.addi %iota3A_124, %parallel_loop3A_240 : vector<16xi32>
        %parallel_loop3A_242 = arith.constant 127 : i32
        %parallel_loop3A_243 = vector.broadcast %parallel_loop3A_242 : i32 to vector<16xi32>
        %parallel_loop3A_244 = arith.andi %parallel_loop3A_241, %parallel_loop3A_243 : vector<16xi32>
        %parallel_loop3A_245 = tpu.vector_load_idx %arg11[%parallel_loop3A_151, %parallel_loop3A_244] : memref<128x128xf32, #tpu.memory_space<vmem>>[vector<16xi32>, vector<16xi32>], vector<16xf32>,
        %parallel_loop3A_246 = tpu.vector_load_idx %arg12[%parallel_loop3A_151, %parallel_loop3A_244] : memref<128x128xf32, #tpu.memory_space<vmem>>[vector<16xi32>, vector<16xi32>], vector<16xf32>,
        %parallel_loop3A_247 = tpu.vector_load_idx %arg13[%parallel_loop3A_151, %parallel_loop3A_244] : memref<128x128xf32, #tpu.memory_space<vmem>>[vector<16xi32>, vector<16xi32>], vector<16xf32>,
        %parallel_loop3A_248 = arith.addf %parallel_loop3A_245, %parallel_loop3A_246 : vector<16xf32>
        %parallel_loop3A_249 = arith.subf %parallel_loop3A_248, %parallel_loop3A_247 : vector<16xf32>
        %parallel_loop3A_250 = math.absf %parallel_loop3A_249 : vector<16xf32>
        %parallel_loop3A_251 = arith.addf %parallel_loop3A_219, %parallel_loop3A_250 : vector<16xf32>
        %parallel_loop3A_252 = arith.constant 16 : i32
        %parallel_loop3A_253 = arith.muli %scan3A, %parallel_loop3A_252 : i32
        %parallel_loop3A_254 = arith.constant 5 : i32
        %parallel_loop3A_255 = arith.addi %parallel_loop3A_253, %parallel_loop3A_254 : i32
        %parallel_loop3A_256 = vector.broadcast %parallel_loop3A_255 : i32 to vector<16xi32>
        %parallel_loop3A_257 = arith.addi %iota3A_124, %parallel_loop3A_256 : vector<16xi32>
        %parallel_loop3A_258 = arith.constant 127 : i32
        %parallel_loop3A_259 = vector.broadcast %parallel_loop3A_258 : i32 to vector<16xi32>
        %parallel_loop3A_260 = arith.andi %parallel_loop3A_257, %parallel_loop3A_259 : vector<16xi32>
        %parallel_loop3A_261 = tpu.vector_load_idx %arg11[%parallel_loop3A_151, %parallel_loop3A_260] : memref<128x128xf32, #tpu.memory_space<vmem>>[vector<16xi32>, vector<16xi32>], vector<16xf32>,
        %parallel_loop3A_262 = tpu.vector_load_idx %arg12[%parallel_loop3A_151, %parallel_loop3A_260] : memref<128x128xf32, #tpu.memory_space<vmem>>[vector<16xi32>, vector<16xi32>], vector<16xf32>,
        %parallel_loop3A_263 = tpu.vector_load_idx %arg13[%parallel_loop3A_151, %parallel_loop3A_260] : memref<128x128xf32, #tpu.memory_space<vmem>>[vector<16xi32>, vector<16xi32>], vector<16xf32>,
        %parallel_loop3A_264 = arith.addf %parallel_loop3A_261, %parallel_loop3A_262 : vector<16xf32>
        %parallel_loop3A_265 = arith.subf %parallel_loop3A_264, %parallel_loop3A_263 : vector<16xf32>
        %parallel_loop3A_266 = math.absf %parallel_loop3A_265 : vector<16xf32>
        %parallel_loop3A_267 = arith.addf %parallel_loop3A_235, %parallel_loop3A_266 : vector<16xf32>
        %parallel_loop3A_268 = arith.constant 16 : i32
        %parallel_loop3A_269 = arith.muli %scan3A, %parallel_loop3A_268 : i32
        %parallel_loop3A_270 = arith.constant 6 : i32
        %parallel_loop3A_271 = arith.addi %parallel_loop3A_269, %parallel_loop3A_270 : i32
        %parallel_loop3A_272 = vector.broadcast %parallel_loop3A_271 : i32 to vector<16xi32>
        %parallel_loop3A_273 = arith.addi %iota3A_124, %parallel_loop3A_272 : vector<16xi32>
        %parallel_loop3A_274 = arith.constant 127 : i32
        %parallel_loop3A_275 = vector.broadcast %parallel_loop3A_274 : i32 to vector<16xi32>
        %parallel_loop3A_276 = arith.andi %parallel_loop3A_273, %parallel_loop3A_275 : vector<16xi32>
        %parallel_loop3A_277 = tpu.vector_load_idx %arg11[%parallel_loop3A_151, %parallel_loop3A_276] : memref<128x128xf32, #tpu.memory_space<vmem>>[vector<16xi32>, vector<16xi32>], vector<16xf32>,
        %parallel_loop3A_278 = tpu.vector_load_idx %arg12[%parallel_loop3A_151, %parallel_loop3A_276] : memref<128x128xf32, #tpu.memory_space<vmem>>[vector<16xi32>, vector<16xi32>], vector<16xf32>,
        %parallel_loop3A_279 = tpu.vector_load_idx %arg13[%parallel_loop3A_151, %parallel_loop3A_276] : memref<128x128xf32, #tpu.memory_space<vmem>>[vector<16xi32>, vector<16xi32>], vector<16xf32>,
        %parallel_loop3A_280 = arith.addf %parallel_loop3A_277, %parallel_loop3A_278 : vector<16xf32>
        %parallel_loop3A_281 = arith.subf %parallel_loop3A_280, %parallel_loop3A_279 : vector<16xf32>
        %parallel_loop3A_282 = math.absf %parallel_loop3A_281 : vector<16xf32>
        %parallel_loop3A_283 = arith.addf %parallel_loop3A_251, %parallel_loop3A_282 : vector<16xf32>
        %parallel_loop3A_284 = arith.constant 16 : i32
        %parallel_loop3A_285 = arith.muli %scan3A, %parallel_loop3A_284 : i32
        %parallel_loop3A_286 = arith.constant 7 : i32
        %parallel_loop3A_287 = arith.addi %parallel_loop3A_285, %parallel_loop3A_286 : i32
        %parallel_loop3A_288 = vector.broadcast %parallel_loop3A_287 : i32 to vector<16xi32>
        %parallel_loop3A_289 = arith.addi %iota3A_124, %parallel_loop3A_288 : vector<16xi32>
        %parallel_loop3A_290 = arith.constant 127 : i32
        %parallel_loop3A_291 = vector.broadcast %parallel_loop3A_290 : i32 to vector<16xi32>
        %parallel_loop3A_292 = arith.andi %parallel_loop3A_289, %parallel_loop3A_291 : vector<16xi32>
        %parallel_loop3A_293 = tpu.vector_load_idx %arg11[%parallel_loop3A_151, %parallel_loop3A_292] : memref<128x128xf32, #tpu.memory_space<vmem>>[vector<16xi32>, vector<16xi32>], vector<16xf32>,
        %parallel_loop3A_294 = tpu.vector_load_idx %arg12[%parallel_loop3A_151, %parallel_loop3A_292] : memref<128x128xf32, #tpu.memory_space<vmem>>[vector<16xi32>, vector<16xi32>], vector<16xf32>,
        %parallel_loop3A_295 = tpu.vector_load_idx %arg13[%parallel_loop3A_151, %parallel_loop3A_292] : memref<128x128xf32, #tpu.memory_space<vmem>>[vector<16xi32>, vector<16xi32>], vector<16xf32>,
        %parallel_loop3A_296 = arith.addf %parallel_loop3A_293, %parallel_loop3A_294 : vector<16xf32>
        %parallel_loop3A_297 = arith.subf %parallel_loop3A_296, %parallel_loop3A_295 : vector<16xf32>
        %parallel_loop3A_298 = math.absf %parallel_loop3A_297 : vector<16xf32>
        %parallel_loop3A_299 = arith.addf %parallel_loop3A_267, %parallel_loop3A_298 : vector<16xf32>
        %parallel_loop3A_300 = arith.constant 16 : i32
        %parallel_loop3A_301 = arith.muli %scan3A, %parallel_loop3A_300 : i32
        %parallel_loop3A_302 = arith.constant 8 : i32
        %parallel_loop3A_303 = arith.addi %parallel_loop3A_301, %parallel_loop3A_302 : i32
        %parallel_loop3A_304 = vector.broadcast %parallel_loop3A_303 : i32 to vector<16xi32>
        %parallel_loop3A_305 = arith.addi %iota3A_124, %parallel_loop3A_304 : vector<16xi32>
        %parallel_loop3A_306 = arith.constant 127 : i32
        %parallel_loop3A_307 = vector.broadcast %parallel_loop3A_306 : i32 to vector<16xi32>
        %parallel_loop3A_308 = arith.andi %parallel_loop3A_305, %parallel_loop3A_307 : vector<16xi32>
        %parallel_loop3A_309 = tpu.vector_load_idx %arg11[%parallel_loop3A_151, %parallel_loop3A_308] : memref<128x128xf32, #tpu.memory_space<vmem>>[vector<16xi32>, vector<16xi32>], vector<16xf32>,
        %parallel_loop3A_310 = tpu.vector_load_idx %arg12[%parallel_loop3A_151, %parallel_loop3A_308] : memref<128x128xf32, #tpu.memory_space<vmem>>[vector<16xi32>, vector<16xi32>], vector<16xf32>,
        %parallel_loop3A_311 = tpu.vector_load_idx %arg13[%parallel_loop3A_151, %parallel_loop3A_308] : memref<128x128xf32, #tpu.memory_space<vmem>>[vector<16xi32>, vector<16xi32>], vector<16xf32>,
        %parallel_loop3A_312 = arith.addf %parallel_loop3A_309, %parallel_loop3A_310 : vector<16xf32>
        %parallel_loop3A_313 = arith.subf %parallel_loop3A_312, %parallel_loop3A_311 : vector<16xf32>
        %parallel_loop3A_314 = math.absf %parallel_loop3A_313 : vector<16xf32>
        %parallel_loop3A_315 = arith.addf %parallel_loop3A_283, %parallel_loop3A_314 : vector<16xf32>
        %parallel_loop3A_316 = arith.constant 16 : i32
        %parallel_loop3A_317 = arith.muli %scan3A, %parallel_loop3A_316 : i32
        %parallel_loop3A_318 = arith.constant 9 : i32
        %parallel_loop3A_319 = arith.addi %parallel_loop3A_317, %parallel_loop3A_318 : i32
        %parallel_loop3A_320 = vector.broadcast %parallel_loop3A_319 : i32 to vector<16xi32>
        %parallel_loop3A_321 = arith.addi %iota3A_124, %parallel_loop3A_320 : vector<16xi32>
        %parallel_loop3A_322 = arith.constant 127 : i32
        %parallel_loop3A_323 = vector.broadcast %parallel_loop3A_322 : i32 to vector<16xi32>
        %parallel_loop3A_324 = arith.andi %parallel_loop3A_321, %parallel_loop3A_323 : vector<16xi32>
        %parallel_loop3A_325 = tpu.vector_load_idx %arg11[%parallel_loop3A_151, %parallel_loop3A_324] : memref<128x128xf32, #tpu.memory_space<vmem>>[vector<16xi32>, vector<16xi32>], vector<16xf32>,
        %parallel_loop3A_326 = tpu.vector_load_idx %arg12[%parallel_loop3A_151, %parallel_loop3A_324] : memref<128x128xf32, #tpu.memory_space<vmem>>[vector<16xi32>, vector<16xi32>], vector<16xf32>,
        %parallel_loop3A_327 = tpu.vector_load_idx %arg13[%parallel_loop3A_151, %parallel_loop3A_324] : memref<128x128xf32, #tpu.memory_space<vmem>>[vector<16xi32>, vector<16xi32>], vector<16xf32>,
        %parallel_loop3A_328 = arith.addf %parallel_loop3A_325, %parallel_loop3A_326 : vector<16xf32>
        %parallel_loop3A_329 = arith.subf %parallel_loop3A_328, %parallel_loop3A_327 : vector<16xf32>
        %parallel_loop3A_330 = math.absf %parallel_loop3A_329 : vector<16xf32>
        %parallel_loop3A_331 = arith.addf %parallel_loop3A_299, %parallel_loop3A_330 : vector<16xf32>
        %parallel_loop3A_332 = arith.constant 16 : i32
        %parallel_loop3A_333 = arith.muli %scan3A, %parallel_loop3A_332 : i32
        %parallel_loop3A_334 = arith.constant 10 : i32
        %parallel_loop3A_335 = arith.addi %parallel_loop3A_333, %parallel_loop3A_334 : i32
        %parallel_loop3A_336 = vector.broadcast %parallel_loop3A_335 : i32 to vector<16xi32>
        %parallel_loop3A_337 = arith.addi %iota3A_124, %parallel_loop3A_336 : vector<16xi32>
        %parallel_loop3A_338 = arith.constant 127 : i32
        %parallel_loop3A_339 = vector.broadcast %parallel_loop3A_338 : i32 to vector<16xi32>
        %parallel_loop3A_340 = arith.andi %parallel_loop3A_337, %parallel_loop3A_339 : vector<16xi32>
        %parallel_loop3A_341 = tpu.vector_load_idx %arg11[%parallel_loop3A_151, %parallel_loop3A_340] : memref<128x128xf32, #tpu.memory_space<vmem>>[vector<16xi32>, vector<16xi32>], vector<16xf32>,
        %parallel_loop3A_342 = tpu.vector_load_idx %arg12[%parallel_loop3A_151, %parallel_loop3A_340] : memref<128x128xf32, #tpu.memory_space<vmem>>[vector<16xi32>, vector<16xi32>], vector<16xf32>,
        %parallel_loop3A_343 = tpu.vector_load_idx %arg13[%parallel_loop3A_151, %parallel_loop3A_340] : memref<128x128xf32, #tpu.memory_space<vmem>>[vector<16xi32>, vector<16xi32>], vector<16xf32>,
        %parallel_loop3A_344 = arith.addf %parallel_loop3A_341, %parallel_loop3A_342 : vector<16xf32>
        %parallel_loop3A_345 = arith.subf %parallel_loop3A_344, %parallel_loop3A_343 : vector<16xf32>
        %parallel_loop3A_346 = math.absf %parallel_loop3A_345 : vector<16xf32>
        %parallel_loop3A_347 = arith.addf %parallel_loop3A_315, %parallel_loop3A_346 : vector<16xf32>
        %parallel_loop3A_348 = arith.constant 16 : i32
        %parallel_loop3A_349 = arith.muli %scan3A, %parallel_loop3A_348 : i32
        %parallel_loop3A_350 = arith.constant 11 : i32
        %parallel_loop3A_351 = arith.addi %parallel_loop3A_349, %parallel_loop3A_350 : i32
        %parallel_loop3A_352 = vector.broadcast %parallel_loop3A_351 : i32 to vector<16xi32>
        %parallel_loop3A_353 = arith.addi %iota3A_124, %parallel_loop3A_352 : vector<16xi32>
        %parallel_loop3A_354 = arith.constant 127 : i32
        %parallel_loop3A_355 = vector.broadcast %parallel_loop3A_354 : i32 to vector<16xi32>
        %parallel_loop3A_356 = arith.andi %parallel_loop3A_353, %parallel_loop3A_355 : vector<16xi32>
        %parallel_loop3A_357 = tpu.vector_load_idx %arg11[%parallel_loop3A_151, %parallel_loop3A_356] : memref<128x128xf32, #tpu.memory_space<vmem>>[vector<16xi32>, vector<16xi32>], vector<16xf32>,
        %parallel_loop3A_358 = tpu.vector_load_idx %arg12[%parallel_loop3A_151, %parallel_loop3A_356] : memref<128x128xf32, #tpu.memory_space<vmem>>[vector<16xi32>, vector<16xi32>], vector<16xf32>,
        %parallel_loop3A_359 = tpu.vector_load_idx %arg13[%parallel_loop3A_151, %parallel_loop3A_356] : memref<128x128xf32, #tpu.memory_space<vmem>>[vector<16xi32>, vector<16xi32>], vector<16xf32>,
        %parallel_loop3A_360 = arith.addf %parallel_loop3A_357, %parallel_loop3A_358 : vector<16xf32>
        %parallel_loop3A_361 = arith.subf %parallel_loop3A_360, %parallel_loop3A_359 : vector<16xf32>
        %parallel_loop3A_362 = math.absf %parallel_loop3A_361 : vector<16xf32>
        %parallel_loop3A_363 = arith.addf %parallel_loop3A_331, %parallel_loop3A_362 : vector<16xf32>
        %parallel_loop3A_364 = arith.constant 16 : i32
        %parallel_loop3A_365 = arith.muli %scan3A, %parallel_loop3A_364 : i32
        %parallel_loop3A_366 = arith.constant 12 : i32
        %parallel_loop3A_367 = arith.addi %parallel_loop3A_365, %parallel_loop3A_366 : i32
        %parallel_loop3A_368 = vector.broadcast %parallel_loop3A_367 : i32 to vector<16xi32>
        %parallel_loop3A_369 = arith.addi %iota3A_124, %parallel_loop3A_368 : vector<16xi32>
        %parallel_loop3A_370 = arith.constant 127 : i32
        %parallel_loop3A_371 = vector.broadcast %parallel_loop3A_370 : i32 to vector<16xi32>
        %parallel_loop3A_372 = arith.andi %parallel_loop3A_369, %parallel_loop3A_371 : vector<16xi32>
        %parallel_loop3A_373 = tpu.vector_load_idx %arg11[%parallel_loop3A_151, %parallel_loop3A_372] : memref<128x128xf32, #tpu.memory_space<vmem>>[vector<16xi32>, vector<16xi32>], vector<16xf32>,
        %parallel_loop3A_374 = tpu.vector_load_idx %arg12[%parallel_loop3A_151, %parallel_loop3A_372] : memref<128x128xf32, #tpu.memory_space<vmem>>[vector<16xi32>, vector<16xi32>], vector<16xf32>,
        %parallel_loop3A_375 = tpu.vector_load_idx %arg13[%parallel_loop3A_151, %parallel_loop3A_372] : memref<128x128xf32, #tpu.memory_space<vmem>>[vector<16xi32>, vector<16xi32>], vector<16xf32>,
        %parallel_loop3A_376 = arith.addf %parallel_loop3A_373, %parallel_loop3A_374 : vector<16xf32>
        %parallel_loop3A_377 = arith.subf %parallel_loop3A_376, %parallel_loop3A_375 : vector<16xf32>
        %parallel_loop3A_378 = math.absf %parallel_loop3A_377 : vector<16xf32>
        %parallel_loop3A_379 = arith.addf %parallel_loop3A_347, %parallel_loop3A_378 : vector<16xf32>
        %parallel_loop3A_380 = arith.constant 16 : i32
        %parallel_loop3A_381 = arith.muli %scan3A, %parallel_loop3A_380 : i32
        %parallel_loop3A_382 = arith.constant 13 : i32
        %parallel_loop3A_383 = arith.addi %parallel_loop3A_381, %parallel_loop3A_382 : i32
        %parallel_loop3A_384 = vector.broadcast %parallel_loop3A_383 : i32 to vector<16xi32>
        %parallel_loop3A_385 = arith.addi %iota3A_124, %parallel_loop3A_384 : vector<16xi32>
        %parallel_loop3A_386 = arith.constant 127 : i32
        %parallel_loop3A_387 = vector.broadcast %parallel_loop3A_386 : i32 to vector<16xi32>
        %parallel_loop3A_388 = arith.andi %parallel_loop3A_385, %parallel_loop3A_387 : vector<16xi32>
        %parallel_loop3A_389 = tpu.vector_load_idx %arg11[%parallel_loop3A_151, %parallel_loop3A_388] : memref<128x128xf32, #tpu.memory_space<vmem>>[vector<16xi32>, vector<16xi32>], vector<16xf32>,
        %parallel_loop3A_390 = tpu.vector_load_idx %arg12[%parallel_loop3A_151, %parallel_loop3A_388] : memref<128x128xf32, #tpu.memory_space<vmem>>[vector<16xi32>, vector<16xi32>], vector<16xf32>,
        %parallel_loop3A_391 = tpu.vector_load_idx %arg13[%parallel_loop3A_151, %parallel_loop3A_388] : memref<128x128xf32, #tpu.memory_space<vmem>>[vector<16xi32>, vector<16xi32>], vector<16xf32>,
        %parallel_loop3A_392 = arith.addf %parallel_loop3A_389, %parallel_loop3A_390 : vector<16xf32>
        %parallel_loop3A_393 = arith.subf %parallel_loop3A_392, %parallel_loop3A_391 : vector<16xf32>
        %parallel_loop3A_394 = math.absf %parallel_loop3A_393 : vector<16xf32>
        %parallel_loop3A_395 = arith.addf %parallel_loop3A_363, %parallel_loop3A_394 : vector<16xf32>
        %parallel_loop3A_396 = arith.constant 16 : i32
        %parallel_loop3A_397 = arith.muli %scan3A, %parallel_loop3A_396 : i32
        %parallel_loop3A_398 = arith.constant 14 : i32
        %parallel_loop3A_399 = arith.addi %parallel_loop3A_397, %parallel_loop3A_398 : i32
        %parallel_loop3A_400 = vector.broadcast %parallel_loop3A_399 : i32 to vector<16xi32>
        %parallel_loop3A_401 = arith.addi %iota3A_124, %parallel_loop3A_400 : vector<16xi32>
        %parallel_loop3A_402 = arith.constant 127 : i32
        %parallel_loop3A_403 = vector.broadcast %parallel_loop3A_402 : i32 to vector<16xi32>
        %parallel_loop3A_404 = arith.andi %parallel_loop3A_401, %parallel_loop3A_403 : vector<16xi32>
        %parallel_loop3A_405 = tpu.vector_load_idx %arg11[%parallel_loop3A_151, %parallel_loop3A_404] : memref<128x128xf32, #tpu.memory_space<vmem>>[vector<16xi32>, vector<16xi32>], vector<16xf32>,
        %parallel_loop3A_406 = tpu.vector_load_idx %arg12[%parallel_loop3A_151, %parallel_loop3A_404] : memref<128x128xf32, #tpu.memory_space<vmem>>[vector<16xi32>, vector<16xi32>], vector<16xf32>,
        %parallel_loop3A_407 = tpu.vector_load_idx %arg13[%parallel_loop3A_151, %parallel_loop3A_404] : memref<128x128xf32, #tpu.memory_space<vmem>>[vector<16xi32>, vector<16xi32>], vector<16xf32>,
        %parallel_loop3A_408 = arith.addf %parallel_loop3A_405, %parallel_loop3A_406 : vector<16xf32>
        %parallel_loop3A_409 = arith.subf %parallel_loop3A_408, %parallel_loop3A_407 : vector<16xf32>
        %parallel_loop3A_410 = math.absf %parallel_loop3A_409 : vector<16xf32>
        %parallel_loop3A_411 = arith.addf %parallel_loop3A_379, %parallel_loop3A_410 : vector<16xf32>
        %parallel_loop3A_412 = arith.constant 16 : i32
        %parallel_loop3A_413 = arith.muli %scan3A, %parallel_loop3A_412 : i32
        %parallel_loop3A_414 = arith.constant 15 : i32
        %parallel_loop3A_415 = arith.addi %parallel_loop3A_413, %parallel_loop3A_414 : i32
        %parallel_loop3A_416 = vector.broadcast %parallel_loop3A_415 : i32 to vector<16xi32>
        %parallel_loop3A_417 = arith.addi %iota3A_124, %parallel_loop3A_416 : vector<16xi32>
        %parallel_loop3A_418 = arith.constant 127 : i32
        %parallel_loop3A_419 = vector.broadcast %parallel_loop3A_418 : i32 to vector<16xi32>
        %parallel_loop3A_420 = arith.andi %parallel_loop3A_417, %parallel_loop3A_419 : vector<16xi32>
        %parallel_loop3A_421 = tpu.vector_load_idx %arg11[%parallel_loop3A_151, %parallel_loop3A_420] : memref<128x128xf32, #tpu.memory_space<vmem>>[vector<16xi32>, vector<16xi32>], vector<16xf32>,
        %parallel_loop3A_422 = tpu.vector_load_idx %arg12[%parallel_loop3A_151, %parallel_loop3A_420] : memref<128x128xf32, #tpu.memory_space<vmem>>[vector<16xi32>, vector<16xi32>], vector<16xf32>,
        %parallel_loop3A_423 = tpu.vector_load_idx %arg13[%parallel_loop3A_151, %parallel_loop3A_420] : memref<128x128xf32, #tpu.memory_space<vmem>>[vector<16xi32>, vector<16xi32>], vector<16xf32>,
        %parallel_loop3A_424 = arith.addf %parallel_loop3A_421, %parallel_loop3A_422 : vector<16xf32>
        %parallel_loop3A_425 = arith.subf %parallel_loop3A_424, %parallel_loop3A_423 : vector<16xf32>
        %parallel_loop3A_426 = math.absf %parallel_loop3A_425 : vector<16xf32>
        %parallel_loop3A_427 = arith.addf %parallel_loop3A_395, %parallel_loop3A_426 : vector<16xf32>
        scf.yield %parallel_loop3A_411, %parallel_loop3A_427 : vector<16xf32>, vector<16xf32>
      }
      %parallel_loop3A_159 = arith.constant 8 : i32
      %parallel_loop3A_160 = arith.addf %parallel_loop3A_158#0, %parallel_loop3A_158#1 : vector<16xf32>
      %parallel_loop3A_161 = arith.constant 0.000000e+00 : f32
      %parallel_loop3A_162 = vector.broadcast %parallel_loop3A_161 : f32 to vector<16xf32>
      %parallel_loop3A_163 = arith.subf %parallel_loop3A_162, %parallel_loop3A_160 : vector<16xf32>
      %parallel_loop3A_164 = arith.constant 16 : i32
      %parallel_loop3A_165 = arith.muli %parallel_loop3A_147, %parallel_loop3A_164 : i32
      %parallel_loop3A_166 = arith.constant 256 : i32
      %parallel_loop3A_167 = arith.addi %parallel_loop3A_166, %parallel_loop3A_165 : i32
      %parallel_loop3A_168 = arith.index_cast %parallel_loop3A_167 : i32 to index
      %parallel_loop3A_169 = tpu.vector_load %arg17[%parallel_loop3A_168] {strides = array<i32>} : memref<512xf32, #tpu.memory_space<vmem>>, vector<16xf32>,
      tpu.vector_store %arg17[%parallel_loop3A_168], %parallel_loop3A_163 {strides = array<i32>} : memref<512xf32, #tpu.memory_space<vmem>>, vector<16xf32>,
    } {sc.loop_unroll_factor = 2 : i64, sc.parallel_access}
    %dma_wait3A_128 = arith.constant 384 : i32
    %dma_wait3A_129 = tpu.memref_slice %arg8[%dma_wait3A_128] : memref<512xi32, #tpu.memory_space<vmem>> -> memref<128xi32, #tpu.memory_space<vmem>>
    %dma_wait3A_130 = arith.constant 0 : i32
    %dma_wait3A_131 = arith.constant 0 : i32
    %dma_wait3A_132 = tpu.memref_slice %arg5[%dma_wait3A_130, %dma_wait3A_131] : memref<100000x128xf32, #tpu.memory_space<hbm>> -> memref<100000x128xf32, #tpu.memory_space<hbm>>
    tpu.wait_indirect_dma semaphore(%arg19 : memref<!tpu.dma_semaphore, #tpu.memory_space<semaphore_mem>>) src(%dma_wait3A_132 : memref<100000x128xf32, #tpu.memory_space<hbm>>) dst(%arg14 : memref<128x128xf32, #tpu.memory_space<vmem>>)
    %dma_wait3A_133 = arith.constant 384 : i32
    %dma_wait3A_134 = tpu.memref_slice %arg9[%dma_wait3A_133] : memref<512xi32, #tpu.memory_space<vmem>> -> memref<128xi32, #tpu.memory_space<vmem>>
    %dma_wait3A_135 = arith.constant 0 : i32
    %dma_wait3A_136 = arith.constant 0 : i32
    %dma_wait3A_137 = tpu.memref_slice %arg6[%dma_wait3A_135, %dma_wait3A_136] : memref<1000x128xf32, #tpu.memory_space<hbm>> -> memref<1000x128xf32, #tpu.memory_space<hbm>>
    tpu.wait_indirect_dma semaphore(%arg19 : memref<!tpu.dma_semaphore, #tpu.memory_space<semaphore_mem>>) src(%dma_wait3A_137 : memref<1000x128xf32, #tpu.memory_space<hbm>>) dst(%arg15 : memref<128x128xf32, #tpu.memory_space<vmem>>)
    %dma_wait3A_138 = arith.constant 384 : i32
    %dma_wait3A_139 = tpu.memref_slice %arg10[%dma_wait3A_138] : memref<512xi32, #tpu.memory_space<vmem>> -> memref<128xi32, #tpu.memory_space<vmem>>
    %dma_wait3A_140 = arith.constant 0 : i32
    %dma_wait3A_141 = arith.constant 0 : i32
    %dma_wait3A_142 = tpu.memref_slice %arg5[%dma_wait3A_140, %dma_wait3A_141] : memref<100000x128xf32, #tpu.memory_space<hbm>> -> memref<100000x128xf32, #tpu.memory_space<hbm>>
    tpu.wait_indirect_dma semaphore(%arg19 : memref<!tpu.dma_semaphore, #tpu.memory_space<semaphore_mem>>) src(%dma_wait3A_142 : memref<100000x128xf32, #tpu.memory_space<hbm>>) dst(%arg16 : memref<128x128xf32, #tpu.memory_space<vmem>>)
    %iota3A_143 = tpu.iota {dimensions = array<i32: 0>} : vector<16xi32>
    %parallel_loop3A_144 = arith.constant 0 : i32
    %parallel_loop3A_145 = arith.constant 8 : i32
    %parallel_loop3A_146 = arith.constant 1 : i32
    scf.for %parallel_loop3A_147 = %parallel_loop3A_144 to %parallel_loop3A_145 step %parallel_loop3A_146  : i32 {
      %parallel_loop3A_148 = arith.constant 16 : i32
      %parallel_loop3A_149 = arith.muli %parallel_loop3A_147, %parallel_loop3A_148 : i32
      %parallel_loop3A_150 = vector.broadcast %parallel_loop3A_149 : i32 to vector<16xi32>
      %parallel_loop3A_151 = arith.addi %parallel_loop3A_150, %iota3A_143 : vector<16xi32>
      %parallel_loop3A_152 = arith.constant 0.000000e+00 : f32
      %parallel_loop3A_153 = vector.broadcast %parallel_loop3A_152 : f32 to vector<16xf32>
      %parallel_loop3A_154 = arith.constant 0 : i32
      %parallel_loop3A_155 = arith.constant 8 : i32
      %parallel_loop3A_156 = arith.addi %parallel_loop3A_154, %parallel_loop3A_155 : i32
      %parallel_loop3A_157 = arith.constant 1 : i32
      %parallel_loop3A_158:2 = scf.for %scan3A = %parallel_loop3A_154 to %parallel_loop3A_156 step %parallel_loop3A_157 iter_args(%scan3A_170 = %parallel_loop3A_153, %scan3A_171 = %parallel_loop3A_153) -> (vector<16xf32>, vector<16xf32>)  : i32 {
        %parallel_loop3A_172 = arith.constant 16 : i32
        %parallel_loop3A_173 = arith.muli %scan3A, %parallel_loop3A_172 : i32
        %parallel_loop3A_174 = arith.constant 0 : i32
        %parallel_loop3A_175 = arith.addi %parallel_loop3A_173, %parallel_loop3A_174 : i32
        %parallel_loop3A_176 = vector.broadcast %parallel_loop3A_175 : i32 to vector<16xi32>
        %parallel_loop3A_177 = arith.addi %iota3A_143, %parallel_loop3A_176 : vector<16xi32>
        %parallel_loop3A_178 = arith.constant 127 : i32
        %parallel_loop3A_179 = vector.broadcast %parallel_loop3A_178 : i32 to vector<16xi32>
        %parallel_loop3A_180 = arith.andi %parallel_loop3A_177, %parallel_loop3A_179 : vector<16xi32>
        %parallel_loop3A_181 = tpu.vector_load_idx %arg14[%parallel_loop3A_151, %parallel_loop3A_180] : memref<128x128xf32, #tpu.memory_space<vmem>>[vector<16xi32>, vector<16xi32>], vector<16xf32>,
        %parallel_loop3A_182 = tpu.vector_load_idx %arg15[%parallel_loop3A_151, %parallel_loop3A_180] : memref<128x128xf32, #tpu.memory_space<vmem>>[vector<16xi32>, vector<16xi32>], vector<16xf32>,
        %parallel_loop3A_183 = tpu.vector_load_idx %arg16[%parallel_loop3A_151, %parallel_loop3A_180] : memref<128x128xf32, #tpu.memory_space<vmem>>[vector<16xi32>, vector<16xi32>], vector<16xf32>,
        %parallel_loop3A_184 = arith.addf %parallel_loop3A_181, %parallel_loop3A_182 : vector<16xf32>
        %parallel_loop3A_185 = arith.subf %parallel_loop3A_184, %parallel_loop3A_183 : vector<16xf32>
        %parallel_loop3A_186 = math.absf %parallel_loop3A_185 : vector<16xf32>
        %parallel_loop3A_187 = arith.addf %scan3A_170, %parallel_loop3A_186 : vector<16xf32>
        %parallel_loop3A_188 = arith.constant 16 : i32
        %parallel_loop3A_189 = arith.muli %scan3A, %parallel_loop3A_188 : i32
        %parallel_loop3A_190 = arith.constant 1 : i32
        %parallel_loop3A_191 = arith.addi %parallel_loop3A_189, %parallel_loop3A_190 : i32
        %parallel_loop3A_192 = vector.broadcast %parallel_loop3A_191 : i32 to vector<16xi32>
        %parallel_loop3A_193 = arith.addi %iota3A_143, %parallel_loop3A_192 : vector<16xi32>
        %parallel_loop3A_194 = arith.constant 127 : i32
        %parallel_loop3A_195 = vector.broadcast %parallel_loop3A_194 : i32 to vector<16xi32>
        %parallel_loop3A_196 = arith.andi %parallel_loop3A_193, %parallel_loop3A_195 : vector<16xi32>
        %parallel_loop3A_197 = tpu.vector_load_idx %arg14[%parallel_loop3A_151, %parallel_loop3A_196] : memref<128x128xf32, #tpu.memory_space<vmem>>[vector<16xi32>, vector<16xi32>], vector<16xf32>,
        %parallel_loop3A_198 = tpu.vector_load_idx %arg15[%parallel_loop3A_151, %parallel_loop3A_196] : memref<128x128xf32, #tpu.memory_space<vmem>>[vector<16xi32>, vector<16xi32>], vector<16xf32>,
        %parallel_loop3A_199 = tpu.vector_load_idx %arg16[%parallel_loop3A_151, %parallel_loop3A_196] : memref<128x128xf32, #tpu.memory_space<vmem>>[vector<16xi32>, vector<16xi32>], vector<16xf32>,
        %parallel_loop3A_200 = arith.addf %parallel_loop3A_197, %parallel_loop3A_198 : vector<16xf32>
        %parallel_loop3A_201 = arith.subf %parallel_loop3A_200, %parallel_loop3A_199 : vector<16xf32>
        %parallel_loop3A_202 = math.absf %parallel_loop3A_201 : vector<16xf32>
        %parallel_loop3A_203 = arith.addf %scan3A_171, %parallel_loop3A_202 : vector<16xf32>
        %parallel_loop3A_204 = arith.constant 16 : i32
        %parallel_loop3A_205 = arith.muli %scan3A, %parallel_loop3A_204 : i32
        %parallel_loop3A_206 = arith.constant 2 : i32
        %parallel_loop3A_207 = arith.addi %parallel_loop3A_205, %parallel_loop3A_206 : i32
        %parallel_loop3A_208 = vector.broadcast %parallel_loop3A_207 : i32 to vector<16xi32>
        %parallel_loop3A_209 = arith.addi %iota3A_143, %parallel_loop3A_208 : vector<16xi32>
        %parallel_loop3A_210 = arith.constant 127 : i32
        %parallel_loop3A_211 = vector.broadcast %parallel_loop3A_210 : i32 to vector<16xi32>
        %parallel_loop3A_212 = arith.andi %parallel_loop3A_209, %parallel_loop3A_211 : vector<16xi32>
        %parallel_loop3A_213 = tpu.vector_load_idx %arg14[%parallel_loop3A_151, %parallel_loop3A_212] : memref<128x128xf32, #tpu.memory_space<vmem>>[vector<16xi32>, vector<16xi32>], vector<16xf32>,
        %parallel_loop3A_214 = tpu.vector_load_idx %arg15[%parallel_loop3A_151, %parallel_loop3A_212] : memref<128x128xf32, #tpu.memory_space<vmem>>[vector<16xi32>, vector<16xi32>], vector<16xf32>,
        %parallel_loop3A_215 = tpu.vector_load_idx %arg16[%parallel_loop3A_151, %parallel_loop3A_212] : memref<128x128xf32, #tpu.memory_space<vmem>>[vector<16xi32>, vector<16xi32>], vector<16xf32>,
        %parallel_loop3A_216 = arith.addf %parallel_loop3A_213, %parallel_loop3A_214 : vector<16xf32>
        %parallel_loop3A_217 = arith.subf %parallel_loop3A_216, %parallel_loop3A_215 : vector<16xf32>
        %parallel_loop3A_218 = math.absf %parallel_loop3A_217 : vector<16xf32>
        %parallel_loop3A_219 = arith.addf %parallel_loop3A_187, %parallel_loop3A_218 : vector<16xf32>
        %parallel_loop3A_220 = arith.constant 16 : i32
        %parallel_loop3A_221 = arith.muli %scan3A, %parallel_loop3A_220 : i32
        %parallel_loop3A_222 = arith.constant 3 : i32
        %parallel_loop3A_223 = arith.addi %parallel_loop3A_221, %parallel_loop3A_222 : i32
        %parallel_loop3A_224 = vector.broadcast %parallel_loop3A_223 : i32 to vector<16xi32>
        %parallel_loop3A_225 = arith.addi %iota3A_143, %parallel_loop3A_224 : vector<16xi32>
        %parallel_loop3A_226 = arith.constant 127 : i32
        %parallel_loop3A_227 = vector.broadcast %parallel_loop3A_226 : i32 to vector<16xi32>
        %parallel_loop3A_228 = arith.andi %parallel_loop3A_225, %parallel_loop3A_227 : vector<16xi32>
        %parallel_loop3A_229 = tpu.vector_load_idx %arg14[%parallel_loop3A_151, %parallel_loop3A_228] : memref<128x128xf32, #tpu.memory_space<vmem>>[vector<16xi32>, vector<16xi32>], vector<16xf32>,
        %parallel_loop3A_230 = tpu.vector_load_idx %arg15[%parallel_loop3A_151, %parallel_loop3A_228] : memref<128x128xf32, #tpu.memory_space<vmem>>[vector<16xi32>, vector<16xi32>], vector<16xf32>,
        %parallel_loop3A_231 = tpu.vector_load_idx %arg16[%parallel_loop3A_151, %parallel_loop3A_228] : memref<128x128xf32, #tpu.memory_space<vmem>>[vector<16xi32>, vector<16xi32>], vector<16xf32>,
        %parallel_loop3A_232 = arith.addf %parallel_loop3A_229, %parallel_loop3A_230 : vector<16xf32>
        %parallel_loop3A_233 = arith.subf %parallel_loop3A_232, %parallel_loop3A_231 : vector<16xf32>
        %parallel_loop3A_234 = math.absf %parallel_loop3A_233 : vector<16xf32>
        %parallel_loop3A_235 = arith.addf %parallel_loop3A_203, %parallel_loop3A_234 : vector<16xf32>
        %parallel_loop3A_236 = arith.constant 16 : i32
        %parallel_loop3A_237 = arith.muli %scan3A, %parallel_loop3A_236 : i32
        %parallel_loop3A_238 = arith.constant 4 : i32
        %parallel_loop3A_239 = arith.addi %parallel_loop3A_237, %parallel_loop3A_238 : i32
        %parallel_loop3A_240 = vector.broadcast %parallel_loop3A_239 : i32 to vector<16xi32>
        %parallel_loop3A_241 = arith.addi %iota3A_143, %parallel_loop3A_240 : vector<16xi32>
        %parallel_loop3A_242 = arith.constant 127 : i32
        %parallel_loop3A_243 = vector.broadcast %parallel_loop3A_242 : i32 to vector<16xi32>
        %parallel_loop3A_244 = arith.andi %parallel_loop3A_241, %parallel_loop3A_243 : vector<16xi32>
        %parallel_loop3A_245 = tpu.vector_load_idx %arg14[%parallel_loop3A_151, %parallel_loop3A_244] : memref<128x128xf32, #tpu.memory_space<vmem>>[vector<16xi32>, vector<16xi32>], vector<16xf32>,
        %parallel_loop3A_246 = tpu.vector_load_idx %arg15[%parallel_loop3A_151, %parallel_loop3A_244] : memref<128x128xf32, #tpu.memory_space<vmem>>[vector<16xi32>, vector<16xi32>], vector<16xf32>,
        %parallel_loop3A_247 = tpu.vector_load_idx %arg16[%parallel_loop3A_151, %parallel_loop3A_244] : memref<128x128xf32, #tpu.memory_space<vmem>>[vector<16xi32>, vector<16xi32>], vector<16xf32>,
        %parallel_loop3A_248 = arith.addf %parallel_loop3A_245, %parallel_loop3A_246 : vector<16xf32>
        %parallel_loop3A_249 = arith.subf %parallel_loop3A_248, %parallel_loop3A_247 : vector<16xf32>
        %parallel_loop3A_250 = math.absf %parallel_loop3A_249 : vector<16xf32>
        %parallel_loop3A_251 = arith.addf %parallel_loop3A_219, %parallel_loop3A_250 : vector<16xf32>
        %parallel_loop3A_252 = arith.constant 16 : i32
        %parallel_loop3A_253 = arith.muli %scan3A, %parallel_loop3A_252 : i32
        %parallel_loop3A_254 = arith.constant 5 : i32
        %parallel_loop3A_255 = arith.addi %parallel_loop3A_253, %parallel_loop3A_254 : i32
        %parallel_loop3A_256 = vector.broadcast %parallel_loop3A_255 : i32 to vector<16xi32>
        %parallel_loop3A_257 = arith.addi %iota3A_143, %parallel_loop3A_256 : vector<16xi32>
        %parallel_loop3A_258 = arith.constant 127 : i32
        %parallel_loop3A_259 = vector.broadcast %parallel_loop3A_258 : i32 to vector<16xi32>
        %parallel_loop3A_260 = arith.andi %parallel_loop3A_257, %parallel_loop3A_259 : vector<16xi32>
        %parallel_loop3A_261 = tpu.vector_load_idx %arg14[%parallel_loop3A_151, %parallel_loop3A_260] : memref<128x128xf32, #tpu.memory_space<vmem>>[vector<16xi32>, vector<16xi32>], vector<16xf32>,
        %parallel_loop3A_262 = tpu.vector_load_idx %arg15[%parallel_loop3A_151, %parallel_loop3A_260] : memref<128x128xf32, #tpu.memory_space<vmem>>[vector<16xi32>, vector<16xi32>], vector<16xf32>,
        %parallel_loop3A_263 = tpu.vector_load_idx %arg16[%parallel_loop3A_151, %parallel_loop3A_260] : memref<128x128xf32, #tpu.memory_space<vmem>>[vector<16xi32>, vector<16xi32>], vector<16xf32>,
        %parallel_loop3A_264 = arith.addf %parallel_loop3A_261, %parallel_loop3A_262 : vector<16xf32>
        %parallel_loop3A_265 = arith.subf %parallel_loop3A_264, %parallel_loop3A_263 : vector<16xf32>
        %parallel_loop3A_266 = math.absf %parallel_loop3A_265 : vector<16xf32>
        %parallel_loop3A_267 = arith.addf %parallel_loop3A_235, %parallel_loop3A_266 : vector<16xf32>
        %parallel_loop3A_268 = arith.constant 16 : i32
        %parallel_loop3A_269 = arith.muli %scan3A, %parallel_loop3A_268 : i32
        %parallel_loop3A_270 = arith.constant 6 : i32
        %parallel_loop3A_271 = arith.addi %parallel_loop3A_269, %parallel_loop3A_270 : i32
        %parallel_loop3A_272 = vector.broadcast %parallel_loop3A_271 : i32 to vector<16xi32>
        %parallel_loop3A_273 = arith.addi %iota3A_143, %parallel_loop3A_272 : vector<16xi32>
        %parallel_loop3A_274 = arith.constant 127 : i32
        %parallel_loop3A_275 = vector.broadcast %parallel_loop3A_274 : i32 to vector<16xi32>
        %parallel_loop3A_276 = arith.andi %parallel_loop3A_273, %parallel_loop3A_275 : vector<16xi32>
        %parallel_loop3A_277 = tpu.vector_load_idx %arg14[%parallel_loop3A_151, %parallel_loop3A_276] : memref<128x128xf32, #tpu.memory_space<vmem>>[vector<16xi32>, vector<16xi32>], vector<16xf32>,
        %parallel_loop3A_278 = tpu.vector_load_idx %arg15[%parallel_loop3A_151, %parallel_loop3A_276] : memref<128x128xf32, #tpu.memory_space<vmem>>[vector<16xi32>, vector<16xi32>], vector<16xf32>,
        %parallel_loop3A_279 = tpu.vector_load_idx %arg16[%parallel_loop3A_151, %parallel_loop3A_276] : memref<128x128xf32, #tpu.memory_space<vmem>>[vector<16xi32>, vector<16xi32>], vector<16xf32>,
        %parallel_loop3A_280 = arith.addf %parallel_loop3A_277, %parallel_loop3A_278 : vector<16xf32>
        %parallel_loop3A_281 = arith.subf %parallel_loop3A_280, %parallel_loop3A_279 : vector<16xf32>
        %parallel_loop3A_282 = math.absf %parallel_loop3A_281 : vector<16xf32>
        %parallel_loop3A_283 = arith.addf %parallel_loop3A_251, %parallel_loop3A_282 : vector<16xf32>
        %parallel_loop3A_284 = arith.constant 16 : i32
        %parallel_loop3A_285 = arith.muli %scan3A, %parallel_loop3A_284 : i32
        %parallel_loop3A_286 = arith.constant 7 : i32
        %parallel_loop3A_287 = arith.addi %parallel_loop3A_285, %parallel_loop3A_286 : i32
        %parallel_loop3A_288 = vector.broadcast %parallel_loop3A_287 : i32 to vector<16xi32>
        %parallel_loop3A_289 = arith.addi %iota3A_143, %parallel_loop3A_288 : vector<16xi32>
        %parallel_loop3A_290 = arith.constant 127 : i32
        %parallel_loop3A_291 = vector.broadcast %parallel_loop3A_290 : i32 to vector<16xi32>
        %parallel_loop3A_292 = arith.andi %parallel_loop3A_289, %parallel_loop3A_291 : vector<16xi32>
        %parallel_loop3A_293 = tpu.vector_load_idx %arg14[%parallel_loop3A_151, %parallel_loop3A_292] : memref<128x128xf32, #tpu.memory_space<vmem>>[vector<16xi32>, vector<16xi32>], vector<16xf32>,
        %parallel_loop3A_294 = tpu.vector_load_idx %arg15[%parallel_loop3A_151, %parallel_loop3A_292] : memref<128x128xf32, #tpu.memory_space<vmem>>[vector<16xi32>, vector<16xi32>], vector<16xf32>,
        %parallel_loop3A_295 = tpu.vector_load_idx %arg16[%parallel_loop3A_151, %parallel_loop3A_292] : memref<128x128xf32, #tpu.memory_space<vmem>>[vector<16xi32>, vector<16xi32>], vector<16xf32>,
        %parallel_loop3A_296 = arith.addf %parallel_loop3A_293, %parallel_loop3A_294 : vector<16xf32>
        %parallel_loop3A_297 = arith.subf %parallel_loop3A_296, %parallel_loop3A_295 : vector<16xf32>
        %parallel_loop3A_298 = math.absf %parallel_loop3A_297 : vector<16xf32>
        %parallel_loop3A_299 = arith.addf %parallel_loop3A_267, %parallel_loop3A_298 : vector<16xf32>
        %parallel_loop3A_300 = arith.constant 16 : i32
        %parallel_loop3A_301 = arith.muli %scan3A, %parallel_loop3A_300 : i32
        %parallel_loop3A_302 = arith.constant 8 : i32
        %parallel_loop3A_303 = arith.addi %parallel_loop3A_301, %parallel_loop3A_302 : i32
        %parallel_loop3A_304 = vector.broadcast %parallel_loop3A_303 : i32 to vector<16xi32>
        %parallel_loop3A_305 = arith.addi %iota3A_143, %parallel_loop3A_304 : vector<16xi32>
        %parallel_loop3A_306 = arith.constant 127 : i32
        %parallel_loop3A_307 = vector.broadcast %parallel_loop3A_306 : i32 to vector<16xi32>
        %parallel_loop3A_308 = arith.andi %parallel_loop3A_305, %parallel_loop3A_307 : vector<16xi32>
        %parallel_loop3A_309 = tpu.vector_load_idx %arg14[%parallel_loop3A_151, %parallel_loop3A_308] : memref<128x128xf32, #tpu.memory_space<vmem>>[vector<16xi32>, vector<16xi32>], vector<16xf32>,
        %parallel_loop3A_310 = tpu.vector_load_idx %arg15[%parallel_loop3A_151, %parallel_loop3A_308] : memref<128x128xf32, #tpu.memory_space<vmem>>[vector<16xi32>, vector<16xi32>], vector<16xf32>,
        %parallel_loop3A_311 = tpu.vector_load_idx %arg16[%parallel_loop3A_151, %parallel_loop3A_308] : memref<128x128xf32, #tpu.memory_space<vmem>>[vector<16xi32>, vector<16xi32>], vector<16xf32>,
        %parallel_loop3A_312 = arith.addf %parallel_loop3A_309, %parallel_loop3A_310 : vector<16xf32>
        %parallel_loop3A_313 = arith.subf %parallel_loop3A_312, %parallel_loop3A_311 : vector<16xf32>
        %parallel_loop3A_314 = math.absf %parallel_loop3A_313 : vector<16xf32>
        %parallel_loop3A_315 = arith.addf %parallel_loop3A_283, %parallel_loop3A_314 : vector<16xf32>
        %parallel_loop3A_316 = arith.constant 16 : i32
        %parallel_loop3A_317 = arith.muli %scan3A, %parallel_loop3A_316 : i32
        %parallel_loop3A_318 = arith.constant 9 : i32
        %parallel_loop3A_319 = arith.addi %parallel_loop3A_317, %parallel_loop3A_318 : i32
        %parallel_loop3A_320 = vector.broadcast %parallel_loop3A_319 : i32 to vector<16xi32>
        %parallel_loop3A_321 = arith.addi %iota3A_143, %parallel_loop3A_320 : vector<16xi32>
        %parallel_loop3A_322 = arith.constant 127 : i32
        %parallel_loop3A_323 = vector.broadcast %parallel_loop3A_322 : i32 to vector<16xi32>
        %parallel_loop3A_324 = arith.andi %parallel_loop3A_321, %parallel_loop3A_323 : vector<16xi32>
        %parallel_loop3A_325 = tpu.vector_load_idx %arg14[%parallel_loop3A_151, %parallel_loop3A_324] : memref<128x128xf32, #tpu.memory_space<vmem>>[vector<16xi32>, vector<16xi32>], vector<16xf32>,
        %parallel_loop3A_326 = tpu.vector_load_idx %arg15[%parallel_loop3A_151, %parallel_loop3A_324] : memref<128x128xf32, #tpu.memory_space<vmem>>[vector<16xi32>, vector<16xi32>], vector<16xf32>,
        %parallel_loop3A_327 = tpu.vector_load_idx %arg16[%parallel_loop3A_151, %parallel_loop3A_324] : memref<128x128xf32, #tpu.memory_space<vmem>>[vector<16xi32>, vector<16xi32>], vector<16xf32>,
        %parallel_loop3A_328 = arith.addf %parallel_loop3A_325, %parallel_loop3A_326 : vector<16xf32>
        %parallel_loop3A_329 = arith.subf %parallel_loop3A_328, %parallel_loop3A_327 : vector<16xf32>
        %parallel_loop3A_330 = math.absf %parallel_loop3A_329 : vector<16xf32>
        %parallel_loop3A_331 = arith.addf %parallel_loop3A_299, %parallel_loop3A_330 : vector<16xf32>
        %parallel_loop3A_332 = arith.constant 16 : i32
        %parallel_loop3A_333 = arith.muli %scan3A, %parallel_loop3A_332 : i32
        %parallel_loop3A_334 = arith.constant 10 : i32
        %parallel_loop3A_335 = arith.addi %parallel_loop3A_333, %parallel_loop3A_334 : i32
        %parallel_loop3A_336 = vector.broadcast %parallel_loop3A_335 : i32 to vector<16xi32>
        %parallel_loop3A_337 = arith.addi %iota3A_143, %parallel_loop3A_336 : vector<16xi32>
        %parallel_loop3A_338 = arith.constant 127 : i32
        %parallel_loop3A_339 = vector.broadcast %parallel_loop3A_338 : i32 to vector<16xi32>
        %parallel_loop3A_340 = arith.andi %parallel_loop3A_337, %parallel_loop3A_339 : vector<16xi32>
        %parallel_loop3A_341 = tpu.vector_load_idx %arg14[%parallel_loop3A_151, %parallel_loop3A_340] : memref<128x128xf32, #tpu.memory_space<vmem>>[vector<16xi32>, vector<16xi32>], vector<16xf32>,
        %parallel_loop3A_342 = tpu.vector_load_idx %arg15[%parallel_loop3A_151, %parallel_loop3A_340] : memref<128x128xf32, #tpu.memory_space<vmem>>[vector<16xi32>, vector<16xi32>], vector<16xf32>,
        %parallel_loop3A_343 = tpu.vector_load_idx %arg16[%parallel_loop3A_151, %parallel_loop3A_340] : memref<128x128xf32, #tpu.memory_space<vmem>>[vector<16xi32>, vector<16xi32>], vector<16xf32>,
        %parallel_loop3A_344 = arith.addf %parallel_loop3A_341, %parallel_loop3A_342 : vector<16xf32>
        %parallel_loop3A_345 = arith.subf %parallel_loop3A_344, %parallel_loop3A_343 : vector<16xf32>
        %parallel_loop3A_346 = math.absf %parallel_loop3A_345 : vector<16xf32>
        %parallel_loop3A_347 = arith.addf %parallel_loop3A_315, %parallel_loop3A_346 : vector<16xf32>
        %parallel_loop3A_348 = arith.constant 16 : i32
        %parallel_loop3A_349 = arith.muli %scan3A, %parallel_loop3A_348 : i32
        %parallel_loop3A_350 = arith.constant 11 : i32
        %parallel_loop3A_351 = arith.addi %parallel_loop3A_349, %parallel_loop3A_350 : i32
        %parallel_loop3A_352 = vector.broadcast %parallel_loop3A_351 : i32 to vector<16xi32>
        %parallel_loop3A_353 = arith.addi %iota3A_143, %parallel_loop3A_352 : vector<16xi32>
        %parallel_loop3A_354 = arith.constant 127 : i32
        %parallel_loop3A_355 = vector.broadcast %parallel_loop3A_354 : i32 to vector<16xi32>
        %parallel_loop3A_356 = arith.andi %parallel_loop3A_353, %parallel_loop3A_355 : vector<16xi32>
        %parallel_loop3A_357 = tpu.vector_load_idx %arg14[%parallel_loop3A_151, %parallel_loop3A_356] : memref<128x128xf32, #tpu.memory_space<vmem>>[vector<16xi32>, vector<16xi32>], vector<16xf32>,
        %parallel_loop3A_358 = tpu.vector_load_idx %arg15[%parallel_loop3A_151, %parallel_loop3A_356] : memref<128x128xf32, #tpu.memory_space<vmem>>[vector<16xi32>, vector<16xi32>], vector<16xf32>,
        %parallel_loop3A_359 = tpu.vector_load_idx %arg16[%parallel_loop3A_151, %parallel_loop3A_356] : memref<128x128xf32, #tpu.memory_space<vmem>>[vector<16xi32>, vector<16xi32>], vector<16xf32>,
        %parallel_loop3A_360 = arith.addf %parallel_loop3A_357, %parallel_loop3A_358 : vector<16xf32>
        %parallel_loop3A_361 = arith.subf %parallel_loop3A_360, %parallel_loop3A_359 : vector<16xf32>
        %parallel_loop3A_362 = math.absf %parallel_loop3A_361 : vector<16xf32>
        %parallel_loop3A_363 = arith.addf %parallel_loop3A_331, %parallel_loop3A_362 : vector<16xf32>
        %parallel_loop3A_364 = arith.constant 16 : i32
        %parallel_loop3A_365 = arith.muli %scan3A, %parallel_loop3A_364 : i32
        %parallel_loop3A_366 = arith.constant 12 : i32
        %parallel_loop3A_367 = arith.addi %parallel_loop3A_365, %parallel_loop3A_366 : i32
        %parallel_loop3A_368 = vector.broadcast %parallel_loop3A_367 : i32 to vector<16xi32>
        %parallel_loop3A_369 = arith.addi %iota3A_143, %parallel_loop3A_368 : vector<16xi32>
        %parallel_loop3A_370 = arith.constant 127 : i32
        %parallel_loop3A_371 = vector.broadcast %parallel_loop3A_370 : i32 to vector<16xi32>
        %parallel_loop3A_372 = arith.andi %parallel_loop3A_369, %parallel_loop3A_371 : vector<16xi32>
        %parallel_loop3A_373 = tpu.vector_load_idx %arg14[%parallel_loop3A_151, %parallel_loop3A_372] : memref<128x128xf32, #tpu.memory_space<vmem>>[vector<16xi32>, vector<16xi32>], vector<16xf32>,
        %parallel_loop3A_374 = tpu.vector_load_idx %arg15[%parallel_loop3A_151, %parallel_loop3A_372] : memref<128x128xf32, #tpu.memory_space<vmem>>[vector<16xi32>, vector<16xi32>], vector<16xf32>,
        %parallel_loop3A_375 = tpu.vector_load_idx %arg16[%parallel_loop3A_151, %parallel_loop3A_372] : memref<128x128xf32, #tpu.memory_space<vmem>>[vector<16xi32>, vector<16xi32>], vector<16xf32>,
        %parallel_loop3A_376 = arith.addf %parallel_loop3A_373, %parallel_loop3A_374 : vector<16xf32>
        %parallel_loop3A_377 = arith.subf %parallel_loop3A_376, %parallel_loop3A_375 : vector<16xf32>
        %parallel_loop3A_378 = math.absf %parallel_loop3A_377 : vector<16xf32>
        %parallel_loop3A_379 = arith.addf %parallel_loop3A_347, %parallel_loop3A_378 : vector<16xf32>
        %parallel_loop3A_380 = arith.constant 16 : i32
        %parallel_loop3A_381 = arith.muli %scan3A, %parallel_loop3A_380 : i32
        %parallel_loop3A_382 = arith.constant 13 : i32
        %parallel_loop3A_383 = arith.addi %parallel_loop3A_381, %parallel_loop3A_382 : i32
        %parallel_loop3A_384 = vector.broadcast %parallel_loop3A_383 : i32 to vector<16xi32>
        %parallel_loop3A_385 = arith.addi %iota3A_143, %parallel_loop3A_384 : vector<16xi32>
        %parallel_loop3A_386 = arith.constant 127 : i32
        %parallel_loop3A_387 = vector.broadcast %parallel_loop3A_386 : i32 to vector<16xi32>
        %parallel_loop3A_388 = arith.andi %parallel_loop3A_385, %parallel_loop3A_387 : vector<16xi32>
        %parallel_loop3A_389 = tpu.vector_load_idx %arg14[%parallel_loop3A_151, %parallel_loop3A_388] : memref<128x128xf32, #tpu.memory_space<vmem>>[vector<16xi32>, vector<16xi32>], vector<16xf32>,
        %parallel_loop3A_390 = tpu.vector_load_idx %arg15[%parallel_loop3A_151, %parallel_loop3A_388] : memref<128x128xf32, #tpu.memory_space<vmem>>[vector<16xi32>, vector<16xi32>], vector<16xf32>,
        %parallel_loop3A_391 = tpu.vector_load_idx %arg16[%parallel_loop3A_151, %parallel_loop3A_388] : memref<128x128xf32, #tpu.memory_space<vmem>>[vector<16xi32>, vector<16xi32>], vector<16xf32>,
        %parallel_loop3A_392 = arith.addf %parallel_loop3A_389, %parallel_loop3A_390 : vector<16xf32>
        %parallel_loop3A_393 = arith.subf %parallel_loop3A_392, %parallel_loop3A_391 : vector<16xf32>
        %parallel_loop3A_394 = math.absf %parallel_loop3A_393 : vector<16xf32>
        %parallel_loop3A_395 = arith.addf %parallel_loop3A_363, %parallel_loop3A_394 : vector<16xf32>
        %parallel_loop3A_396 = arith.constant 16 : i32
        %parallel_loop3A_397 = arith.muli %scan3A, %parallel_loop3A_396 : i32
        %parallel_loop3A_398 = arith.constant 14 : i32
        %parallel_loop3A_399 = arith.addi %parallel_loop3A_397, %parallel_loop3A_398 : i32
        %parallel_loop3A_400 = vector.broadcast %parallel_loop3A_399 : i32 to vector<16xi32>
        %parallel_loop3A_401 = arith.addi %iota3A_143, %parallel_loop3A_400 : vector<16xi32>
        %parallel_loop3A_402 = arith.constant 127 : i32
        %parallel_loop3A_403 = vector.broadcast %parallel_loop3A_402 : i32 to vector<16xi32>
        %parallel_loop3A_404 = arith.andi %parallel_loop3A_401, %parallel_loop3A_403 : vector<16xi32>
        %parallel_loop3A_405 = tpu.vector_load_idx %arg14[%parallel_loop3A_151, %parallel_loop3A_404] : memref<128x128xf32, #tpu.memory_space<vmem>>[vector<16xi32>, vector<16xi32>], vector<16xf32>,
        %parallel_loop3A_406 = tpu.vector_load_idx %arg15[%parallel_loop3A_151, %parallel_loop3A_404] : memref<128x128xf32, #tpu.memory_space<vmem>>[vector<16xi32>, vector<16xi32>], vector<16xf32>,
        %parallel_loop3A_407 = tpu.vector_load_idx %arg16[%parallel_loop3A_151, %parallel_loop3A_404] : memref<128x128xf32, #tpu.memory_space<vmem>>[vector<16xi32>, vector<16xi32>], vector<16xf32>,
        %parallel_loop3A_408 = arith.addf %parallel_loop3A_405, %parallel_loop3A_406 : vector<16xf32>
        %parallel_loop3A_409 = arith.subf %parallel_loop3A_408, %parallel_loop3A_407 : vector<16xf32>
        %parallel_loop3A_410 = math.absf %parallel_loop3A_409 : vector<16xf32>
        %parallel_loop3A_411 = arith.addf %parallel_loop3A_379, %parallel_loop3A_410 : vector<16xf32>
        %parallel_loop3A_412 = arith.constant 16 : i32
        %parallel_loop3A_413 = arith.muli %scan3A, %parallel_loop3A_412 : i32
        %parallel_loop3A_414 = arith.constant 15 : i32
        %parallel_loop3A_415 = arith.addi %parallel_loop3A_413, %parallel_loop3A_414 : i32
        %parallel_loop3A_416 = vector.broadcast %parallel_loop3A_415 : i32 to vector<16xi32>
        %parallel_loop3A_417 = arith.addi %iota3A_143, %parallel_loop3A_416 : vector<16xi32>
        %parallel_loop3A_418 = arith.constant 127 : i32
        %parallel_loop3A_419 = vector.broadcast %parallel_loop3A_418 : i32 to vector<16xi32>
        %parallel_loop3A_420 = arith.andi %parallel_loop3A_417, %parallel_loop3A_419 : vector<16xi32>
        %parallel_loop3A_421 = tpu.vector_load_idx %arg14[%parallel_loop3A_151, %parallel_loop3A_420] : memref<128x128xf32, #tpu.memory_space<vmem>>[vector<16xi32>, vector<16xi32>], vector<16xf32>,
        %parallel_loop3A_422 = tpu.vector_load_idx %arg15[%parallel_loop3A_151, %parallel_loop3A_420] : memref<128x128xf32, #tpu.memory_space<vmem>>[vector<16xi32>, vector<16xi32>], vector<16xf32>,
        %parallel_loop3A_423 = tpu.vector_load_idx %arg16[%parallel_loop3A_151, %parallel_loop3A_420] : memref<128x128xf32, #tpu.memory_space<vmem>>[vector<16xi32>, vector<16xi32>], vector<16xf32>,
        %parallel_loop3A_424 = arith.addf %parallel_loop3A_421, %parallel_loop3A_422 : vector<16xf32>
        %parallel_loop3A_425 = arith.subf %parallel_loop3A_424, %parallel_loop3A_423 : vector<16xf32>
        %parallel_loop3A_426 = math.absf %parallel_loop3A_425 : vector<16xf32>
        %parallel_loop3A_427 = arith.addf %parallel_loop3A_395, %parallel_loop3A_426 : vector<16xf32>
        scf.yield %parallel_loop3A_411, %parallel_loop3A_427 : vector<16xf32>, vector<16xf32>
      }
      %parallel_loop3A_159 = arith.constant 8 : i32
      %parallel_loop3A_160 = arith.addf %parallel_loop3A_158#0, %parallel_loop3A_158#1 : vector<16xf32>
      %parallel_loop3A_161 = arith.constant 0.000000e+00 : f32
      %parallel_loop3A_162 = vector.broadcast %parallel_loop3A_161 : f32 to vector<16xf32>
      %parallel_loop3A_163 = arith.subf %parallel_loop3A_162, %parallel_loop3A_160 : vector<16xf32>
      %parallel_loop3A_164 = arith.constant 16 : i32
      %parallel_loop3A_165 = arith.muli %parallel_loop3A_147, %parallel_loop3A_164 : i32
      %parallel_loop3A_166 = arith.constant 384 : i32
      %parallel_loop3A_167 = arith.addi %parallel_loop3A_166, %parallel_loop3A_165 : i32
      %parallel_loop3A_168 = arith.index_cast %parallel_loop3A_167 : i32 to index
      %parallel_loop3A_169 = tpu.vector_load %arg17[%parallel_loop3A_168] {strides = array<i32>} : memref<512xf32, #tpu.memory_space<vmem>>, vector<16xf32>,
      tpu.vector_store %arg17[%parallel_loop3A_168], %parallel_loop3A_163 {strides = array<i32>} : memref<512xf32, #tpu.memory_space<vmem>>, vector<16xf32>,
    } {sc.loop_unroll_factor = 2 : i64, sc.parallel_access}
    "tpu.region"() ({
      %run_scoped3A = tpu.sem_alloc : memref<!tpu.dma_semaphore, #tpu.memory_space<semaphore_mem>>
      %dma_start3A_147 = tpu.memref_slice %arg7[%mul3A_2] : memref<16384xf32, #tpu.memory_space<hbm>> -> memref<512xf32, #tpu.memory_space<hbm>>
      %dma_start3A_148 = tpu.memref_slice %arg7[%mul3A_2] : memref<16384xf32, #tpu.memory_space<hbm>> -> memref<512xf32, #tpu.memory_space<hbm>>
      tpu.enqueue_dma source(%arg17 : memref<512xf32, #tpu.memory_space<vmem>>) target(%dma_start3A_148 : memref<512xf32, #tpu.memory_space<hbm>>) target_semaphore(%run_scoped3A : memref<!tpu.dma_semaphore, #tpu.memory_space<semaphore_mem>>)
      %dma_wait3A_149 = tpu.memref_slice %arg7[%mul3A_2] : memref<16384xf32, #tpu.memory_space<hbm>> -> memref<512xf32, #tpu.memory_space<hbm>>
      %dma_wait3A_150 = tpu.memref_slice %arg7[%mul3A_2] : memref<16384xf32, #tpu.memory_space<hbm>> -> memref<512xf32, #tpu.memory_space<hbm>>
      tpu.wait_dma2 semaphore(%run_scoped3A : memref<!tpu.dma_semaphore, #tpu.memory_space<semaphore_mem>>) src(%arg17 : memref<512xf32, #tpu.memory_space<vmem>>) dst(%dma_wait3A_150 : memref<512xf32, #tpu.memory_space<hbm>>)
      tpu.yield
    }) : () -> ()
    return
  }
}

</mosaic_0001>

<sc_bundles>
// kernel: _transe_sc.3.cloned.1.call-start
scs
__scs_entry_jumppad:
0x0: {  	(pc) =	sbr.rel $0x88, $3  }
0x1: {  	(tag) =	ssettag $0x0;
	lr =	simm.s32 $0x1  }
0x2: {  	[smem:$0x3F9C] =	sst lr;
	_ =	strace $0xD0000000  }
0x3: {  	_ = 	snop  }
0x4: {  	_ = 	snop  }
0x5: {  	_ = 	snop  }
0x6: {  	_ = 	snop  }
0x7: {  	_ = 	snop  }
__scs_overlays_trampoline_lowered:
0x8: {  	[smem:$0x3FAB] =	sst s0  }
0x9: {  	[smem:$0x3FAC] =	sst s1  }
0xa: {  	[smem:$0x3FAD] =	sst s2  }
0xb: {  	[smem:$0x3FAE] =	sst s3  }
0xc: {  	[smem:$0x3FAF] =	sst s4  }
0xd: {  	[smem:$0x3FB0] =	sst s5  }
0xe: {  	[smem:$0x3FB1] =	sst s6  }
0xf: {  	[smem:$0x3FB2] =	sst s7  }
0x10: {  	[smem:$0x3FB3] =	sst s8  }
0x11: {  	[smem:$0x3FB4] =	sst s9;
	s0 =	simm.s32 @!p0 $0x0  }
0x12: {  	s1 =	sld [smem:$0x3F9A];
	s0 =	simm.s32 @p0 $0x1  }
0x13: {  	[smem:$0x3FB5] =	sst s0;
	s0 =	simm.s32 @!p1 $0x0  }
0x14: {  	s2 =	sld [smem:$0x3F99];
	s0 =	simm.s32 @p1 $0x1  }
0x15: {  	[smem:$0x3FB6] =	sst s0;
	s0 =	simm.s32 @!p2 $0x0  }
0x16: {  	s3 =	sld [smem:$0x3FDB];
	s0 =	simm.s32 @p2 $0x1  }
0x17: {  	s4 =	simm.s32 $0x1BF5;
	[smem:$0x3FB8] =	sst s0  }
0x18: {  	s0 =	sld [smem:$0x3F9B];
	_ =	swait.ge [sflag:s4], $0x0  }
0x19: {  	s7 =	sld [smem:$0x3F9C]  }
0x1a: {  	s8 =	sadd.s32 $0xFFFFE003, lr  }
0x1b: {  	s9 =	sadd.s32 $0xFFFFFEF7, lr;
	s5 =	simm.s32 $0xFFFFFFFF;
	p2 =	slt.u32 s8, $0xFFFFF086  }
0x1c: {  	p1 =	slt.u32 s9, $0xF7A;
	s5 =	simm.s32 @!p2 $0x0  }
0x1d: {  	s5 =	simm.s32 @p1 $0x1;
	p0 =	seq.s32 s7, s2  }
0x1e: {  	s7 =	smul.u32 @!p0 $0xF7A, s2;
	p2 =	seq.s32 @!p0 s5, $0x0  }
0x1f: {  	s9 =	smul.u32 $0xF7A, s1;
	s8 =	simm.s32 @!p0 $0x1BF5;
	p2 =	por !p2, p0  }
0x20: {  	[sflag:s8] =	ssyncset.s32 @!p0 $0xFFFFF086;
	s6 =	sadd.s32 @!p0 s3, s7;
	s7 =	simm.s32 @!p0 $0x108  }
0x21: {  	s3 =	sadd.s32 s3, s9;
	s6 =	sadd.s32 @!p0 $0x88, s6;
	s7 =	simm.s32 @p2 $0x1082  }
0x22: {  	[simem:s7], [sflag:s8] =	dma.local @!p0 [hbm:s6], $0xF7A  }
0x23: {  	s9 =	sor.u32 $0xD0000000, s2;
	s6 =	simm.s32 $0x108;
	_ =	swait.ge @!p0 [sflag:s8], $0x0  }
0x24: {  	s3 =	sadd.s32 $0x88, s3;
	s6 =	simm.s32 @!p1 $0x1082;
	[sflag:s4] =	ssyncset.s32 $0xFFFFF086  }
0x25: {  	[simem:s6], [sflag:s4] =	dma.local [hbm:s3], $0xF7A  }
0x26: {  	[smem:$0x3F9C] =	sst s1;
	(tag) =	ssettag s2;
	_ =	strace s9  }
0x27: {  	s1 =	sld [smem:$0x3FAC]  }
0x28: {  	s2 =	sld [smem:$0x3FAD]  }
0x29: {  	s4 =	sld [smem:$0x3FAF]  }
0x2a: {  	p0 =	seq.s32 s5, $0x0;
	s5 =	sld [smem:$0x3FB0]  }
0x2b: {  	s6 =	sld [smem:$0x3FB1]  }
0x2c: {  	s7 =	sld [smem:$0x3FB2]  }
0x2d: {  	s3 =	simm.s32 $0x108;
	s8 =	sld [smem:$0x3FB3]  }
0x2e: {  	s3 =	simm.s32 @!p0 $0x1082;
	s9 =	sld [smem:$0x3FB4]  }
0x2f: {  	lr =	sadd.s32 s0, s3;
	s0 =	sld [smem:$0x3FAB]  }
0x30: {  	s3 =	sld [smem:$0x3FAE]  }
0x31: {  	[smem:$0x3FB7] =	sst s10  }
0x32: {  	s10 =	sld [smem:$0x3FB5];
	_ =	sdelay $0x3  }
0x33: {  	p0 =	seq.s32 s10, $0x1;
	s10 =	sld [smem:$0x3FB7];
	_ =	sdelay $0x3  }
0x34: {  	[smem:$0x3FB7] =	sst s10  }
0x35: {  	s10 =	sld [smem:$0x3FB6];
	_ =	sdelay $0x3  }
0x36: {  	p1 =	seq.s32 s10, $0x1;
	s10 =	sld [smem:$0x3FB7];
	_ =	sdelay $0x3  }
0x37: {  	[smem:$0x3FB7] =	sst s10  }
0x38: {  	s10 =	sld [smem:$0x3FB8]  }
0x39: {  	_ = 	snop;
	(pc) =	sbr.ind lr, $3  }
0x3a: {  	_ = 	snop  }
0x3b: {  	_ = 	snop  }
0x3c: {  	p2 =	seq.s32 s10, $0x1;
	s10 =	sld [smem:$0x3FB7]  }
0x3d: {  	_ =	shalt  }
0x3e: {  	_ =	shalt  }
0x3f: {  	_ =	shalt  }
0x40: {  	_ =	shalt  }
0x41: {  	_ =	shalt  }
0x42: {  	_ =	shalt  }
0x43: {  	_ =	shalt  }
0x44: {  	_ =	shalt  }
0x45: {  	_ =	shalt  }
0x46: {  	_ =	shalt  }
0x47: {  	_ =	shalt  }
0x48: {  	_ =	shalt  }
0x49: {  	_ =	shalt  }
0x4a: {  	_ =	shalt  }
0x4b: {  	_ =	shalt  }
0x4c: {  	_ =	shalt  }
0x4d: {  	_ =	shalt  }
0x4e: {  	_ =	shalt  }
0x4f: {  	_ =	shalt  }
0x50: {  	_ =	shalt  }
0x51: {  	_ =	shalt  }
0x52: {  	_ =	shalt  }
0x53: {  	_ =	shalt  }
0x54: {  	_ =	shalt  }
0x55: {  	_ =	shalt  }
0x56: {  	_ =	shalt  }
0x57: {  	_ =	shalt  }
0x58: {  	_ =	shalt  }
0x59: {  	_ =	shalt  }
0x5a: {  	_ =	shalt  }
0x5b: {  	_ =	shalt  }
0x5c: {  	_ =	shalt  }
0x5d: {  	_ =	shalt  }
0x5e: {  	_ =	shalt  }
0x5f: {  	_ =	shalt  }
0x60: {  	_ =	shalt  }
0x61: {  	_ =	shalt  }
0x62: {  	_ =	shalt  }
0x63: {  	_ =	shalt  }
0x64: {  	_ =	shalt  }
0x65: {  	_ =	shalt  }
0x66: {  	_ =	shalt  }
0x67: {  	_ =	shalt  }
0x68: {  	_ =	shalt  }
0x69: {  	_ =	shalt  }
0x6a: {  	_ =	shalt  }
0x6b: {  	_ =	shalt  }
0x6c: {  	_ =	shalt  }
0x6d: {  	_ =	shalt  }
0x6e: {  	_ =	shalt  }
0x6f: {  	_ =	shalt  }
0x70: {  	_ =	shalt  }
0x71: {  	_ =	shalt  }
0x72: {  	_ =	shalt  }
0x73: {  	_ =	shalt  }
0x74: {  	_ =	shalt  }
0x75: {  	_ =	shalt  }
0x76: {  	_ =	shalt  }
0x77: {  	_ =	shalt  }
0x78: {  	_ =	shalt  }
0x79: {  	_ =	shalt  }
0x7a: {  	_ =	shalt  }
0x7b: {  	_ =	shalt  }
0x7c: {  	_ =	shalt  }
0x7d: {  	_ =	shalt  }
0x7e: {  	_ =	shalt  }
0x7f: {  	_ =	shalt  }
0x80: {  	_ =	shalt  }
0x81: {  	_ =	shalt  }
0x82: {  	_ =	shalt  }
0x83: {  	_ =	shalt  }
0x84: {  	_ =	shalt  }
0x85: {  	_ =	shalt  }
0x86: {  	_ =	shalt  }
0x87: {  	_ =	shalt  }
.Lfunc_end0:
.L_simem_size_0:
called_computation_lowered:
.L_overlay_start_0:
0x88: {  	s2 =	sld [smem:$0x3FD9]  }
0x89: {  	s3 =	sld [smem:$0x3FFE];
	_ =	sdelay $0x1  }
0x8a: {  	s1 =	srdreg.scid  }
0x8b: {  	s0 =	sand.u32 $0x1, s1  }
0x8c: {  	s18 =	sshll.u32 s0, $0xA;
	s2 =	sadd.s32 s3, s2  }
0x8d: {  	s2 =	sadd.s32 s2, s18  }
0x8e: {  	[smem:$0x3FC3] =	sst s2  }
0x8f: {  	_ = 	snop  }
0x90: {  	s2 =	sld [smem:$0x3FC9]  }
0x91: {  	s19 =	sld [smem:$0x3FC8]  }
0x92: {  	s4 =	sld [smem:$0x3FC7]  }
0x93: {  	s5 =	sld [smem:$0x3FC6]  }
0x94: {  	s6 =	sld [smem:$0x3FC5]  }
0x95: {  	s7 =	sld [smem:$0x3FD0];
	(tm) =	ssettm $0x1  }
0x96: {  	s8 =	sld [smem:$0x3FFB];
	_ =	sdelay $0x3  }
0x97: {  	_ =	strace s8  }
0x98: {  	s8 =	sld [smem:$0x3FFC];
	_ =	sdelay $0x3  }
0x99: {  	_ =	strace s8  }
0x9a: {  	s8 =	sld [smem:$0x3FFD];
	_ =	sdelay $0x3  }
0x9b: {  	_ =	strace s8  }
0x9c: {  	_ =	strace $0x8FFFFFFF  }
0x9d: {  	s20 =	sld [smem:$0x3FDB];
	_ =	sdelay $0x1  }
0x9e: {  	s9 =	simm.s32 $_scs_section_size  }
0x9f: {  	s10 =	simm.s32 $_size__tile_overlayer_lowered;
	s11 =	simm.s32 $_tile_overlayer_lowered  }
0xa0: {  	s23 =	simm.s32 $0x1BFF;
	s22 =	sshll.u32 s11, $0x1;
	s8 =	sadd.s32 s9, s20  }
0xa1: {  	s12 =	simm.s32 $0x0;
	s21 =	sshll.u32 s10, $0x1;
	s10 =	sadd.s32 s22, s8  }
0xa2: {  	[timem:s12], [sflag:s23] =	dma.local [hbm:s10], s21  }
0xa3: {  	_ =	swait.ge [sflag:s23], s21  }
0xa4: {  	s9 =	ssub.s32 $0x0, s21;
	[sflag:s23] =	ssyncset.done $0x0  }
0xa5: {  	[sflag:s23] =	ssyncadd.s32 s9;
	_ =	sdelay $0x1  }
0xa6: {  	s24 =	simm.s32 $0x1B8B  }
0xa7: {  	_ =	swait.ge [sflag:s24], $0x1  }
0xa8: {  	[sflag:s24] =	ssyncset.done $0x0  }
0xa9: {  	s25 =	simm.s32 $0x1B8E;
	[sflag:s24] =	ssyncadd.s32 $0xFFFFFFFF  }
0xaa: {  	s26 =	simm.s32 $execute0_lowered;
	[smem:$0x3FD2] =	sst s25  }
0xab: {  	s9 =	sshll.u32 s26, $0x1;
	_ =	strace $0x80000046;
	[dreg:$0x1] =	wrdreg $0xFFFFFFFF  }
0xac: {  	s28 =	simm.s32 $_size_execute0_lowered;
	s8 =	sadd.s32 s8, s9;
	[dreg:$0x0] =	wrdreg $0x0  }
0xad: {  	s9 =	sshll.u32 s28, $0x1;
	[dreg:$0x2] =	wrdreg s8  }
0xae: {  	[dreg:$0x3] =	wrdreg s9  }
0xaf: {  	[dreg:$0x4] =	wrdreg $0xC0  }
0xb0: {  	_ =	task [dreg:s12], $0x5FFFF  }
0xb1: {  	[dreg:$0x1] =	wrdreg $0xFFFFFFFF  }
0xb2: {  	[dreg:$0x0] =	wrdreg $0x60  }
0xb3: {  	[dreg:$0x2] =	wrdreg s2  }
0xb4: {  	[dreg:$0x3] =	wrdreg s19  }
0xb5: {  	[dreg:$0x4] =	wrdreg s4  }
0xb6: {  	[dreg:$0x5] =	wrdreg s5  }
0xb7: {  	[dreg:$0x6] =	wrdreg s6  }
0xb8: {  	[dreg:$0x7] =	wrdreg s7  }
0xb9: {  	[dreg:$0x8] =	wrdreg $0x9  }
0xba: {  	_ =	task.clear_ibuf [dreg:s12], $0x9FFFF;
	_ =	strace $0x90000046  }
0xbb: {  	s29 =	simm.s32 $0x9;
	_ =	strace $0x80000048  }
0xbc: {  	_ =	swait.ge [sflag:s29], $0x1  }
0xbd: {  	[sflag:s29] =	ssyncadd.s32 $0xFFFFFFFF  }
0xbe: {  	_ =	strace $0x90000048  }
0xbf: {  	_ =	sfence  }
0xc0: {  	s30 =	sld [smem:$0x0];
	_ =	sdelay $0x2  }
0xc1: {  	s31 =	sshll.u32 s1, $0xD;
	s1 =	sshrl.u32 s1, $0x2  }
0xc2: {  	s3 =	sand.u32 $0x4000, s31;
	s1 =	sadd.s32 s1, s30  }
0xc3: {  	s0 =	sor.u32 s3, s0;
	s1 =	sshll.u32 s1, $0x11  }
0xc4: {  	s0 =	sor.u32 s1, s0  }
0xc5: {  	s0 =	sadd.s32 $0x8F2B, s0  }
0xc6: {  	[sflag:s0] =	ssyncadd.remote.s32 $0x1  }
0xc7: {  	_ =	sfence.sel $0xFFFF  }
0xc8: {  	[dreg:$0x0] =	wrdreg $0xFFFFFFFF;
	(pc) =	sbr.abs _section_cstart, $3  }
0xc9: {  	[dreg:$0x1] =	wrdreg $0xFFFFFFFF  }
0xca: {  	_ =	task.clear_ibuf [dreg:s12], $0x2FFFF;
	_ =	strace $0x9FFFFFFF  }
0xcb: {  	(tm) =	ssettm $0x7FFFFFFF  }
tec
execute0_lowered:
.L_overlay_start_1:
0x0: {  	(tag) =	ssettag $0x1  }
0x1: {  	s0 =	rddreg [dreg:$0x0]  }
0x2: {  	s3 =	rddreg [dreg:$0x1]  }
0x3: {  	s7 =	rddreg [dreg:$0x2]  }
0x4: {  	s1 =	rddreg [dreg:$0x3]  }
0x5: {  	s2 =	rddreg [dreg:$0x4]  }
0x6: {  	s8 =	rddreg [dreg:$0x5]  }
0x7: {  	s5 =	srdreg.scid;
	s4 =	simm.s32 $0x0;
	s10 =	stileid.u32  }
0x8: {  	s11 =	simm.s32 $0x400;
	s12 =	simm.s32 $0x1;
	s13 =	simm.s32 $0x80  }
0x9: {  	s14 =	simm.s32 $0x600;
	s15 =	simm.s32 $0x4600;
	s16 =	simm.s32 $0x8600  }
0xa: {  	s17 =	simm.s32 $0xC600;
	s19 =	simm.s32 $0x10600;
	s21 =	simm.s32 $0x14600  }
0xb: {  	s22 =	simm.s32 $0x2;
	s31 =	simm.s32 $0x3;
	s5 =	sand.u32 $0x1, s5  }
0xc: {  	s10 =	sshll.u32 s10, $0x7;
	s6 =	ssub.s32 $0x2, s5;
	s5 =	sshll.u32 s5, $0x6  }
0xd: {  	[smem:$0x7FF] =	sst s4;
	s9 =	sshrl.u32 s6, $0x1;
	s10 =	sor.u32 s5, s10  }
0xe: {  	_ =	strace $0x80000047;
	s9 =	ssub.s32 s6, s9;
	s5 =	sadd.s32 s0, s10  }
0xf: {  	v0 =	vlaneseq.u32;
	s6 =	sadd.s32 s3, s10;
	s7 =	sadd.s32 s7, s10;
	s8 =	sadd.s32 s8, s10  }
0x10: {  	v1 =	vmul.u32 $0x80, v0;
	s10 =	simm.s32 $0x200;
	s0 =	simm.s32 $0x0;
	s9 =	smax.u32 s9, $0x1  }
.LBB2_1:
0x11: {  	[tilespmem:s4], [sflag:$0x1] =	stream.linear.gather [hbm4b:s5+s4], $0x200, $0x38;
	[tilespmem:$0x18800] =	vst v63  }
0x12: {  	_ = 	snop  }
0x13: {  	[tilespmem:s10], [sflag:$0x1] =	stream.linear.gather [hbm4b:s6+s4], $0x200, $0x38;
	[tilespmem:$0x18800] =	vst v63  }
0x14: {  	_ = 	snop  }
0x15: {  	[tilespmem:s11], [sflag:$0x1] =	stream.linear.gather [hbm4b:s7+s4], $0x200, $0x38;
	[tilespmem:$0x18800] =	vst v63  }
0x16: {  	_ =	swait.ge [sflag:s12], $0x200  }
0x17: {  	[sflag:s12] =	ssyncset.done $0x0  }
0x18: {  	[sflag:s12] =	ssyncadd.s32 $0xFFFFFE00  }
0x19: {  	_ =	swait.ge [sflag:s12], $0x200  }
0x1a: {  	[sflag:s12] =	ssyncset.done $0x0  }
0x1b: {  	[sflag:s12] =	ssyncadd.s32 $0xFFFFFE00  }
0x1c: {  	_ =	swait.ge [sflag:s12], $0x200  }
0x1d: {  	[sflag:s12] =	ssyncset.done $0x0  }
0x1e: {  	[sflag:s12] =	ssyncadd.s32 $0xFFFFFE00  }
0x1f: {  	[tilespmem:s14], [sflag:$0x1] =	stream.indirect.gather [hbm4b:s1+s13], $0x80, s4, s13, $0xb8;
	[tilespmem:$0x18800] =	vst v63  }
0x20: {  	_ = 	snop  }
0x21: {  	[tilespmem:s15], [sflag:$0x1] =	stream.indirect.gather [hbm4b:s2+s13], $0x80, s10, s13, $0xb8;
	[tilespmem:$0x18800] =	vst v63  }
0x22: {  	_ = 	snop  }
0x23: {  	[tilespmem:s16], [sflag:$0x1] =	stream.indirect.gather [hbm4b:s1+s13], $0x80, s11, s13, $0xb8;
	[tilespmem:$0x18800] =	vst v63  }
0x24: {  	_ =	swait.ge [sflag:s12], $0x4000  }
0x25: {  	[sflag:s12] =	ssyncset.done $0x0  }
0x26: {  	[sflag:s12] =	ssyncadd.s32 $0xFFFFC000  }
0x27: {  	_ =	swait.ge [sflag:s12], $0x4000  }
0x28: {  	[sflag:s12] =	ssyncset.done $0x0  }
0x29: {  	[sflag:s12] =	ssyncadd.s32 $0xFFFFC000  }
0x2a: {  	_ =	swait.ge [sflag:s12], $0x4000  }
0x2b: {  	[sflag:s12] =	ssyncset.done $0x0  }
0x2c: {  	[sflag:s12] =	ssyncadd.s32 $0xFFFFC000  }
0x2d: {  	[tilespmem:s17], [sflag:$0x2] =	stream.indirect.gather [hbm4b:s1+s13], $0x80, s13, s13, $0xb8;
	[tilespmem:$0x18800] =	vst v63  }
0x2e: {  	s3 =	simm.s32 $0x280  }
0x2f: {  	[tilespmem:s19], [sflag:$0x2] =	stream.indirect.gather [hbm4b:s2+s13], $0x80, s3, s13, $0xb8;
	[tilespmem:$0x18800] =	vst v63  }
0x30: {  	s30 =	simm.s32 $0x480;
	s3 =	simm.s32 $0x0  }
0x31: {  	[tilespmem:s21], [sflag:$0x2] =	stream.indirect.gather [hbm4b:s1+s13], $0x80, s30, s13, $0xb8;
	[tilespmem:$0x18800] =	vst v63  }
.LBB2_2:
0x32: {  	s18 =	sshll.u32 s3, $0x4  }
0x33: {  	s26 =	simm.s32 $0xC;
	v2 =	vmov s18  }
0x34: {  	s23 =	simm.s32 $0xE;
	v6 =	vadd.s32 s26, v0;
	v2 =	vshll.u32 v2, $0x7  }
0x35: {  	v4 =	vadd.s32 s23, v0;
	v6 =	vand.u32 $0x7F, v6;
	v2 =	vor.u32 v1, v2  }
0x36: {  	v4 =	vand.u32 $0x7F, v4;
	v6 =	vor.u32 v2, v6  }
0x37: {  	s28 =	simm.s32 $0xA;
	v7 =	vor.u32 v2, v4  }
0x38: {  	v8 =	vadd.s32 s28, v0  }
0x39: {  	s29 =	simm.s32 $0x8;
	v8 =	vand.u32 $0x7F, v8  }
0x3a: {  	v9 =	vor.u32 v2, v8;
	v8 =	vadd.s32 s29, v0  }
0x3b: {  	v10 =	vand.u32 $0x7F, v8;
	v8 =	vld.idx.msk [tilespmem:v6+s16+$0x0], $0xffff  }
0x3c: {  	s20 =	simm.s32 $0x0;
	v3 =	vor.u32 v0, v2;
	v16 =	vld.idx.msk [tilespmem:v7+s14+$0x0], $0xffff  }
0x3d: {  	v5 =	vor.u32 s20, v3;
	v18 =	vld.idx.msk [tilespmem:v7+s15+$0x0], $0xffff  }
0x3e: {  	v21 =	vld.idx.msk [tilespmem:v6+s14+$0x0], $0xffff  }
0x3f: {  	v22 =	vld.idx.msk [tilespmem:v6+s15+$0x0], $0xffff  }
0x40: {  	v23 =	vld.idx.msk [tilespmem:v9+s14+$0x0], $0xffff  }
0x41: {  	v24 =	vld.idx.msk [tilespmem:v9+s15+$0x0], $0xffff  }
0x42: {  	s23 =	simm.s32 $0x4;
	v14 =	vor.u32 v2, v10;
	v4 =	vld.idx.msk [tilespmem:v5+s16+$0x0], $0xffff  }
0x43: {  	s30 =	simm.s32 $0x6;
	v12 =	vadd.s32 s23, v0;
	v11 =	vld.idx.msk [tilespmem:v5+s14+$0x0], $0xffff  }
0x44: {  	v10 =	vadd.s32 s30, v0;
	v6 =	vand.u32 $0x7F, v12;
	v13 =	vld.idx.msk [tilespmem:v5+s15+$0x0], $0xffff  }
0x45: {  	v5 =	vld.idx.msk [tilespmem:v7+s16+$0x0], $0xffff;
	v7 =	vand.u32 $0x7F, v10;
	v25 =	vor.u32 v2, v6  }
0x46: {  	v10 =	vld.idx.msk [tilespmem:v9+s16+$0x0], $0xffff;
	v7 =	vor.u32 v2, v7  }
0x47: {  	v12 =	vld.idx.msk [tilespmem:v14+s16+$0x0], $0xffff  }
0x48: {  	s24 =	simm.s32 $0x2;
	v26 =	vld.idx.msk [tilespmem:v14+s14+$0x0], $0xffff  }
0x49: {  	v6 =	vadd.s32 s24, v0;
	v28 =	vld.idx.msk [tilespmem:v14+s15+$0x0], $0xffff  }
0x4a: {  	v6 =	vand.u32 $0x7F, v6;
	v15 =	vld.idx.msk [tilespmem:v25+s16+$0x0], $0xffff  }
0x4b: {  	s20 =	simm.s32 $0xF;
	v34 =	vor.u32 v2, v6;
	v17 =	vld.idx.msk [tilespmem:v7+s16+$0x0], $0xffff  }
0x4c: {  	s25 =	simm.s32 $0xB;
	s26 =	simm.s32 $0x7;
	v6 =	vadd.s32 s20, v0;
	v27 =	vld.idx.msk [tilespmem:v7+s14+$0x0], $0xffff  }
0x4d: {  	v30 =	vadd.s32 s26, v0;
	s24 =	simm.s32 $0x9;
	v6 =	vand.u32 $0x7F, v6;
	v29 =	vld.idx.msk [tilespmem:v7+s15+$0x0], $0xffff;
	v7 =	vadd.s32 s25, v0  }
0x4e: {  	v14 =	vadd.s32 s24, v0;
	v6 =	vor.u32 v2, v6;
	v31 =	vld.idx.msk [tilespmem:v25+s14+$0x0], $0xffff;
	v7 =	vand.u32 $0x7F, v7  }
0x4f: {  	s28 =	simm.s32 $0x5;
	v30 =	vand.u32 $0x7F, v30;
	v14 =	vand.u32 $0x7F, v14;
	v32 =	vld.idx.msk [tilespmem:v25+s15+$0x0], $0xffff;
	v19 =	vor.u32 v2, v7  }
0x50: {  	s29 =	simm.s32 $0x3;
	v30 =	vor.u32 v2, v30;
	s30 =	simm.s32 $0x1;
	v25 =	vor.u32 v2, v14;
	v20 =	vld.idx.msk [tilespmem:v34+s16+$0x0], $0xffff;
	v7 =	vadd.s32 s28, v0  }
0x51: {  	v36 =	vadd.s32 s30, v0;
	v14 =	vadd.s32 s29, v0;
	v33 =	vld.idx.msk [tilespmem:v34+s14+$0x0], $0xffff;
	v7 =	vand.u32 $0x7F, v7  }
0x52: {  	v37 =	vand.u32 $0x7F, v36;
	v14 =	vand.u32 $0x7F, v14;
	v35 =	vld.idx.msk [tilespmem:v34+s15+$0x0], $0xffff;
	v34 =	vor.u32 v2, v7  }
0x53: {  	s23 =	simm.s32 $0x1F;
	v9 =	vimm.f32 $0.0e+00;
	v36 =	vor.u32 v2, v14;
	v14 =	vimm.f32 $0.0e+00;
	v7 =	vld.idx.msk [tilespmem:v6+s14+$0x0], $0xffff  }
.LBB2_3:
0x54: {  	p0 =	sne.s32 s23, $0x7F;
	v37 =	vor.u32 v2, v37;
	v38 =	vld.idx.msk [tilespmem:v19+s16+$0x0], $0xffff  }
0x55: {  	v39 =	vld.idx.msk [tilespmem:v25+s16+$0x0], $0xffff  }
0x56: {  	v40 =	vld.idx.msk [tilespmem:v30+s16+$0x0], $0xffff  }
0x57: {  	v41 =	vld.idx.msk [tilespmem:v34+s16+$0x0], $0xffff  }
0x58: {  	s24 =	sadd.s32 $0xFFFFFFFB, s23;
	s25 =	sadd.s32 $0xFFFFFFFD, s23;
	s26 =	sadd.s32 $0xFFFFFFFF, s23;
	v42 =	vld.idx.msk [tilespmem:v36+s16+$0x0], $0xffff  }
0x59: {  	s28 =	sadd.s32 $0xFFFFFFF1, s23;
	s29 =	sadd.s32 $0xFFFFFFF7, s23;
	s30 =	sadd.s32 $0xFFFFFFF9, s23;
	v43 =	vadd.s32 s24, v0;
	v44 =	vadd.s32 s25, v0;
	v45 =	vadd.s32 s26, v0;
	v46 =	vld.idx.msk [tilespmem:v37+s16+$0x0], $0xffff  }
0x5a: {  	v47 =	vor.u32 s28, v3;
	v48 =	vadd.s32 s29, v0;
	v49 =	vadd.s32 s30, v0;
	v50 =	vld.idx.msk [tilespmem:v37+s14+$0x0], $0xffff  }
0x5b: {  	v11 =	vadd.f32 v13, v11;
	v44 =	vand.u32 $0x7F, v44;
	v45 =	vand.u32 $0x7F, v45;
	v13 =	vld.idx.msk [tilespmem:v37+s15+$0x0], $0xffff  }
0x5c: {  	v21 =	vadd.f32 v22, v21;
	v16 =	vadd.f32 v18, v16;
	v37 =	vand.u32 $0x7F, v43;
	v43 =	vld.idx.msk [tilespmem:v36+s14+$0x0], $0xffff  }
0x5d: {  	v26 =	vadd.f32 v28, v26;
	v23 =	vadd.f32 v24, v23;
	v18 =	vand.u32 $0x7F, v49;
	v22 =	vld.idx.msk [tilespmem:v36+s15+$0x0], $0xffff  }
0x5e: {  	v27 =	vadd.f32 v29, v27;
	v28 =	vadd.f32 v32, v31;
	s24 =	sadd.s32 $0xFFFFFFFE, s20;
	s20 =	smov.u32 s23;
	v24 =	vor.u32 v2, v45;
	v31 =	vld.idx.msk [tilespmem:v34+s14+$0x0], $0xffff  }
0x5f: {  	v4 =	vsub.f32 v11, v4;
	v32 =	vadd.s32 s24, v0;
	v11 =	vadd.f32 v35, v33;
	v29 =	vld.idx.msk [tilespmem:v34+s15+$0x0], $0xffff  }
0x60: {  	v21 =	vsub.f32 v21, v8;
	v8 =	vand.u32 $0x7F, v32;
	v32 =	vsub.f32 v16, v5;
	v33 =	vld.idx.msk [tilespmem:v30+s14+$0x0], $0xffff  }
0x61: {  	v10 =	vsub.f32 v23, v10;
	v8 =	vor.u32 v2, v8;
	v5 =	vadd.f32 v13, v50;
	v13 =	vld.idx.msk [tilespmem:v30+s15+$0x0], $0xffff  }
0x62: {  	v12 =	vsub.f32 v26, v12;
	v23 =	vor.u32 v2, v44;
	v16 =	vsub.f32 v27, v17;
	v17 =	vld.idx.msk [tilespmem:v25+s14+$0x0], $0xffff  }
0x63: {  	v26 =	vor.u32 v2, v37;
	v5 =	vsub.f32 v5, v46;
	v22 =	vadd.f32 v22, v43;
	v25 =	vld.idx.msk [tilespmem:v25+s15+$0x0], $0xffff  }
0x64: {  	v15 =	vsub.f32 v28, v15;
	v4 =	vand.u32 $0x7FFFFFFF, v4;
	v11 =	vsub.f32 v11, v20;
	v20 =	vld.idx.msk [tilespmem:v19+s14+$0x0], $0xffff  }
0x65: {  	v5 =	vand.u32 $0x7FFFFFFF, v5;
	v22 =	vsub.f32 v22, v42;
	v27 =	vadd.f32 v29, v31;
	v19 =	vld.idx.msk [tilespmem:v19+s15+$0x0], $0xffff  }
0x66: {  	v4 =	vadd.f32 v4, v9;
	v9 =	vand.u32 $0x7FFFFFFF, v11;
	v5 =	vadd.f32 v5, v14;
	v14 =	vld.idx.msk [tilespmem:v8+s14+$0x0], $0xffff  }
0x67: {  	v11 =	vand.u32 $0x7FFFFFFF, v22;
	v22 =	vsub.f32 v27, v41;
	v13 =	vadd.f32 v13, v33;
	v27 =	vld.idx.msk [tilespmem:v8+s15+$0x0], $0xffff  }
0x68: {  	v9 =	vadd.f32 v9, v4;
	v5 =	vadd.f32 v11, v5;
	v11 =	vand.u32 $0x7FFFFFFF, v15;
	v15 =	vld.idx.msk [tilespmem:v6+s15+$0x0], $0xffff  }
0x69: {  	v22 =	vand.u32 $0x7FFFFFFF, v22;
	v13 =	vsub.f32 v13, v40;
	v17 =	vadd.f32 v25, v17;
	v25 =	vld.idx.msk [tilespmem:v8+s16+$0x0], $0xffff  }
0x6a: {  	v8 =	vadd.f32 v11, v9;
	v5 =	vadd.f32 v22, v5;
	v9 =	vand.u32 $0x7FFFFFFF, v16;
	v4 =	vld.idx.msk [tilespmem:v47+s16+$0x0], $0xffff  }
0x6b: {  	v13 =	vand.u32 $0x7FFFFFFF, v13;
	v16 =	vsub.f32 v17, v39;
	v17 =	vadd.f32 v19, v20;
	v6 =	vld.idx.msk [tilespmem:v6+s16+$0x0], $0xffff  }
0x6c: {  	v12 =	vand.u32 $0x7FFFFFFF, v12;
	v8 =	vadd.f32 v9, v8;
	v9 =	vadd.f32 v13, v5;
	v11 =	vld.idx.msk [tilespmem:v47+s14+$0x0], $0xffff  }
0x6d: {  	v16 =	vand.u32 $0x7FFFFFFF, v16;
	v17 =	vsub.f32 v17, v38;
	v14 =	vadd.f32 v27, v14;
	v13 =	vld.idx.msk [tilespmem:v47+s15+$0x0], $0xffff  }
0x6e: {  	v10 =	vand.u32 $0x7FFFFFFF, v10;
	v12 =	vadd.f32 v12, v8;
	v9 =	vadd.f32 v16, v9;
	v5 =	vld.idx.msk [tilespmem:v24+s16+$0x0], $0xffff  }
0x6f: {  	v7 =	vadd.f32 v15, v7;
	v17 =	vand.u32 $0x7FFFFFFF, v17;
	v14 =	vsub.f32 v14, v25;
	v8 =	vld.idx.msk [tilespmem:v23+s16+$0x0], $0xffff  }
0x70: {  	v15 =	vor.u32 v2, v18;
	v12 =	vadd.f32 v10, v12;
	v9 =	vadd.f32 v17, v9;
	v16 =	vld.idx.msk [tilespmem:v24+s14+$0x0], $0xffff  }
0x71: {  	v17 =	vand.u32 $0x7FFFFFFF, v21;
	v14 =	vand.u32 $0x7FFFFFFF, v14;
	v6 =	vsub.f32 v7, v6;
	v18 =	vld.idx.msk [tilespmem:v24+s15+$0x0], $0xffff  }
0x72: {  	v7 =	vand.u32 $0x7F, v48;
	v12 =	vadd.f32 v17, v12;
	v14 =	vadd.f32 v14, v9;
	v10 =	vld.idx.msk [tilespmem:v26+s16+$0x0], $0xffff  }
0x73: {  	s24 =	sadd.s32 $0xFFFFFFF5, s23;
	v7 =	vor.u32 v2, v7;
	v9 =	vand.u32 $0x7FFFFFFF, v32;
	v6 =	vand.u32 $0x7FFFFFFF, v6;
	v21 =	vld.idx.msk [tilespmem:v23+s14+$0x0], $0xffff  }
0x74: {  	v17 =	vadd.s32 s24, v0;
	v9 =	vadd.f32 v9, v12;
	v14 =	vadd.f32 v6, v14;
	v22 =	vld.idx.msk [tilespmem:v23+s15+$0x0], $0xffff  }
0x75: {  	v6 =	vand.u32 $0x7F, v17;
	v12 =	vld.idx.msk [tilespmem:v15+s16+$0x0], $0xffff  }
0x76: {  	s24 =	sadd.s32 $0xFFFFFFF3, s23;
	v25 =	vor.u32 v2, v6;
	v23 =	vld.idx.msk [tilespmem:v26+s14+$0x0], $0xffff  }
0x77: {  	v6 =	vadd.s32 s24, v0;
	v24 =	vld.idx.msk [tilespmem:v26+s15+$0x0], $0xffff  }
0x78: {  	v6 =	vand.u32 $0x7F, v6;
	v17 =	vld.idx.msk [tilespmem:v7+s16+$0x0], $0xffff  }
0x79: {  	v34 =	vor.u32 v2, v6;
	v26 =	vld.idx.msk [tilespmem:v15+s14+$0x0], $0xffff  }
0x7a: {  	v28 =	vld.idx.msk [tilespmem:v15+s15+$0x0], $0xffff  }
0x7b: {  	v15 =	vld.idx.msk [tilespmem:v25+s16+$0x0], $0xffff  }
0x7c: {  	s24 =	sadd.s32 $0xFFFFFFFC, s23;
	v6 =	vadd.s32 s23, v0;
	v27 =	vld.idx.msk [tilespmem:v7+s14+$0x0], $0xffff  }
0x7d: {  	s25 =	sadd.s32 $0xFFFFFFFA, s23;
	v6 =	vand.u32 $0x7F, v6;
	v29 =	vld.idx.msk [tilespmem:v7+s15+$0x0], $0xffff;
	v7 =	vadd.s32 s24, v0  }
0x7e: {  	v19 =	vadd.s32 s25, v0;
	v6 =	vor.u32 v2, v6;
	s24 =	sadd.s32 $0xFFFFFFF8, s23;
	v20 =	vld.idx.msk [tilespmem:v34+s16+$0x0], $0xffff;
	v7 =	vand.u32 $0x7F, v7  }
.Ltmp0:
0x7f: {  	s25 =	sadd.s32 $0xFFFFFFF6, s23;
	v33 =	vand.u32 $0x7F, v19;
	v30 =	vadd.s32 s24, v0;
	v31 =	vld.idx.msk [tilespmem:v25+s14+$0x0], $0xffff;
	v19 =	vor.u32 v2, v7;
	(pc) =	sbr.rel @p0 .LBB2_3-.Ltmp0, $4  }
0x80: {  	s24 =	sadd.s32 $0xFFFFFFF4, s23;
	v7 =	vadd.s32 s25, v0;
	v30 =	vand.u32 $0x7F, v30;
	v32 =	vld.idx.msk [tilespmem:v25+s15+$0x0], $0xffff;
	v25 =	vor.u32 v2, v33  }
0x81: {  	s25 =	sadd.s32 $0xFFFFFFF2, s23;
	v36 =	vadd.s32 s24, v0;
	v7 =	vand.u32 $0x7F, v7;
	v30 =	vor.u32 v2, v30;
	v33 =	vld.idx.msk [tilespmem:v34+s14+$0x0], $0xffff  }
0x82: {  	v37 =	vadd.s32 s25, v0;
	v36 =	vand.u32 $0x7F, v36;
	v35 =	vld.idx.msk [tilespmem:v34+s15+$0x0], $0xffff;
	v34 =	vor.u32 v2, v7  }
0x83: {  	s23 =	sadd.s32 $0x10, s23;
	v37 =	vand.u32 $0x7F, v37;
	v36 =	vor.u32 v2, v36;
	v7 =	vld.idx.msk [tilespmem:v6+s14+$0x0], $0xffff  }
0x84: {  	_ =	sdelay $0x2  }
0x85: {  	v3 =	vor.u32 v2, v37  }
0x86: {  	v59 =	vld.idx.msk [tilespmem:v19+s16+$0x0], $0xffff  }
0x87: {  	v38 =	vld.idx.msk [tilespmem:v25+s16+$0x0], $0xffff  }
0x88: {  	v39 =	vld.idx.msk [tilespmem:v30+s16+$0x0], $0xffff  }
0x89: {  	v16 =	vadd.f32 v18, v16;
	v18 =	vld.idx.msk [tilespmem:v36+s14+$0x0], $0xffff  }
0x8a: {  	v11 =	vadd.f32 v13, v11;
	v40 =	vld.idx.msk [tilespmem:v3+s16+$0x0], $0xffff  }
0x8b: {  	v13 =	vadd.f32 v22, v21;
	v21 =	vadd.f32 v28, v26;
	v41 =	vld.idx.msk [tilespmem:v3+s14+$0x0], $0xffff  }
0x8c: {  	v22 =	vadd.f32 v24, v23;
	v26 =	vadd.f32 v29, v27;
	v3 =	vld.idx.msk [tilespmem:v3+s15+$0x0], $0xffff  }
0x8d: {  	v23 =	vld.idx.msk [tilespmem:v36+s15+$0x0], $0xffff;
	v24 =	vadd.f32 v32, v31;
	v4 =	vsub.f32 v11, v4  }
0x8e: {  	v28 =	vld.idx.msk [tilespmem:v34+s14+$0x0], $0xffff;
	s20 =	sadd.s32 $0xFFFFFFFE, s20;
	v13 =	vsub.f32 v13, v8;
	v16 =	vsub.f32 v16, v5  }
0x8f: {  	s30 =	simm.s32 $0xC;
	v5 =	vld.idx.msk [tilespmem:v34+s15+$0x0], $0xffff;
	v8 =	vadd.s32 s20, v0;
	v22 =	vsub.f32 v22, v10;
	v17 =	vsub.f32 v26, v17  }
0x90: {  	v27 =	vld.idx.msk [tilespmem:v36+s16+$0x0], $0xffff;
	v12 =	vsub.f32 v21, v12;
	v26 =	vadd.s32 s30, v0;
	v11 =	vadd.f32 v35, v33  }
0x91: {  	v10 =	vld.idx.msk [tilespmem:v34+s16+$0x0], $0xffff;
	v8 =	vand.u32 $0x7F, v8;
	v15 =	vsub.f32 v24, v15;
	v3 =	vadd.f32 v3, v41  }
0x92: {  	v21 =	vld.idx.msk [tilespmem:v30+s14+$0x0], $0xffff;
	v8 =	vor.u32 v2, v8;
	v4 =	vand.u32 $0x7FFFFFFF, v4;
	v11 =	vsub.f32 v11, v20  }
0x93: {  	s20 =	sor.u32 $0x10, s18;
	v24 =	vld.idx.msk [tilespmem:v25+s15+$0x0], $0xffff;
	v12 =	vand.u32 $0x7FFFFFFF, v12;
	v2 =	vsub.f32 v3, v40;
	v3 =	vadd.f32 v23, v18  }
0x94: {  	v20 =	vld.idx.msk [tilespmem:v25+s14+$0x0], $0xffff;
	v4 =	vadd.f32 v4, v9;
	v5 =	vadd.f32 v5, v28;
	v23 =	vmov s20  }
0x95: {  	v18 =	vld.idx.msk [tilespmem:v30+s15+$0x0], $0xffff;
	v9 =	vshll.u32 v23, $0x7;
	v2 =	vand.u32 $0x7FFFFFFF, v2;
	v3 =	vsub.f32 v3, v27  }
0x96: {  	v11 =	vand.u32 $0x7FFFFFFF, v11;
	v23 =	vld.idx.msk [tilespmem:v19+s14+$0x0], $0xffff;
	v14 =	vadd.f32 v2, v14;
	v2 =	vor.u32 v1, v9  }
0x97: {  	s23 =	simm.s32 $0x0;
	v4 =	vadd.f32 v11, v4;
	v9 =	vld.idx.msk [tilespmem:v19+s15+$0x0], $0xffff;
	v19 =	vand.u32 $0x7FFFFFFF, v3;
	v3 =	vor.u32 v0, v2  }
0x98: {  	v15 =	vand.u32 $0x7FFFFFFF, v15;
	v5 =	vsub.f32 v5, v10;
	v25 =	vld.idx.msk [tilespmem:v8+s14+$0x0], $0xffff;
	v11 =	vor.u32 s23, v3  }
0x99: {  	v13 =	vand.u32 $0x7FFFFFFF, v13;
	v20 =	vadd.f32 v24, v20;
	v15 =	vadd.f32 v15, v4;
	v27 =	vld.idx.msk [tilespmem:v8+s16+$0x0], $0xffff  }
0x9a: {  	s24 =	simm.s32 $0xE;
	v5 =	vand.u32 $0x7FFFFFFF, v5;
	v10 =	vadd.f32 v18, v21;
	v18 =	vld.idx.msk [tilespmem:v8+s15+$0x0], $0xffff;
	v8 =	vand.u32 $0x7F, v26  }
0x9b: {  	v24 =	vld.idx.msk [tilespmem:v6+s16+$0x0], $0xffff;
	v14 =	vadd.f32 v19, v14;
	v19 =	vadd.s32 s24, v0;
	v26 =	vor.u32 v2, v8  }
0x9c: {  	v21 =	vld.idx.msk [tilespmem:v6+s15+$0x0], $0xffff;
	s24 =	simm.s32 $0xA;
	v6 =	vand.u32 $0x7FFFFFFF, v17;
	v19 =	vand.u32 $0x7F, v19;
	v10 =	vsub.f32 v10, v39  }
0x9d: {  	v17 =	vsub.f32 v20, v38;
	v8 =	vadd.s32 s24, v0;
	v19 =	vor.u32 v2, v19;
	v4 =	vld.idx.msk [tilespmem:v11+s16+$0x0], $0xffff  }
0x9e: {  	s25 =	simm.s32 $0x8;
	v5 =	vadd.f32 v5, v14;
	v14 =	vand.u32 $0x7FFFFFFF, v10;
	v10 =	vand.u32 $0x7F, v8;
	v8 =	vld.idx.msk [tilespmem:v11+s14+$0x0], $0xffff  }
0x9f: {  	v15 =	vadd.f32 v6, v15;
	v6 =	vadd.s32 s25, v0;
	v20 =	vor.u32 v2, v10;
	v10 =	vld.idx.msk [tilespmem:v11+s15+$0x0], $0xffff  }
0xa0: {  	v9 =	vadd.f32 v9, v23;
	v11 =	vadd.f32 v14, v5;
	v14 =	vand.u32 $0x7F, v6;
	v6 =	vld.idx.msk [tilespmem:v26+s16+$0x0], $0xffff  }
0xa1: {  	v17 =	vand.u32 $0x7FFFFFFF, v17;
	v12 =	vadd.f32 v12, v15;
	v7 =	vadd.f32 v21, v7;
	v21 =	vld.idx.msk [tilespmem:v26+s15+$0x0], $0xffff  }
0xa2: {  	s26 =	simm.s32 $0x6;
	v9 =	vsub.f32 v9, v59;
	v18 =	vadd.f32 v18, v25;
	v28 =	vor.u32 v2, v14;
	v5 =	vld.idx.msk [tilespmem:v19+s16+$0x0], $0xffff  }
0xa3: {  	v14 =	vld.idx.msk [tilespmem:v19+s14+$0x0], $0xffff;
	v11 =	vadd.f32 v17, v11;
	v17 =	vand.u32 $0x7FFFFFFF, v22;
	v22 =	vadd.s32 s26, v0  }
0xa4: {  	s28 =	simm.s32 $0x4;
	v15 =	vld.idx.msk [tilespmem:v19+s15+$0x0], $0xffff;
	v23 =	vand.u32 $0x7FFFFFFF, v9;
	v18 =	vsub.f32 v18, v27;
	v19 =	vand.u32 $0x7F, v22  }
0xa5: {  	v17 =	vadd.f32 v17, v12;
	v12 =	vadd.s32 s28, v0;
	v22 =	vor.u32 v2, v19;
	v19 =	vld.idx.msk [tilespmem:v26+s14+$0x0], $0xffff  }
0xa6: {  	v7 =	vsub.f32 v7, v24;
	v11 =	vadd.f32 v23, v11;
	v23 =	vand.u32 $0x7F, v12;
	v9 =	vld.idx.msk [tilespmem:v20+s16+$0x0], $0xffff  }
0xa7: {  	v18 =	vand.u32 $0x7FFFFFFF, v18;
	v13 =	vadd.f32 v13, v17;
	v17 =	vor.u32 v2, v23;
	v23 =	vld.idx.msk [tilespmem:v20+s14+$0x0], $0xffff  }
0xa8: {  	v24 =	vld.idx.msk [tilespmem:v20+s15+$0x0], $0xffff;
	v11 =	vadd.f32 v18, v11  }
0xa9: {  	v16 =	vand.u32 $0x7FFFFFFF, v16;
	v7 =	vand.u32 $0x7FFFFFFF, v7;
	v12 =	vld.idx.msk [tilespmem:v28+s16+$0x0], $0xffff  }
0xaa: {  	s29 =	simm.s32 $0x2;
	v25 =	vld.idx.msk [tilespmem:v28+s14+$0x0], $0xffff;
	v13 =	vadd.f32 v16, v13;
	v7 =	vadd.f32 v7, v11  }
0xab: {  	v18 =	vadd.s32 s29, v0;
	v28 =	vld.idx.msk [tilespmem:v28+s15+$0x0], $0xffff  }
0xac: {  	v11 =	vand.u32 $0x7F, v18;
	v18 =	vld.idx.msk [tilespmem:v22+s16+$0x0], $0xffff;
	v7 =	vadd.f32 v7, v13  }
0xad: {  	s23 =	simm.s32 $0xF;
	v60 =	vor.u32 v2, v11;
	v27 =	vld.idx.msk [tilespmem:v22+s14+$0x0], $0xffff  }
0xae: {  	s30 =	simm.s32 $0xB;
	s26 =	simm.s32 $0x7;
	v29 =	vld.idx.msk [tilespmem:v22+s15+$0x0], $0xffff;
	v13 =	vsub.f32 $0.0e+00, v7;
	v7 =	vadd.s32 s23, v0  }
0xaf: {  	s25 =	simm.s32 $0x9;
	v30 =	vadd.s32 s26, v0;
	v22 =	vadd.s32 s30, v0;
	v16 =	vld.idx.msk [tilespmem:v17+s16+$0x0], $0xffff;
	v7 =	vand.u32 $0x7F, v7  }
0xb0: {  	v26 =	vadd.s32 s25, v0;
	v22 =	vand.u32 $0x7F, v22;
	v31 =	vld.idx.msk [tilespmem:v17+s14+$0x0], $0xffff;
	v7 =	vor.u32 v2, v7  }
0xb1: {  	s28 =	simm.s32 $0x5;
	v30 =	vand.u32 $0x7F, v30;
	v26 =	vand.u32 $0x7F, v26;
	s29 =	simm.s32 $0x3;
	v33 =	vld.idx.msk [tilespmem:v17+s15+$0x0], $0xffff;
	v22 =	vor.u32 v2, v22  }
0xb2: {  	v26 =	vor.u32 v2, v26;
	v61 =	vadd.s32 s29, v0;
	v17 =	vadd.s32 s28, v0;
	v20 =	vld.idx.msk [tilespmem:v60+s16+$0x0], $0xffff  }
0xb3: {  	v30 =	vor.u32 v2, v30;
	v63 =	vand.u32 $0x7F, v61;
	s30 =	simm.s32 $0x1;
	v17 =	vand.u32 $0x7F, v17;
	v32 =	vld.idx.msk [tilespmem:v60+s14+$0x0], $0xffff  }
0xb4: {  	v11 =	vimm.f32 $0.0e+00;
	v62 =	vadd.s32 s30, v0;
	v35 =	vor.u32 v2, v17;
	v34 =	vld.idx.msk [tilespmem:v60+s15+$0x0], $0xffff  }
0xb5: {  	v36 =	vor.u32 v2, v63;
	v37 =	vand.u32 $0x7F, v62;
	v17 =	vimm.f32 $0.0e+00;
	[tilespmem:s18+$0x18600] =	vst v13;
	s18 =	simm.s32 $0x1F;
	v13 =	vld.idx.msk [tilespmem:v7+s14+$0x0], $0xffff  }
.LBB2_5:
0xb6: {  	p0 =	sne.s32 s18, $0x7F;
	v37 =	vor.u32 v2, v37;
	v38 =	vld.idx.msk [tilespmem:v22+s16+$0x0], $0xffff  }
0xb7: {  	v39 =	vld.idx.msk [tilespmem:v26+s16+$0x0], $0xffff  }
0xb8: {  	v40 =	vld.idx.msk [tilespmem:v30+s16+$0x0], $0xffff  }
0xb9: {  	v41 =	vld.idx.msk [tilespmem:v35+s16+$0x0], $0xffff  }
0xba: {  	s24 =	sadd.s32 $0xFFFFFFFB, s18;
	s25 =	sadd.s32 $0xFFFFFFFD, s18;
	s26 =	sadd.s32 $0xFFFFFFFF, s18;
	v42 =	vld.idx.msk [tilespmem:v36+s16+$0x0], $0xffff  }
0xbb: {  	s28 =	sadd.s32 $0xFFFFFFF1, s18;
	s29 =	sadd.s32 $0xFFFFFFF7, s18;
	s30 =	sadd.s32 $0xFFFFFFF9, s18;
	v43 =	vadd.s32 s24, v0;
	v44 =	vadd.s32 s25, v0;
	v45 =	vadd.s32 s26, v0;
	v46 =	vld.idx.msk [tilespmem:v37+s16+$0x0], $0xffff  }
0xbc: {  	v47 =	vor.u32 s28, v3;
	v48 =	vadd.s32 s29, v0;
	v49 =	vadd.s32 s30, v0;
	v50 =	vld.idx.msk [tilespmem:v37+s14+$0x0], $0xffff  }
0xbd: {  	v8 =	vadd.f32 v10, v8;
	v44 =	vand.u32 $0x7F, v44;
	v45 =	vand.u32 $0x7F, v45;
	v10 =	vld.idx.msk [tilespmem:v37+s15+$0x0], $0xffff  }
0xbe: {  	v19 =	vadd.f32 v21, v19;
	v14 =	vadd.f32 v15, v14;
	v37 =	vand.u32 $0x7F, v43;
	v43 =	vld.idx.msk [tilespmem:v36+s14+$0x0], $0xffff  }
0xbf: {  	v25 =	vadd.f32 v28, v25;
	v23 =	vadd.f32 v24, v23;
	v15 =	vand.u32 $0x7F, v49;
	v21 =	vld.idx.msk [tilespmem:v36+s15+$0x0], $0xffff  }
0xc0: {  	v27 =	vadd.f32 v29, v27;
	v28 =	vadd.f32 v33, v31;
	s24 =	sadd.s32 $0xFFFFFFFE, s23;
	s23 =	smov.u32 s18;
	v24 =	vor.u32 v2, v45;
	v31 =	vld.idx.msk [tilespmem:v35+s14+$0x0], $0xffff  }
0xc1: {  	v4 =	vsub.f32 v8, v4;
	v8 =	vadd.f32 v34, v32;
	v32 =	vadd.s32 s24, v0;
	v29 =	vld.idx.msk [tilespmem:v35+s15+$0x0], $0xffff  }
0xc2: {  	v19 =	vsub.f32 v19, v6;
	v6 =	vand.u32 $0x7F, v32;
	v32 =	vsub.f32 v14, v5;
	v33 =	vld.idx.msk [tilespmem:v30+s14+$0x0], $0xffff  }
0xc3: {  	v9 =	vsub.f32 v23, v9;
	v6 =	vor.u32 v2, v6;
	v5 =	vadd.f32 v10, v50;
	v10 =	vld.idx.msk [tilespmem:v30+s15+$0x0], $0xffff  }
0xc4: {  	v12 =	vsub.f32 v25, v12;
	v23 =	vor.u32 v2, v44;
	v14 =	vsub.f32 v27, v18;
	v18 =	vld.idx.msk [tilespmem:v26+s14+$0x0], $0xffff  }
0xc5: {  	v25 =	vor.u32 v2, v37;
	v5 =	vsub.f32 v5, v46;
	v21 =	vadd.f32 v21, v43;
	v26 =	vld.idx.msk [tilespmem:v26+s15+$0x0], $0xffff  }
0xc6: {  	v16 =	vsub.f32 v28, v16;
	v4 =	vand.u32 $0x7FFFFFFF, v4;
	v8 =	vsub.f32 v8, v20;
	v20 =	vld.idx.msk [tilespmem:v22+s14+$0x0], $0xffff  }
0xc7: {  	v5 =	vand.u32 $0x7FFFFFFF, v5;
	v21 =	vsub.f32 v21, v42;
	v27 =	vadd.f32 v29, v31;
	v22 =	vld.idx.msk [tilespmem:v22+s15+$0x0], $0xffff  }
0xc8: {  	v4 =	vadd.f32 v4, v11;
	v8 =	vand.u32 $0x7FFFFFFF, v8;
	v5 =	vadd.f32 v5, v17;
	v11 =	vld.idx.msk [tilespmem:v6+s14+$0x0], $0xffff  }
0xc9: {  	v17 =	vand.u32 $0x7FFFFFFF, v21;
	v21 =	vsub.f32 v27, v41;
	v10 =	vadd.f32 v10, v33;
	v27 =	vld.idx.msk [tilespmem:v6+s15+$0x0], $0xffff  }
0xca: {  	v16 =	vand.u32 $0x7FFFFFFF, v16;
	v8 =	vadd.f32 v8, v4;
	v5 =	vadd.f32 v17, v5;
	v17 =	vld.idx.msk [tilespmem:v7+s15+$0x0], $0xffff  }
0xcb: {  	v21 =	vand.u32 $0x7FFFFFFF, v21;
	v10 =	vsub.f32 v10, v40;
	v18 =	vadd.f32 v26, v18;
	v26 =	vld.idx.msk [tilespmem:v6+s16+$0x0], $0xffff  }
0xcc: {  	v14 =	vand.u32 $0x7FFFFFFF, v14;
	v6 =	vadd.f32 v16, v8;
	v5 =	vadd.f32 v21, v5;
	v4 =	vld.idx.msk [tilespmem:v47+s16+$0x0], $0xffff  }
0xcd: {  	v10 =	vand.u32 $0x7FFFFFFF, v10;
	v16 =	vsub.f32 v18, v39;
	v18 =	vadd.f32 v22, v20;
	v7 =	vld.idx.msk [tilespmem:v7+s16+$0x0], $0xffff  }
0xce: {  	v12 =	vand.u32 $0x7FFFFFFF, v12;
	v6 =	vadd.f32 v14, v6;
	v14 =	vadd.f32 v10, v5;
	v8 =	vld.idx.msk [tilespmem:v47+s14+$0x0], $0xffff  }
0xcf: {  	v16 =	vand.u32 $0x7FFFFFFF, v16;
	v18 =	vsub.f32 v18, v38;
	v11 =	vadd.f32 v27, v11;
	v10 =	vld.idx.msk [tilespmem:v47+s15+$0x0], $0xffff  }
0xd0: {  	v9 =	vand.u32 $0x7FFFFFFF, v9;
	v12 =	vadd.f32 v12, v6;
	v16 =	vadd.f32 v16, v14;
	v5 =	vld.idx.msk [tilespmem:v24+s16+$0x0], $0xffff  }
0xd1: {  	v13 =	vadd.f32 v17, v13;
	v18 =	vand.u32 $0x7FFFFFFF, v18;
	v11 =	vsub.f32 v11, v26;
	v6 =	vld.idx.msk [tilespmem:v23+s16+$0x0], $0xffff  }
0xd2: {  	v20 =	vor.u32 v2, v15;
	v12 =	vadd.f32 v9, v12;
	v16 =	vadd.f32 v18, v16;
	v14 =	vld.idx.msk [tilespmem:v24+s14+$0x0], $0xffff  }
0xd3: {  	v17 =	vand.u32 $0x7FFFFFFF, v19;
	v11 =	vand.u32 $0x7FFFFFFF, v11;
	v7 =	vsub.f32 v13, v7;
	v15 =	vld.idx.msk [tilespmem:v24+s15+$0x0], $0xffff  }
0xd4: {  	v13 =	vand.u32 $0x7F, v48;
	v12 =	vadd.f32 v17, v12;
	v16 =	vadd.f32 v11, v16;
	v9 =	vld.idx.msk [tilespmem:v25+s16+$0x0], $0xffff  }
0xd5: {  	s24 =	sadd.s32 $0xFFFFFFF5, s18;
	v13 =	vor.u32 v2, v13;
	v11 =	vand.u32 $0x7FFFFFFF, v32;
	v7 =	vand.u32 $0x7FFFFFFF, v7;
	v19 =	vld.idx.msk [tilespmem:v23+s14+$0x0], $0xffff  }
0xd6: {  	v18 =	vadd.s32 s24, v0;
	v11 =	vadd.f32 v11, v12;
	v17 =	vadd.f32 v7, v16;
	v21 =	vld.idx.msk [tilespmem:v23+s15+$0x0], $0xffff  }
0xd7: {  	v7 =	vand.u32 $0x7F, v18;
	v12 =	vld.idx.msk [tilespmem:v20+s16+$0x0], $0xffff  }
0xd8: {  	s24 =	sadd.s32 $0xFFFFFFF3, s18;
	v26 =	vor.u32 v2, v7;
	v23 =	vld.idx.msk [tilespmem:v25+s14+$0x0], $0xffff  }
0xd9: {  	v7 =	vadd.s32 s24, v0;
	v24 =	vld.idx.msk [tilespmem:v25+s15+$0x0], $0xffff  }
0xda: {  	v7 =	vand.u32 $0x7F, v7;
	v18 =	vld.idx.msk [tilespmem:v13+s16+$0x0], $0xffff  }
0xdb: {  	v34 =	vor.u32 v2, v7;
	v25 =	vld.idx.msk [tilespmem:v20+s14+$0x0], $0xffff  }
0xdc: {  	v28 =	vld.idx.msk [tilespmem:v20+s15+$0x0], $0xffff  }
0xdd: {  	v16 =	vld.idx.msk [tilespmem:v26+s16+$0x0], $0xffff  }
0xde: {  	s24 =	sadd.s32 $0xFFFFFFFC, s18;
	v7 =	vadd.s32 s18, v0;
	v27 =	vld.idx.msk [tilespmem:v13+s14+$0x0], $0xffff  }
0xdf: {  	s25 =	sadd.s32 $0xFFFFFFFA, s18;
	v7 =	vand.u32 $0x7F, v7;
	v29 =	vld.idx.msk [tilespmem:v13+s15+$0x0], $0xffff;
	v13 =	vadd.s32 s24, v0  }
0xe0: {  	v22 =	vadd.s32 s25, v0;
	v7 =	vor.u32 v2, v7;
	s24 =	sadd.s32 $0xFFFFFFF8, s18;
	v20 =	vld.idx.msk [tilespmem:v34+s16+$0x0], $0xffff;
	v13 =	vand.u32 $0x7F, v13  }
.Ltmp1:
0xe1: {  	s25 =	sadd.s32 $0xFFFFFFF6, s18;
	v32 =	vand.u32 $0x7F, v22;
	v30 =	vadd.s32 s24, v0;
	v31 =	vld.idx.msk [tilespmem:v26+s14+$0x0], $0xffff;
	v22 =	vor.u32 v2, v13;
	(pc) =	sbr.rel @p0 .LBB2_5-.Ltmp1, $4  }
0xe2: {  	s24 =	sadd.s32 $0xFFFFFFF4, s18;
	v13 =	vadd.s32 s25, v0;
	v30 =	vand.u32 $0x7F, v30;
	v33 =	vld.idx.msk [tilespmem:v26+s15+$0x0], $0xffff;
	v26 =	vor.u32 v2, v32  }
0xe3: {  	s25 =	sadd.s32 $0xFFFFFFF2, s18;
	v35 =	vadd.s32 s24, v0;
	v13 =	vand.u32 $0x7F, v13;
	v30 =	vor.u32 v2, v30;
	v32 =	vld.idx.msk [tilespmem:v34+s14+$0x0], $0xffff  }
0xe4: {  	v36 =	vadd.s32 s25, v0;
	v38 =	vand.u32 $0x7F, v35;
	v35 =	vor.u32 v2, v13;
	v34 =	vld.idx.msk [tilespmem:v34+s15+$0x0], $0xffff  }
0xe5: {  	s18 =	sadd.s32 $0x10, s18;
	v37 =	vand.u32 $0x7F, v36;
	v36 =	vor.u32 v2, v38;
	v13 =	vld.idx.msk [tilespmem:v7+s14+$0x0], $0xffff  }
0xe6: {  	_ =	sdelay $0x3  }
0xe7: {  	v3 =	vor.u32 v2, v37;
	v37 =	vld.idx.msk [tilespmem:v22+s16+$0x0], $0xffff  }
0xe8: {  	v38 =	vld.idx.msk [tilespmem:v26+s16+$0x0], $0xffff  }
0xe9: {  	v39 =	vld.idx.msk [tilespmem:v30+s16+$0x0], $0xffff  }
0xea: {  	v40 =	vld.idx.msk [tilespmem:v35+s16+$0x0], $0xffff  }
0xeb: {  	v41 =	vld.idx.msk [tilespmem:v36+s16+$0x0], $0xffff  }
0xec: {  	v42 =	vld.idx.msk [tilespmem:v3+s16+$0x0], $0xffff  }
0xed: {  	v8 =	vadd.f32 v10, v8;
	v43 =	vld.idx.msk [tilespmem:v3+s14+$0x0], $0xffff  }
0xee: {  	v53 =	vadd.f32 v21, v19;
	v14 =	vadd.f32 v15, v14;
	v3 =	vld.idx.msk [tilespmem:v3+s15+$0x0], $0xffff  }
0xef: {  	v54 =	vld.idx.msk [tilespmem:v36+s14+$0x0], $0xffff;
	v55 =	vadd.f32 v28, v25;
	v56 =	vadd.f32 v24, v23  }
0xf0: {  	v57 =	vld.idx.msk [tilespmem:v36+s15+$0x0], $0xffff;
	v59 =	vadd.f32 v29, v27;
	v58 =	vadd.f32 v33, v31  }
0xf1: {  	v60 =	vld.idx.msk [tilespmem:v35+s14+$0x0], $0xffff;
	s18 =	sadd.s32 $0xFFFFFFFE, s23;
	v4 =	vsub.f32 v8, v4;
	v6 =	vsub.f32 v53, v6  }
0xf2: {  	v62 =	vld.idx.msk [tilespmem:v35+s15+$0x0], $0xffff;
	v63 =	vadd.s32 s18, v0;
	v5 =	vsub.f32 v14, v5;
	v9 =	vsub.f32 v56, v9  }
0xf3: {  	v33 =	vand.u32 $0x7F, v63;
	v61 =	vadd.f32 v34, v32;
	v32 =	vld.idx.msk [tilespmem:v30+s14+$0x0], $0xffff;
	v3 =	vadd.f32 v3, v43  }
0xf4: {  	v35 =	vsub.f32 v59, v18;
	v12 =	vsub.f32 v55, v12;
	v34 =	vld.idx.msk [tilespmem:v30+s15+$0x0], $0xffff;
	v2 =	vor.u32 v2, v33  }
0xf5: {  	v36 =	vld.idx.msk [tilespmem:v26+s14+$0x0], $0xffff;
	v15 =	vadd.f32 v57, v54;
	v3 =	vsub.f32 v3, v42  }
0xf6: {  	v16 =	vsub.f32 v58, v16;
	v4 =	vand.u32 $0x7FFFFFFF, v4;
	v8 =	vsub.f32 v61, v20;
	v42 =	vld.idx.msk [tilespmem:v26+s15+$0x0], $0xffff  }
0xf7: {  	v45 =	vld.idx.msk [tilespmem:v22+s15+$0x0], $0xffff;
	v44 =	vadd.f32 v62, v60;
	v15 =	vsub.f32 v15, v41;
	v3 =	vand.u32 $0x7FFFFFFF, v3  }
0xf8: {  	v4 =	vadd.f32 v4, v11;
	v8 =	vand.u32 $0x7FFFFFFF, v8;
	v43 =	vld.idx.msk [tilespmem:v22+s14+$0x0], $0xffff;
	v3 =	vadd.f32 v3, v17  }
0xf9: {  	v47 =	vsub.f32 v44, v40;
	v46 =	vld.idx.msk [tilespmem:v2+s14+$0x0], $0xffff;
	v10 =	vadd.f32 v34, v32;
	v15 =	vand.u32 $0x7FFFFFFF, v15  }
0xfa: {  	v49 =	vand.u32 $0x7FFFFFFF, v16;
	v48 =	vld.idx.msk [tilespmem:v2+s15+$0x0], $0xffff;
	v4 =	vadd.f32 v8, v4;
	v3 =	vadd.f32 v15, v3  }
0xfb: {  	v50 =	vld.idx.msk [tilespmem:v7+s15+$0x0], $0xffff;
	v51 =	vand.u32 $0x7FFFFFFF, v47;
	v10 =	vsub.f32 v10, v39;
	v52 =	vadd.f32 v42, v36  }
0xfc: {  	v53 =	vand.u32 $0x7FFFFFFF, v35;
	v2 =	vld.idx.msk [tilespmem:v2+s16+$0x0], $0xffff;
	v4 =	vadd.f32 v49, v4;
	v3 =	vadd.f32 v51, v3  }
0xfd: {  	v10 =	vand.u32 $0x7FFFFFFF, v10;
	v55 =	vadd.f32 v45, v43;
	v54 =	vsub.f32 v52, v38  }
0xfe: {  	v56 =	vld.idx.msk [tilespmem:v7+s16+$0x0], $0xffff;
	v57 =	vand.u32 $0x7FFFFFFF, v12;
	v4 =	vadd.f32 v53, v4;
	v3 =	vadd.f32 v10, v3  }
0xff: {  	v11 =	vadd.f32 v48, v46;
	v59 =	vsub.f32 v55, v37;
	v58 =	vand.u32 $0x7FFFFFFF, v54  }
0x100: {  	v60 =	vand.u32 $0x7FFFFFFF, v9;
	v4 =	vadd.f32 v57, v4;
	v3 =	vadd.f32 v58, v3  }
0x101: {  	v62 =	vadd.f32 v50, v13;
	v2 =	vsub.f32 v11, v2;
	v61 =	vand.u32 $0x7FFFFFFF, v59  }
0x102: {  	v4 =	vadd.f32 v60, v4;
	v3 =	vadd.f32 v61, v3  }
0x103: {  	v6 =	vand.u32 $0x7FFFFFFF, v6;
	v7 =	vsub.f32 v62, v56;
	v2 =	vand.u32 $0x7FFFFFFF, v2  }
0x104: {  	v4 =	vadd.f32 v6, v4;
	v2 =	vadd.f32 v2, v3  }
0x105: {  	v63 =	vand.u32 $0x7FFFFFFF, v7;
	v3 =	vand.u32 $0x7FFFFFFF, v5  }
0x106: {  	v3 =	vadd.f32 v3, v4;
	v2 =	vadd.f32 v63, v2  }
0x107: {  	p0 =	slt.u32 s3, $0x6  }
.Ltmp2:
0x108: {  	v2 =	vadd.f32 v2, v3;
	(pc) =	sbr.rel @p0 .LBB2_2-.Ltmp2, $4  }
0x109: {  	_ = 	snop  }
0x10a: {  	v2 =	vsub.f32 $0.0e+00, v2  }
0x10b: {  	s30 =	sadd.s32 $0x2, s3  }
0x10c: {  	s3 =	smov.u32 s30;
	[tilespmem:s20+$0x18600] =	vst v2  }
0x10d: {  	_ =	swait.ge [sflag:s22], $0x4000  }
0x10e: {  	[sflag:s22] =	ssyncset.done $0x0  }
0x10f: {  	[sflag:s22] =	ssyncadd.s32 $0xFFFFC000  }
0x110: {  	_ =	swait.ge [sflag:s22], $0x4000  }
0x111: {  	[sflag:s22] =	ssyncset.done $0x0  }
0x112: {  	[sflag:s22] =	ssyncadd.s32 $0xFFFFC000  }
0x113: {  	_ =	swait.ge [sflag:s22], $0x4000  }
0x114: {  	[sflag:s22] =	ssyncset.done $0x0  }
0x115: {  	s3 =	simm.s32 $0x100;
	[sflag:s22] =	ssyncadd.s32 $0xFFFFC000  }
0x116: {  	[tilespmem:s14], [sflag:$0x1] =	stream.indirect.gather [hbm4b:s1+s13], $0x80, s3, s13, $0xb8;
	[tilespmem:$0x18800] =	vst v63  }
0x117: {  	s29 =	simm.s32 $0x300  }
0x118: {  	[tilespmem:s15], [sflag:$0x1] =	stream.indirect.gather [hbm4b:s2+s13], $0x80, s29, s13, $0xb8;
	[tilespmem:$0x18800] =	vst v63  }
0x119: {  	s30 =	simm.s32 $0x500;
	s3 =	simm.s32 $0x0  }
0x11a: {  	[tilespmem:s16], [sflag:$0x1] =	stream.indirect.gather [hbm4b:s1+s13], $0x80, s30, s13, $0xb8;
	[tilespmem:$0x18800] =	vst v63  }
.LBB2_8:
0x11b: {  	s18 =	sshll.u32 s3, $0x4  }
0x11c: {  	s26 =	simm.s32 $0xC;
	v2 =	vmov s18  }
0x11d: {  	s23 =	simm.s32 $0xE;
	v6 =	vadd.s32 s26, v0;
	v2 =	vshll.u32 v2, $0x7  }
0x11e: {  	v4 =	vadd.s32 s23, v0;
	v6 =	vand.u32 $0x7F, v6;
	v2 =	vor.u32 v1, v2  }
0x11f: {  	v4 =	vand.u32 $0x7F, v4;
	v6 =	vor.u32 v2, v6  }
0x120: {  	s28 =	simm.s32 $0xA;
	v7 =	vor.u32 v2, v4  }
0x121: {  	v8 =	vadd.s32 s28, v0  }
0x122: {  	s29 =	simm.s32 $0x8;
	v8 =	vand.u32 $0x7F, v8  }
0x123: {  	v9 =	vor.u32 v2, v8;
	v8 =	vadd.s32 s29, v0  }
0x124: {  	v10 =	vand.u32 $0x7F, v8;
	v8 =	vld.idx.msk [tilespmem:v6+s21+$0x0], $0xffff  }
0x125: {  	s20 =	simm.s32 $0x0;
	v3 =	vor.u32 v0, v2;
	v16 =	vld.idx.msk [tilespmem:v7+s17+$0x0], $0xffff  }
0x126: {  	v5 =	vor.u32 s20, v3;
	v18 =	vld.idx.msk [tilespmem:v7+s19+$0x0], $0xffff  }
0x127: {  	v21 =	vld.idx.msk [tilespmem:v6+s17+$0x0], $0xffff  }
0x128: {  	v22 =	vld.idx.msk [tilespmem:v6+s19+$0x0], $0xffff  }
0x129: {  	v23 =	vld.idx.msk [tilespmem:v9+s17+$0x0], $0xffff  }
0x12a: {  	v24 =	vld.idx.msk [tilespmem:v9+s19+$0x0], $0xffff  }
0x12b: {  	s23 =	simm.s32 $0x4;
	v14 =	vor.u32 v2, v10;
	v4 =	vld.idx.msk [tilespmem:v5+s21+$0x0], $0xffff  }
0x12c: {  	s30 =	simm.s32 $0x6;
	v12 =	vadd.s32 s23, v0;
	v11 =	vld.idx.msk [tilespmem:v5+s17+$0x0], $0xffff  }
0x12d: {  	v10 =	vadd.s32 s30, v0;
	v6 =	vand.u32 $0x7F, v12;
	v13 =	vld.idx.msk [tilespmem:v5+s19+$0x0], $0xffff  }
0x12e: {  	v5 =	vld.idx.msk [tilespmem:v7+s21+$0x0], $0xffff;
	v7 =	vand.u32 $0x7F, v10;
	v25 =	vor.u32 v2, v6  }
0x12f: {  	v10 =	vld.idx.msk [tilespmem:v9+s21+$0x0], $0xffff;
	v7 =	vor.u32 v2, v7  }
0x130: {  	v12 =	vld.idx.msk [tilespmem:v14+s21+$0x0], $0xffff  }
0x131: {  	s24 =	simm.s32 $0x2;
	v26 =	vld.idx.msk [tilespmem:v14+s17+$0x0], $0xffff  }
0x132: {  	v6 =	vadd.s32 s24, v0;
	v28 =	vld.idx.msk [tilespmem:v14+s19+$0x0], $0xffff  }
0x133: {  	v6 =	vand.u32 $0x7F, v6;
	v15 =	vld.idx.msk [tilespmem:v25+s21+$0x0], $0xffff  }
0x134: {  	s20 =	simm.s32 $0xF;
	v34 =	vor.u32 v2, v6;
	v17 =	vld.idx.msk [tilespmem:v7+s21+$0x0], $0xffff  }
0x135: {  	s25 =	simm.s32 $0xB;
	s26 =	simm.s32 $0x7;
	v6 =	vadd.s32 s20, v0;
	v27 =	vld.idx.msk [tilespmem:v7+s17+$0x0], $0xffff  }
0x136: {  	v30 =	vadd.s32 s26, v0;
	s24 =	simm.s32 $0x9;
	v6 =	vand.u32 $0x7F, v6;
	v29 =	vld.idx.msk [tilespmem:v7+s19+$0x0], $0xffff;
	v7 =	vadd.s32 s25, v0  }
0x137: {  	v14 =	vadd.s32 s24, v0;
	v6 =	vor.u32 v2, v6;
	v31 =	vld.idx.msk [tilespmem:v25+s17+$0x0], $0xffff;
	v7 =	vand.u32 $0x7F, v7  }
0x138: {  	s28 =	simm.s32 $0x5;
	v30 =	vand.u32 $0x7F, v30;
	v14 =	vand.u32 $0x7F, v14;
	v32 =	vld.idx.msk [tilespmem:v25+s19+$0x0], $0xffff;
	v19 =	vor.u32 v2, v7  }
0x139: {  	s29 =	simm.s32 $0x3;
	v30 =	vor.u32 v2, v30;
	s30 =	simm.s32 $0x1;
	v25 =	vor.u32 v2, v14;
	v20 =	vld.idx.msk [tilespmem:v34+s21+$0x0], $0xffff;
	v7 =	vadd.s32 s28, v0  }
0x13a: {  	v36 =	vadd.s32 s30, v0;
	v14 =	vadd.s32 s29, v0;
	v33 =	vld.idx.msk [tilespmem:v34+s17+$0x0], $0xffff;
	v7 =	vand.u32 $0x7F, v7  }
0x13b: {  	v37 =	vand.u32 $0x7F, v36;
	v14 =	vand.u32 $0x7F, v14;
	v35 =	vld.idx.msk [tilespmem:v34+s19+$0x0], $0xffff;
	v34 =	vor.u32 v2, v7  }
0x13c: {  	s23 =	simm.s32 $0x1F;
	v9 =	vimm.f32 $0.0e+00;
	v36 =	vor.u32 v2, v14;
	v14 =	vimm.f32 $0.0e+00;
	v7 =	vld.idx.msk [tilespmem:v6+s17+$0x0], $0xffff  }
.LBB2_9:
0x13d: {  	p0 =	sne.s32 s23, $0x7F;
	v37 =	vor.u32 v2, v37;
	v38 =	vld.idx.msk [tilespmem:v19+s21+$0x0], $0xffff  }
0x13e: {  	v39 =	vld.idx.msk [tilespmem:v25+s21+$0x0], $0xffff  }
0x13f: {  	v40 =	vld.idx.msk [tilespmem:v30+s21+$0x0], $0xffff  }
0x140: {  	v41 =	vld.idx.msk [tilespmem:v34+s21+$0x0], $0xffff  }
0x141: {  	s24 =	sadd.s32 $0xFFFFFFFB, s23;
	s25 =	sadd.s32 $0xFFFFFFFD, s23;
	s26 =	sadd.s32 $0xFFFFFFFF, s23;
	v42 =	vld.idx.msk [tilespmem:v36+s21+$0x0], $0xffff  }
0x142: {  	s28 =	sadd.s32 $0xFFFFFFF1, s23;
	s29 =	sadd.s32 $0xFFFFFFF7, s23;
	s30 =	sadd.s32 $0xFFFFFFF9, s23;
	v43 =	vadd.s32 s24, v0;
	v44 =	vadd.s32 s25, v0;
	v45 =	vadd.s32 s26, v0;
	v46 =	vld.idx.msk [tilespmem:v37+s21+$0x0], $0xffff  }
0x143: {  	v47 =	vor.u32 s28, v3;
	v48 =	vadd.s32 s29, v0;
	v49 =	vadd.s32 s30, v0;
	v50 =	vld.idx.msk [tilespmem:v37+s17+$0x0], $0xffff  }
0x144: {  	v11 =	vadd.f32 v13, v11;
	v44 =	vand.u32 $0x7F, v44;
	v45 =	vand.u32 $0x7F, v45;
	v13 =	vld.idx.msk [tilespmem:v37+s19+$0x0], $0xffff  }
0x145: {  	v21 =	vadd.f32 v22, v21;
	v16 =	vadd.f32 v18, v16;
	v37 =	vand.u32 $0x7F, v43;
	v43 =	vld.idx.msk [tilespmem:v36+s17+$0x0], $0xffff  }
0x146: {  	v26 =	vadd.f32 v28, v26;
	v23 =	vadd.f32 v24, v23;
	v18 =	vand.u32 $0x7F, v49;
	v22 =	vld.idx.msk [tilespmem:v36+s19+$0x0], $0xffff  }
0x147: {  	v27 =	vadd.f32 v29, v27;
	v28 =	vadd.f32 v32, v31;
	s24 =	sadd.s32 $0xFFFFFFFE, s20;
	s20 =	smov.u32 s23;
	v24 =	vor.u32 v2, v45;
	v31 =	vld.idx.msk [tilespmem:v34+s17+$0x0], $0xffff  }
0x148: {  	v4 =	vsub.f32 v11, v4;
	v32 =	vadd.s32 s24, v0;
	v11 =	vadd.f32 v35, v33;
	v29 =	vld.idx.msk [tilespmem:v34+s19+$0x0], $0xffff  }
0x149: {  	v21 =	vsub.f32 v21, v8;
	v8 =	vand.u32 $0x7F, v32;
	v32 =	vsub.f32 v16, v5;
	v33 =	vld.idx.msk [tilespmem:v30+s17+$0x0], $0xffff  }
0x14a: {  	v10 =	vsub.f32 v23, v10;
	v8 =	vor.u32 v2, v8;
	v5 =	vadd.f32 v13, v50;
	v13 =	vld.idx.msk [tilespmem:v30+s19+$0x0], $0xffff  }
0x14b: {  	v12 =	vsub.f32 v26, v12;
	v23 =	vor.u32 v2, v44;
	v16 =	vsub.f32 v27, v17;
	v17 =	vld.idx.msk [tilespmem:v25+s17+$0x0], $0xffff  }
0x14c: {  	v26 =	vor.u32 v2, v37;
	v5 =	vsub.f32 v5, v46;
	v22 =	vadd.f32 v22, v43;
	v25 =	vld.idx.msk [tilespmem:v25+s19+$0x0], $0xffff  }
0x14d: {  	v15 =	vsub.f32 v28, v15;
	v4 =	vand.u32 $0x7FFFFFFF, v4;
	v11 =	vsub.f32 v11, v20;
	v20 =	vld.idx.msk [tilespmem:v19+s17+$0x0], $0xffff  }
0x14e: {  	v5 =	vand.u32 $0x7FFFFFFF, v5;
	v22 =	vsub.f32 v22, v42;
	v27 =	vadd.f32 v29, v31;
	v19 =	vld.idx.msk [tilespmem:v19+s19+$0x0], $0xffff  }
0x14f: {  	v4 =	vadd.f32 v4, v9;
	v9 =	vand.u32 $0x7FFFFFFF, v11;
	v5 =	vadd.f32 v5, v14;
	v14 =	vld.idx.msk [tilespmem:v8+s17+$0x0], $0xffff  }
0x150: {  	v11 =	vand.u32 $0x7FFFFFFF, v22;
	v22 =	vsub.f32 v27, v41;
	v13 =	vadd.f32 v13, v33;
	v27 =	vld.idx.msk [tilespmem:v8+s19+$0x0], $0xffff  }
0x151: {  	v9 =	vadd.f32 v9, v4;
	v5 =	vadd.f32 v11, v5;
	v11 =	vand.u32 $0x7FFFFFFF, v15;
	v15 =	vld.idx.msk [tilespmem:v6+s19+$0x0], $0xffff  }
0x152: {  	v22 =	vand.u32 $0x7FFFFFFF, v22;
	v13 =	vsub.f32 v13, v40;
	v17 =	vadd.f32 v25, v17;
	v25 =	vld.idx.msk [tilespmem:v8+s21+$0x0], $0xffff  }
0x153: {  	v8 =	vadd.f32 v11, v9;
	v5 =	vadd.f32 v22, v5;
	v9 =	vand.u32 $0x7FFFFFFF, v16;
	v4 =	vld.idx.msk [tilespmem:v47+s21+$0x0], $0xffff  }
0x154: {  	v13 =	vand.u32 $0x7FFFFFFF, v13;
	v16 =	vsub.f32 v17, v39;
	v17 =	vadd.f32 v19, v20;
	v6 =	vld.idx.msk [tilespmem:v6+s21+$0x0], $0xffff  }
0x155: {  	v12 =	vand.u32 $0x7FFFFFFF, v12;
	v8 =	vadd.f32 v9, v8;
	v9 =	vadd.f32 v13, v5;
	v11 =	vld.idx.msk [tilespmem:v47+s17+$0x0], $0xffff  }
0x156: {  	v16 =	vand.u32 $0x7FFFFFFF, v16;
	v17 =	vsub.f32 v17, v38;
	v14 =	vadd.f32 v27, v14;
	v13 =	vld.idx.msk [tilespmem:v47+s19+$0x0], $0xffff  }
0x157: {  	v10 =	vand.u32 $0x7FFFFFFF, v10;
	v12 =	vadd.f32 v12, v8;
	v9 =	vadd.f32 v16, v9;
	v5 =	vld.idx.msk [tilespmem:v24+s21+$0x0], $0xffff  }
0x158: {  	v7 =	vadd.f32 v15, v7;
	v17 =	vand.u32 $0x7FFFFFFF, v17;
	v14 =	vsub.f32 v14, v25;
	v8 =	vld.idx.msk [tilespmem:v23+s21+$0x0], $0xffff  }
0x159: {  	v15 =	vor.u32 v2, v18;
	v12 =	vadd.f32 v10, v12;
	v9 =	vadd.f32 v17, v9;
	v16 =	vld.idx.msk [tilespmem:v24+s17+$0x0], $0xffff  }
0x15a: {  	v17 =	vand.u32 $0x7FFFFFFF, v21;
	v14 =	vand.u32 $0x7FFFFFFF, v14;
	v6 =	vsub.f32 v7, v6;
	v18 =	vld.idx.msk [tilespmem:v24+s19+$0x0], $0xffff  }
0x15b: {  	v7 =	vand.u32 $0x7F, v48;
	v12 =	vadd.f32 v17, v12;
	v14 =	vadd.f32 v14, v9;
	v10 =	vld.idx.msk [tilespmem:v26+s21+$0x0], $0xffff  }
0x15c: {  	s24 =	sadd.s32 $0xFFFFFFF5, s23;
	v7 =	vor.u32 v2, v7;
	v9 =	vand.u32 $0x7FFFFFFF, v32;
	v6 =	vand.u32 $0x7FFFFFFF, v6;
	v21 =	vld.idx.msk [tilespmem:v23+s17+$0x0], $0xffff  }
0x15d: {  	v17 =	vadd.s32 s24, v0;
	v9 =	vadd.f32 v9, v12;
	v14 =	vadd.f32 v6, v14;
	v22 =	vld.idx.msk [tilespmem:v23+s19+$0x0], $0xffff  }
0x15e: {  	v6 =	vand.u32 $0x7F, v17;
	v12 =	vld.idx.msk [tilespmem:v15+s21+$0x0], $0xffff  }
0x15f: {  	s24 =	sadd.s32 $0xFFFFFFF3, s23;
	v25 =	vor.u32 v2, v6;
	v23 =	vld.idx.msk [tilespmem:v26+s17+$0x0], $0xffff  }
0x160: {  	v6 =	vadd.s32 s24, v0;
	v24 =	vld.idx.msk [tilespmem:v26+s19+$0x0], $0xffff  }
0x161: {  	v6 =	vand.u32 $0x7F, v6;
	v17 =	vld.idx.msk [tilespmem:v7+s21+$0x0], $0xffff  }
0x162: {  	v34 =	vor.u32 v2, v6;
	v26 =	vld.idx.msk [tilespmem:v15+s17+$0x0], $0xffff  }
0x163: {  	v28 =	vld.idx.msk [tilespmem:v15+s19+$0x0], $0xffff  }
0x164: {  	v15 =	vld.idx.msk [tilespmem:v25+s21+$0x0], $0xffff  }
0x165: {  	s24 =	sadd.s32 $0xFFFFFFFC, s23;
	v6 =	vadd.s32 s23, v0;
	v27 =	vld.idx.msk [tilespmem:v7+s17+$0x0], $0xffff  }
0x166: {  	s25 =	sadd.s32 $0xFFFFFFFA, s23;
	v6 =	vand.u32 $0x7F, v6;
	v29 =	vld.idx.msk [tilespmem:v7+s19+$0x0], $0xffff;
	v7 =	vadd.s32 s24, v0  }
0x167: {  	v19 =	vadd.s32 s25, v0;
	v6 =	vor.u32 v2, v6;
	s24 =	sadd.s32 $0xFFFFFFF8, s23;
	v20 =	vld.idx.msk [tilespmem:v34+s21+$0x0], $0xffff;
	v7 =	vand.u32 $0x7F, v7  }
.Ltmp3:
0x168: {  	s25 =	sadd.s32 $0xFFFFFFF6, s23;
	v33 =	vand.u32 $0x7F, v19;
	v30 =	vadd.s32 s24, v0;
	v31 =	vld.idx.msk [tilespmem:v25+s17+$0x0], $0xffff;
	v19 =	vor.u32 v2, v7;
	(pc) =	sbr.rel @p0 .LBB2_9-.Ltmp3, $4  }
0x169: {  	s24 =	sadd.s32 $0xFFFFFFF4, s23;
	v7 =	vadd.s32 s25, v0;
	v30 =	vand.u32 $0x7F, v30;
	v32 =	vld.idx.msk [tilespmem:v25+s19+$0x0], $0xffff;
	v25 =	vor.u32 v2, v33  }
0x16a: {  	s25 =	sadd.s32 $0xFFFFFFF2, s23;
	v36 =	vadd.s32 s24, v0;
	v7 =	vand.u32 $0x7F, v7;
	v30 =	vor.u32 v2, v30;
	v33 =	vld.idx.msk [tilespmem:v34+s17+$0x0], $0xffff  }
0x16b: {  	v37 =	vadd.s32 s25, v0;
	v36 =	vand.u32 $0x7F, v36;
	v35 =	vld.idx.msk [tilespmem:v34+s19+$0x0], $0xffff;
	v34 =	vor.u32 v2, v7  }
0x16c: {  	s23 =	sadd.s32 $0x10, s23;
	v37 =	vand.u32 $0x7F, v37;
	v36 =	vor.u32 v2, v36;
	v7 =	vld.idx.msk [tilespmem:v6+s17+$0x0], $0xffff  }
0x16d: {  	_ =	sdelay $0x2  }
0x16e: {  	v3 =	vor.u32 v2, v37  }
0x16f: {  	v59 =	vld.idx.msk [tilespmem:v19+s21+$0x0], $0xffff  }
0x170: {  	v38 =	vld.idx.msk [tilespmem:v25+s21+$0x0], $0xffff  }
0x171: {  	v39 =	vld.idx.msk [tilespmem:v30+s21+$0x0], $0xffff  }
0x172: {  	v16 =	vadd.f32 v18, v16;
	v18 =	vld.idx.msk [tilespmem:v36+s17+$0x0], $0xffff  }
0x173: {  	v11 =	vadd.f32 v13, v11;
	v40 =	vld.idx.msk [tilespmem:v3+s21+$0x0], $0xffff  }
0x174: {  	v13 =	vadd.f32 v22, v21;
	v21 =	vadd.f32 v28, v26;
	v41 =	vld.idx.msk [tilespmem:v3+s17+$0x0], $0xffff  }
0x175: {  	v22 =	vadd.f32 v24, v23;
	v26 =	vadd.f32 v29, v27;
	v3 =	vld.idx.msk [tilespmem:v3+s19+$0x0], $0xffff  }
0x176: {  	v23 =	vld.idx.msk [tilespmem:v36+s19+$0x0], $0xffff;
	v24 =	vadd.f32 v32, v31;
	v4 =	vsub.f32 v11, v4  }
0x177: {  	v28 =	vld.idx.msk [tilespmem:v34+s17+$0x0], $0xffff;
	s20 =	sadd.s32 $0xFFFFFFFE, s20;
	v13 =	vsub.f32 v13, v8;
	v16 =	vsub.f32 v16, v5  }
0x178: {  	s26 =	simm.s32 $0xC;
	v5 =	vld.idx.msk [tilespmem:v34+s19+$0x0], $0xffff;
	v8 =	vadd.s32 s20, v0;
	v22 =	vsub.f32 v22, v10;
	v17 =	vsub.f32 v26, v17  }
0x179: {  	v27 =	vld.idx.msk [tilespmem:v36+s21+$0x0], $0xffff;
	v12 =	vsub.f32 v21, v12;
	v26 =	vadd.s32 s26, v0;
	v11 =	vadd.f32 v35, v33  }
0x17a: {  	v10 =	vld.idx.msk [tilespmem:v34+s21+$0x0], $0xffff;
	v8 =	vand.u32 $0x7F, v8;
	v15 =	vsub.f32 v24, v15;
	v3 =	vadd.f32 v3, v41  }
0x17b: {  	v21 =	vld.idx.msk [tilespmem:v30+s17+$0x0], $0xffff;
	v8 =	vor.u32 v2, v8;
	v4 =	vand.u32 $0x7FFFFFFF, v4;
	v11 =	vsub.f32 v11, v20  }
0x17c: {  	s24 =	sor.u32 $0x10, s18;
	v24 =	vld.idx.msk [tilespmem:v25+s19+$0x0], $0xffff;
	v12 =	vand.u32 $0x7FFFFFFF, v12;
	v2 =	vsub.f32 v3, v40;
	v3 =	vadd.f32 v23, v18  }
0x17d: {  	v20 =	vld.idx.msk [tilespmem:v25+s17+$0x0], $0xffff;
	v4 =	vadd.f32 v4, v9;
	v5 =	vadd.f32 v5, v28;
	v23 =	vmov s24  }
0x17e: {  	v18 =	vld.idx.msk [tilespmem:v30+s19+$0x0], $0xffff;
	v9 =	vshll.u32 v23, $0x7;
	v2 =	vand.u32 $0x7FFFFFFF, v2;
	v3 =	vsub.f32 v3, v27  }
0x17f: {  	v11 =	vand.u32 $0x7FFFFFFF, v11;
	v23 =	vld.idx.msk [tilespmem:v19+s17+$0x0], $0xffff;
	v14 =	vadd.f32 v2, v14;
	v2 =	vor.u32 v1, v9  }
0x180: {  	s25 =	simm.s32 $0x0;
	v4 =	vadd.f32 v11, v4;
	v9 =	vld.idx.msk [tilespmem:v19+s19+$0x0], $0xffff;
	v19 =	vand.u32 $0x7FFFFFFF, v3;
	v3 =	vor.u32 v0, v2  }
0x181: {  	v15 =	vand.u32 $0x7FFFFFFF, v15;
	v5 =	vsub.f32 v5, v10;
	v25 =	vld.idx.msk [tilespmem:v8+s17+$0x0], $0xffff;
	v11 =	vor.u32 s25, v3  }
0x182: {  	v13 =	vand.u32 $0x7FFFFFFF, v13;
	v20 =	vadd.f32 v24, v20;
	v15 =	vadd.f32 v15, v4;
	v27 =	vld.idx.msk [tilespmem:v8+s21+$0x0], $0xffff  }
0x183: {  	s23 =	simm.s32 $0xE;
	v5 =	vand.u32 $0x7FFFFFFF, v5;
	v10 =	vadd.f32 v18, v21;
	v18 =	vld.idx.msk [tilespmem:v8+s19+$0x0], $0xffff;
	v8 =	vand.u32 $0x7F, v26  }
0x184: {  	v24 =	vld.idx.msk [tilespmem:v6+s21+$0x0], $0xffff;
	v14 =	vadd.f32 v19, v14;
	v19 =	vadd.s32 s23, v0;
	v26 =	vor.u32 v2, v8  }
0x185: {  	s28 =	simm.s32 $0xA;
	v21 =	vld.idx.msk [tilespmem:v6+s19+$0x0], $0xffff;
	v6 =	vand.u32 $0x7FFFFFFF, v17;
	v19 =	vand.u32 $0x7F, v19;
	v10 =	vsub.f32 v10, v39  }
0x186: {  	v17 =	vsub.f32 v20, v38;
	v8 =	vadd.s32 s28, v0;
	v19 =	vor.u32 v2, v19;
	v4 =	vld.idx.msk [tilespmem:v11+s21+$0x0], $0xffff  }
0x187: {  	s29 =	simm.s32 $0x8;
	v5 =	vadd.f32 v5, v14;
	v14 =	vand.u32 $0x7FFFFFFF, v10;
	v10 =	vand.u32 $0x7F, v8;
	v8 =	vld.idx.msk [tilespmem:v11+s17+$0x0], $0xffff  }
0x188: {  	v15 =	vadd.f32 v6, v15;
	v6 =	vadd.s32 s29, v0;
	v20 =	vor.u32 v2, v10;
	v10 =	vld.idx.msk [tilespmem:v11+s19+$0x0], $0xffff  }
0x189: {  	v9 =	vadd.f32 v9, v23;
	v11 =	vadd.f32 v14, v5;
	v14 =	vand.u32 $0x7F, v6;
	v6 =	vld.idx.msk [tilespmem:v26+s21+$0x0], $0xffff  }
0x18a: {  	v17 =	vand.u32 $0x7FFFFFFF, v17;
	v12 =	vadd.f32 v12, v15;
	v7 =	vadd.f32 v21, v7;
	v21 =	vld.idx.msk [tilespmem:v26+s19+$0x0], $0xffff  }
0x18b: {  	s30 =	simm.s32 $0x6;
	v9 =	vsub.f32 v9, v59;
	v18 =	vadd.f32 v18, v25;
	v28 =	vor.u32 v2, v14;
	v5 =	vld.idx.msk [tilespmem:v19+s21+$0x0], $0xffff  }
0x18c: {  	v14 =	vld.idx.msk [tilespmem:v19+s17+$0x0], $0xffff;
	v11 =	vadd.f32 v17, v11;
	v17 =	vand.u32 $0x7FFFFFFF, v22;
	v22 =	vadd.s32 s30, v0  }
0x18d: {  	s23 =	simm.s32 $0x4;
	v15 =	vld.idx.msk [tilespmem:v19+s19+$0x0], $0xffff;
	v23 =	vand.u32 $0x7FFFFFFF, v9;
	v18 =	vsub.f32 v18, v27;
	v19 =	vand.u32 $0x7F, v22  }
0x18e: {  	v17 =	vadd.f32 v17, v12;
	v12 =	vadd.s32 s23, v0;
	v22 =	vor.u32 v2, v19;
	v19 =	vld.idx.msk [tilespmem:v26+s17+$0x0], $0xffff  }
0x18f: {  	v7 =	vsub.f32 v7, v24;
	v11 =	vadd.f32 v23, v11;
	v23 =	vand.u32 $0x7F, v12;
	v9 =	vld.idx.msk [tilespmem:v20+s21+$0x0], $0xffff  }
0x190: {  	v18 =	vand.u32 $0x7FFFFFFF, v18;
	v13 =	vadd.f32 v13, v17;
	v17 =	vor.u32 v2, v23;
	v23 =	vld.idx.msk [tilespmem:v20+s17+$0x0], $0xffff  }
0x191: {  	v24 =	vld.idx.msk [tilespmem:v20+s19+$0x0], $0xffff;
	v11 =	vadd.f32 v18, v11  }
0x192: {  	v16 =	vand.u32 $0x7FFFFFFF, v16;
	v7 =	vand.u32 $0x7FFFFFFF, v7;
	v12 =	vld.idx.msk [tilespmem:v28+s21+$0x0], $0xffff  }
0x193: {  	s24 =	simm.s32 $0x2;
	v25 =	vld.idx.msk [tilespmem:v28+s17+$0x0], $0xffff;
	v13 =	vadd.f32 v16, v13;
	v7 =	vadd.f32 v7, v11  }
0x194: {  	v18 =	vadd.s32 s24, v0;
	v28 =	vld.idx.msk [tilespmem:v28+s19+$0x0], $0xffff  }
0x195: {  	v11 =	vand.u32 $0x7F, v18;
	v18 =	vld.idx.msk [tilespmem:v22+s21+$0x0], $0xffff;
	v7 =	vadd.f32 v7, v13  }
0x196: {  	s20 =	simm.s32 $0xF;
	v60 =	vor.u32 v2, v11;
	v27 =	vld.idx.msk [tilespmem:v22+s17+$0x0], $0xffff  }
0x197: {  	s26 =	simm.s32 $0x7;
	s25 =	simm.s32 $0xB;
	v29 =	vld.idx.msk [tilespmem:v22+s19+$0x0], $0xffff;
	v13 =	vsub.f32 $0.0e+00, v7;
	v7 =	vadd.s32 s20, v0  }
0x198: {  	v30 =	vadd.s32 s26, v0;
	s24 =	simm.s32 $0x9;
	v22 =	vadd.s32 s25, v0;
	v16 =	vld.idx.msk [tilespmem:v17+s21+$0x0], $0xffff;
	v7 =	vand.u32 $0x7F, v7  }
0x199: {  	v26 =	vadd.s32 s24, v0;
	v22 =	vand.u32 $0x7F, v22;
	v31 =	vld.idx.msk [tilespmem:v17+s17+$0x0], $0xffff;
	v7 =	vor.u32 v2, v7  }
0x19a: {  	v30 =	vand.u32 $0x7F, v30;
	s28 =	simm.s32 $0x5;
	s29 =	simm.s32 $0x3;
	v26 =	vand.u32 $0x7F, v26;
	v33 =	vld.idx.msk [tilespmem:v17+s19+$0x0], $0xffff;
	v22 =	vor.u32 v2, v22  }
0x19b: {  	v61 =	vadd.s32 s29, v0;
	v26 =	vor.u32 v2, v26;
	v17 =	vadd.s32 s28, v0;
	v20 =	vld.idx.msk [tilespmem:v60+s21+$0x0], $0xffff  }
0x19c: {  	v30 =	vor.u32 v2, v30;
	v63 =	vand.u32 $0x7F, v61;
	s30 =	simm.s32 $0x1;
	v17 =	vand.u32 $0x7F, v17;
	v32 =	vld.idx.msk [tilespmem:v60+s17+$0x0], $0xffff  }
0x19d: {  	v36 =	vor.u32 v2, v63;
	v62 =	vadd.s32 s30, v0;
	v35 =	vor.u32 v2, v17;
	v34 =	vld.idx.msk [tilespmem:v60+s19+$0x0], $0xffff  }
0x19e: {  	s23 =	simm.s32 $0x1F;
	v37 =	vand.u32 $0x7F, v62;
	v11 =	vimm.f32 $0.0e+00;
	v17 =	vimm.f32 $0.0e+00;
	[tilespmem:s18+$0x18680] =	vst v13;
	v13 =	vld.idx.msk [tilespmem:v7+s17+$0x0], $0xffff  }
.LBB2_11:
0x19f: {  	p0 =	sne.s32 s23, $0x7F;
	v37 =	vor.u32 v2, v37;
	v38 =	vld.idx.msk [tilespmem:v22+s21+$0x0], $0xffff  }
0x1a0: {  	v39 =	vld.idx.msk [tilespmem:v26+s21+$0x0], $0xffff  }
0x1a1: {  	v40 =	vld.idx.msk [tilespmem:v30+s21+$0x0], $0xffff  }
0x1a2: {  	v41 =	vld.idx.msk [tilespmem:v35+s21+$0x0], $0xffff  }
0x1a3: {  	s24 =	sadd.s32 $0xFFFFFFFB, s23;
	s25 =	sadd.s32 $0xFFFFFFFD, s23;
	s26 =	sadd.s32 $0xFFFFFFFF, s23;
	v42 =	vld.idx.msk [tilespmem:v36+s21+$0x0], $0xffff  }
0x1a4: {  	s28 =	sadd.s32 $0xFFFFFFF1, s23;
	s29 =	sadd.s32 $0xFFFFFFF7, s23;
	s30 =	sadd.s32 $0xFFFFFFF9, s23;
	v43 =	vadd.s32 s24, v0;
	v44 =	vadd.s32 s25, v0;
	v45 =	vadd.s32 s26, v0;
	v46 =	vld.idx.msk [tilespmem:v37+s21+$0x0], $0xffff  }
0x1a5: {  	v47 =	vor.u32 s28, v3;
	v48 =	vadd.s32 s29, v0;
	v49 =	vadd.s32 s30, v0;
	v50 =	vld.idx.msk [tilespmem:v37+s17+$0x0], $0xffff  }
0x1a6: {  	v8 =	vadd.f32 v10, v8;
	v44 =	vand.u32 $0x7F, v44;
	v45 =	vand.u32 $0x7F, v45;
	v10 =	vld.idx.msk [tilespmem:v37+s19+$0x0], $0xffff  }
0x1a7: {  	v19 =	vadd.f32 v21, v19;
	v14 =	vadd.f32 v15, v14;
	v37 =	vand.u32 $0x7F, v43;
	v43 =	vld.idx.msk [tilespmem:v36+s17+$0x0], $0xffff  }
0x1a8: {  	v25 =	vadd.f32 v28, v25;
	v23 =	vadd.f32 v24, v23;
	v15 =	vand.u32 $0x7F, v49;
	v21 =	vld.idx.msk [tilespmem:v36+s19+$0x0], $0xffff  }
0x1a9: {  	v27 =	vadd.f32 v29, v27;
	v28 =	vadd.f32 v33, v31;
	s24 =	sadd.s32 $0xFFFFFFFE, s20;
	s20 =	smov.u32 s23;
	v24 =	vor.u32 v2, v45;
	v31 =	vld.idx.msk [tilespmem:v35+s17+$0x0], $0xffff  }
0x1aa: {  	v4 =	vsub.f32 v8, v4;
	v8 =	vadd.f32 v34, v32;
	v32 =	vadd.s32 s24, v0;
	v29 =	vld.idx.msk [tilespmem:v35+s19+$0x0], $0xffff  }
0x1ab: {  	v19 =	vsub.f32 v19, v6;
	v6 =	vand.u32 $0x7F, v32;
	v32 =	vsub.f32 v14, v5;
	v33 =	vld.idx.msk [tilespmem:v30+s17+$0x0], $0xffff  }
0x1ac: {  	v9 =	vsub.f32 v23, v9;
	v6 =	vor.u32 v2, v6;
	v5 =	vadd.f32 v10, v50;
	v10 =	vld.idx.msk [tilespmem:v30+s19+$0x0], $0xffff  }
0x1ad: {  	v12 =	vsub.f32 v25, v12;
	v23 =	vor.u32 v2, v44;
	v14 =	vsub.f32 v27, v18;
	v18 =	vld.idx.msk [tilespmem:v26+s17+$0x0], $0xffff  }
0x1ae: {  	v25 =	vor.u32 v2, v37;
	v5 =	vsub.f32 v5, v46;
	v21 =	vadd.f32 v21, v43;
	v26 =	vld.idx.msk [tilespmem:v26+s19+$0x0], $0xffff  }
0x1af: {  	v16 =	vsub.f32 v28, v16;
	v4 =	vand.u32 $0x7FFFFFFF, v4;
	v8 =	vsub.f32 v8, v20;
	v20 =	vld.idx.msk [tilespmem:v22+s17+$0x0], $0xffff  }
0x1b0: {  	v5 =	vand.u32 $0x7FFFFFFF, v5;
	v21 =	vsub.f32 v21, v42;
	v27 =	vadd.f32 v29, v31;
	v22 =	vld.idx.msk [tilespmem:v22+s19+$0x0], $0xffff  }
0x1b1: {  	v4 =	vadd.f32 v4, v11;
	v8 =	vand.u32 $0x7FFFFFFF, v8;
	v5 =	vadd.f32 v5, v17;
	v11 =	vld.idx.msk [tilespmem:v6+s17+$0x0], $0xffff  }
0x1b2: {  	v17 =	vand.u32 $0x7FFFFFFF, v21;
	v21 =	vsub.f32 v27, v41;
	v10 =	vadd.f32 v10, v33;
	v27 =	vld.idx.msk [tilespmem:v6+s19+$0x0], $0xffff  }
0x1b3: {  	v16 =	vand.u32 $0x7FFFFFFF, v16;
	v8 =	vadd.f32 v8, v4;
	v5 =	vadd.f32 v17, v5;
	v17 =	vld.idx.msk [tilespmem:v7+s19+$0x0], $0xffff  }
0x1b4: {  	v21 =	vand.u32 $0x7FFFFFFF, v21;
	v10 =	vsub.f32 v10, v40;
	v18 =	vadd.f32 v26, v18;
	v26 =	vld.idx.msk [tilespmem:v6+s21+$0x0], $0xffff  }
0x1b5: {  	v14 =	vand.u32 $0x7FFFFFFF, v14;
	v6 =	vadd.f32 v16, v8;
	v5 =	vadd.f32 v21, v5;
	v4 =	vld.idx.msk [tilespmem:v47+s21+$0x0], $0xffff  }
0x1b6: {  	v10 =	vand.u32 $0x7FFFFFFF, v10;
	v16 =	vsub.f32 v18, v39;
	v18 =	vadd.f32 v22, v20;
	v7 =	vld.idx.msk [tilespmem:v7+s21+$0x0], $0xffff  }
0x1b7: {  	v12 =	vand.u32 $0x7FFFFFFF, v12;
	v6 =	vadd.f32 v14, v6;
	v14 =	vadd.f32 v10, v5;
	v8 =	vld.idx.msk [tilespmem:v47+s17+$0x0], $0xffff  }
0x1b8: {  	v16 =	vand.u32 $0x7FFFFFFF, v16;
	v18 =	vsub.f32 v18, v38;
	v11 =	vadd.f32 v27, v11;
	v10 =	vld.idx.msk [tilespmem:v47+s19+$0x0], $0xffff  }
0x1b9: {  	v9 =	vand.u32 $0x7FFFFFFF, v9;
	v12 =	vadd.f32 v12, v6;
	v16 =	vadd.f32 v16, v14;
	v5 =	vld.idx.msk [tilespmem:v24+s21+$0x0], $0xffff  }
0x1ba: {  	v13 =	vadd.f32 v17, v13;
	v18 =	vand.u32 $0x7FFFFFFF, v18;
	v11 =	vsub.f32 v11, v26;
	v6 =	vld.idx.msk [tilespmem:v23+s21+$0x0], $0xffff  }
0x1bb: {  	v20 =	vor.u32 v2, v15;
	v12 =	vadd.f32 v9, v12;
	v16 =	vadd.f32 v18, v16;
	v14 =	vld.idx.msk [tilespmem:v24+s17+$0x0], $0xffff  }
0x1bc: {  	v17 =	vand.u32 $0x7FFFFFFF, v19;
	v11 =	vand.u32 $0x7FFFFFFF, v11;
	v7 =	vsub.f32 v13, v7;
	v15 =	vld.idx.msk [tilespmem:v24+s19+$0x0], $0xffff  }
0x1bd: {  	v13 =	vand.u32 $0x7F, v48;
	v12 =	vadd.f32 v17, v12;
	v16 =	vadd.f32 v11, v16;
	v9 =	vld.idx.msk [tilespmem:v25+s21+$0x0], $0xffff  }
0x1be: {  	s24 =	sadd.s32 $0xFFFFFFF5, s23;
	v13 =	vor.u32 v2, v13;
	v11 =	vand.u32 $0x7FFFFFFF, v32;
	v7 =	vand.u32 $0x7FFFFFFF, v7;
	v19 =	vld.idx.msk [tilespmem:v23+s17+$0x0], $0xffff  }
0x1bf: {  	v18 =	vadd.s32 s24, v0;
	v11 =	vadd.f32 v11, v12;
	v17 =	vadd.f32 v7, v16;
	v21 =	vld.idx.msk [tilespmem:v23+s19+$0x0], $0xffff  }
0x1c0: {  	v7 =	vand.u32 $0x7F, v18;
	v12 =	vld.idx.msk [tilespmem:v20+s21+$0x0], $0xffff  }
0x1c1: {  	s24 =	sadd.s32 $0xFFFFFFF3, s23;
	v26 =	vor.u32 v2, v7;
	v23 =	vld.idx.msk [tilespmem:v25+s17+$0x0], $0xffff  }
0x1c2: {  	v7 =	vadd.s32 s24, v0;
	v24 =	vld.idx.msk [tilespmem:v25+s19+$0x0], $0xffff  }
0x1c3: {  	v7 =	vand.u32 $0x7F, v7;
	v18 =	vld.idx.msk [tilespmem:v13+s21+$0x0], $0xffff  }
0x1c4: {  	v34 =	vor.u32 v2, v7;
	v25 =	vld.idx.msk [tilespmem:v20+s17+$0x0], $0xffff  }
0x1c5: {  	v28 =	vld.idx.msk [tilespmem:v20+s19+$0x0], $0xffff  }
0x1c6: {  	v16 =	vld.idx.msk [tilespmem:v26+s21+$0x0], $0xffff  }
0x1c7: {  	s24 =	sadd.s32 $0xFFFFFFFC, s23;
	v7 =	vadd.s32 s23, v0;
	v27 =	vld.idx.msk [tilespmem:v13+s17+$0x0], $0xffff  }
0x1c8: {  	s25 =	sadd.s32 $0xFFFFFFFA, s23;
	v7 =	vand.u32 $0x7F, v7;
	v29 =	vld.idx.msk [tilespmem:v13+s19+$0x0], $0xffff;
	v13 =	vadd.s32 s24, v0  }
0x1c9: {  	v22 =	vadd.s32 s25, v0;
	v7 =	vor.u32 v2, v7;
	s24 =	sadd.s32 $0xFFFFFFF8, s23;
	v20 =	vld.idx.msk [tilespmem:v34+s21+$0x0], $0xffff;
	v13 =	vand.u32 $0x7F, v13  }
.Ltmp4:
0x1ca: {  	s25 =	sadd.s32 $0xFFFFFFF6, s23;
	v32 =	vand.u32 $0x7F, v22;
	v30 =	vadd.s32 s24, v0;
	v31 =	vld.idx.msk [tilespmem:v26+s17+$0x0], $0xffff;
	v22 =	vor.u32 v2, v13;
	(pc) =	sbr.rel @p0 .LBB2_11-.Ltmp4, $4  }
0x1cb: {  	s24 =	sadd.s32 $0xFFFFFFF4, s23;
	v13 =	vadd.s32 s25, v0;
	v30 =	vand.u32 $0x7F, v30;
	v33 =	vld.idx.msk [tilespmem:v26+s19+$0x0], $0xffff;
	v26 =	vor.u32 v2, v32  }
0x1cc: {  	s25 =	sadd.s32 $0xFFFFFFF2, s23;
	v35 =	vadd.s32 s24, v0;
	v13 =	vand.u32 $0x7F, v13;
	v30 =	vor.u32 v2, v30;
	v32 =	vld.idx.msk [tilespmem:v34+s17+$0x0], $0xffff  }
0x1cd: {  	v36 =	vadd.s32 s25, v0;
	v38 =	vand.u32 $0x7F, v35;
	v35 =	vor.u32 v2, v13;
	v34 =	vld.idx.msk [tilespmem:v34+s19+$0x0], $0xffff  }
0x1ce: {  	s23 =	sadd.s32 $0x10, s23;
	v37 =	vand.u32 $0x7F, v36;
	v36 =	vor.u32 v2, v38;
	v13 =	vld.idx.msk [tilespmem:v7+s17+$0x0], $0xffff  }
0x1cf: {  	_ =	sdelay $0x3  }
0x1d0: {  	v3 =	vor.u32 v2, v37;
	v37 =	vld.idx.msk [tilespmem:v22+s21+$0x0], $0xffff  }
0x1d1: {  	v38 =	vld.idx.msk [tilespmem:v26+s21+$0x0], $0xffff  }
0x1d2: {  	v39 =	vld.idx.msk [tilespmem:v30+s21+$0x0], $0xffff  }
0x1d3: {  	v40 =	vld.idx.msk [tilespmem:v35+s21+$0x0], $0xffff  }
0x1d4: {  	v41 =	vld.idx.msk [tilespmem:v36+s21+$0x0], $0xffff  }
0x1d5: {  	v42 =	vld.idx.msk [tilespmem:v3+s21+$0x0], $0xffff  }
0x1d6: {  	v8 =	vadd.f32 v10, v8;
	v43 =	vld.idx.msk [tilespmem:v3+s17+$0x0], $0xffff  }
0x1d7: {  	v53 =	vadd.f32 v21, v19;
	v14 =	vadd.f32 v15, v14;
	v3 =	vld.idx.msk [tilespmem:v3+s19+$0x0], $0xffff  }
0x1d8: {  	v54 =	vld.idx.msk [tilespmem:v36+s17+$0x0], $0xffff;
	v55 =	vadd.f32 v28, v25;
	v56 =	vadd.f32 v24, v23  }
0x1d9: {  	v57 =	vld.idx.msk [tilespmem:v36+s19+$0x0], $0xffff;
	v59 =	vadd.f32 v29, v27;
	v58 =	vadd.f32 v33, v31  }
0x1da: {  	v60 =	vld.idx.msk [tilespmem:v35+s17+$0x0], $0xffff;
	s20 =	sadd.s32 $0xFFFFFFFE, s20;
	v4 =	vsub.f32 v8, v4;
	v6 =	vsub.f32 v53, v6  }
0x1db: {  	v62 =	vld.idx.msk [tilespmem:v35+s19+$0x0], $0xffff;
	v63 =	vadd.s32 s20, v0;
	v5 =	vsub.f32 v14, v5;
	v9 =	vsub.f32 v56, v9  }
0x1dc: {  	v33 =	vand.u32 $0x7F, v63;
	v61 =	vadd.f32 v34, v32;
	v32 =	vld.idx.msk [tilespmem:v30+s17+$0x0], $0xffff;
	v3 =	vadd.f32 v3, v43  }
0x1dd: {  	v35 =	vsub.f32 v59, v18;
	v12 =	vsub.f32 v55, v12;
	v34 =	vld.idx.msk [tilespmem:v30+s19+$0x0], $0xffff;
	v2 =	vor.u32 v2, v33  }
0x1de: {  	v36 =	vld.idx.msk [tilespmem:v26+s17+$0x0], $0xffff;
	v15 =	vadd.f32 v57, v54;
	v3 =	vsub.f32 v3, v42  }
0x1df: {  	v16 =	vsub.f32 v58, v16;
	v4 =	vand.u32 $0x7FFFFFFF, v4;
	v8 =	vsub.f32 v61, v20;
	v42 =	vld.idx.msk [tilespmem:v26+s19+$0x0], $0xffff  }
0x1e0: {  	v45 =	vld.idx.msk [tilespmem:v22+s19+$0x0], $0xffff;
	v44 =	vadd.f32 v62, v60;
	v15 =	vsub.f32 v15, v41;
	v3 =	vand.u32 $0x7FFFFFFF, v3  }
0x1e1: {  	v4 =	vadd.f32 v4, v11;
	v8 =	vand.u32 $0x7FFFFFFF, v8;
	v43 =	vld.idx.msk [tilespmem:v22+s17+$0x0], $0xffff;
	v3 =	vadd.f32 v3, v17  }
0x1e2: {  	v47 =	vsub.f32 v44, v40;
	v46 =	vld.idx.msk [tilespmem:v2+s17+$0x0], $0xffff;
	v10 =	vadd.f32 v34, v32;
	v15 =	vand.u32 $0x7FFFFFFF, v15  }
0x1e3: {  	v49 =	vand.u32 $0x7FFFFFFF, v16;
	v48 =	vld.idx.msk [tilespmem:v2+s19+$0x0], $0xffff;
	v4 =	vadd.f32 v8, v4;
	v3 =	vadd.f32 v15, v3  }
0x1e4: {  	v50 =	vld.idx.msk [tilespmem:v7+s19+$0x0], $0xffff;
	v51 =	vand.u32 $0x7FFFFFFF, v47;
	v10 =	vsub.f32 v10, v39;
	v52 =	vadd.f32 v42, v36  }
0x1e5: {  	v53 =	vand.u32 $0x7FFFFFFF, v35;
	v2 =	vld.idx.msk [tilespmem:v2+s21+$0x0], $0xffff;
	v4 =	vadd.f32 v49, v4;
	v3 =	vadd.f32 v51, v3  }
0x1e6: {  	v10 =	vand.u32 $0x7FFFFFFF, v10;
	v55 =	vadd.f32 v45, v43;
	v54 =	vsub.f32 v52, v38  }
0x1e7: {  	v56 =	vld.idx.msk [tilespmem:v7+s21+$0x0], $0xffff;
	v57 =	vand.u32 $0x7FFFFFFF, v12;
	v4 =	vadd.f32 v53, v4;
	v3 =	vadd.f32 v10, v3  }
0x1e8: {  	v11 =	vadd.f32 v48, v46;
	v59 =	vsub.f32 v55, v37;
	v58 =	vand.u32 $0x7FFFFFFF, v54  }
0x1e9: {  	v60 =	vand.u32 $0x7FFFFFFF, v9;
	v4 =	vadd.f32 v57, v4;
	v3 =	vadd.f32 v58, v3  }
0x1ea: {  	v62 =	vadd.f32 v50, v13;
	v2 =	vsub.f32 v11, v2;
	v61 =	vand.u32 $0x7FFFFFFF, v59  }
0x1eb: {  	v4 =	vadd.f32 v60, v4;
	v3 =	vadd.f32 v61, v3  }
0x1ec: {  	v6 =	vand.u32 $0x7FFFFFFF, v6;
	v7 =	vsub.f32 v62, v56;
	v2 =	vand.u32 $0x7FFFFFFF, v2  }
0x1ed: {  	v4 =	vadd.f32 v6, v4;
	v2 =	vadd.f32 v2, v3  }
0x1ee: {  	v63 =	vand.u32 $0x7FFFFFFF, v7;
	v3 =	vand.u32 $0x7FFFFFFF, v5  }
0x1ef: {  	v3 =	vadd.f32 v3, v4;
	v2 =	vadd.f32 v63, v2  }
0x1f0: {  	p0 =	slt.u32 s3, $0x6  }
.Ltmp5:
0x1f1: {  	v2 =	vadd.f32 v2, v3;
	(pc) =	sbr.rel @p0 .LBB2_8-.Ltmp5, $4  }
0x1f2: {  	_ = 	snop  }
0x1f3: {  	v2 =	vsub.f32 $0.0e+00, v2  }
0x1f4: {  	s30 =	sadd.s32 $0x2, s3  }
0x1f5: {  	s3 =	smov.u32 s30;
	[tilespmem:s18+$0x18690] =	vst v2  }
0x1f6: {  	_ =	swait.ge [sflag:s12], $0x4000  }
0x1f7: {  	[sflag:s12] =	ssyncset.done $0x0  }
0x1f8: {  	[sflag:s12] =	ssyncadd.s32 $0xFFFFC000  }
0x1f9: {  	_ =	swait.ge [sflag:s12], $0x4000  }
0x1fa: {  	[sflag:s12] =	ssyncset.done $0x0  }
0x1fb: {  	[sflag:s12] =	ssyncadd.s32 $0xFFFFC000  }
0x1fc: {  	_ =	swait.ge [sflag:s12], $0x4000  }
0x1fd: {  	[sflag:s12] =	ssyncset.done $0x0  }
0x1fe: {  	s3 =	simm.s32 $0x180;
	[sflag:s12] =	ssyncadd.s32 $0xFFFFC000  }
0x1ff: {  	[tilespmem:s17], [sflag:$0x2] =	stream.indirect.gather [hbm4b:s1+s13], $0x80, s3, s13, $0xb8;
	[tilespmem:$0x18800] =	vst v63  }
0x200: {  	s29 =	simm.s32 $0x380  }
0x201: {  	[tilespmem:s19], [sflag:$0x2] =	stream.indirect.gather [hbm4b:s2+s13], $0x80, s29, s13, $0xb8;
	[tilespmem:$0x18800] =	vst v63  }
0x202: {  	s30 =	simm.s32 $0x580;
	s3 =	simm.s32 $0x0  }
0x203: {  	[tilespmem:s21], [sflag:$0x2] =	stream.indirect.gather [hbm4b:s1+s13], $0x80, s30, s13, $0xb8;
	[tilespmem:$0x18800] =	vst v63  }
.LBB2_14:
0x204: {  	s18 =	sshll.u32 s3, $0x4  }
0x205: {  	s26 =	simm.s32 $0xC;
	v2 =	vmov s18  }
0x206: {  	s23 =	simm.s32 $0xE;
	v6 =	vadd.s32 s26, v0;
	v2 =	vshll.u32 v2, $0x7  }
0x207: {  	v4 =	vadd.s32 s23, v0;
	v6 =	vand.u32 $0x7F, v6;
	v2 =	vor.u32 v1, v2  }
0x208: {  	v4 =	vand.u32 $0x7F, v4;
	v6 =	vor.u32 v2, v6  }
0x209: {  	s28 =	simm.s32 $0xA;
	v7 =	vor.u32 v2, v4  }
0x20a: {  	v8 =	vadd.s32 s28, v0  }
0x20b: {  	s29 =	simm.s32 $0x8;
	v8 =	vand.u32 $0x7F, v8  }
0x20c: {  	v9 =	vor.u32 v2, v8;
	v8 =	vadd.s32 s29, v0  }
0x20d: {  	v10 =	vand.u32 $0x7F, v8;
	v8 =	vld.idx.msk [tilespmem:v6+s16+$0x0], $0xffff  }
0x20e: {  	s20 =	simm.s32 $0x0;
	v3 =	vor.u32 v0, v2;
	v16 =	vld.idx.msk [tilespmem:v7+s14+$0x0], $0xffff  }
0x20f: {  	v5 =	vor.u32 s20, v3;
	v18 =	vld.idx.msk [tilespmem:v7+s15+$0x0], $0xffff  }
0x210: {  	v21 =	vld.idx.msk [tilespmem:v6+s14+$0x0], $0xffff  }
0x211: {  	v22 =	vld.idx.msk [tilespmem:v6+s15+$0x0], $0xffff  }
0x212: {  	v23 =	vld.idx.msk [tilespmem:v9+s14+$0x0], $0xffff  }
0x213: {  	v24 =	vld.idx.msk [tilespmem:v9+s15+$0x0], $0xffff  }
0x214: {  	s23 =	simm.s32 $0x4;
	v14 =	vor.u32 v2, v10;
	v4 =	vld.idx.msk [tilespmem:v5+s16+$0x0], $0xffff  }
0x215: {  	s30 =	simm.s32 $0x6;
	v12 =	vadd.s32 s23, v0;
	v11 =	vld.idx.msk [tilespmem:v5+s14+$0x0], $0xffff  }
0x216: {  	v10 =	vadd.s32 s30, v0;
	v6 =	vand.u32 $0x7F, v12;
	v13 =	vld.idx.msk [tilespmem:v5+s15+$0x0], $0xffff  }
0x217: {  	v5 =	vld.idx.msk [tilespmem:v7+s16+$0x0], $0xffff;
	v7 =	vand.u32 $0x7F, v10;
	v25 =	vor.u32 v2, v6  }
0x218: {  	v10 =	vld.idx.msk [tilespmem:v9+s16+$0x0], $0xffff;
	v7 =	vor.u32 v2, v7  }
0x219: {  	v12 =	vld.idx.msk [tilespmem:v14+s16+$0x0], $0xffff  }
0x21a: {  	s24 =	simm.s32 $0x2;
	v26 =	vld.idx.msk [tilespmem:v14+s14+$0x0], $0xffff  }
0x21b: {  	v6 =	vadd.s32 s24, v0;
	v28 =	vld.idx.msk [tilespmem:v14+s15+$0x0], $0xffff  }
0x21c: {  	v6 =	vand.u32 $0x7F, v6;
	v15 =	vld.idx.msk [tilespmem:v25+s16+$0x0], $0xffff  }
0x21d: {  	s20 =	simm.s32 $0xF;
	v34 =	vor.u32 v2, v6;
	v17 =	vld.idx.msk [tilespmem:v7+s16+$0x0], $0xffff  }
0x21e: {  	s25 =	simm.s32 $0xB;
	s26 =	simm.s32 $0x7;
	v6 =	vadd.s32 s20, v0;
	v27 =	vld.idx.msk [tilespmem:v7+s14+$0x0], $0xffff  }
0x21f: {  	v30 =	vadd.s32 s26, v0;
	s24 =	simm.s32 $0x9;
	v6 =	vand.u32 $0x7F, v6;
	v29 =	vld.idx.msk [tilespmem:v7+s15+$0x0], $0xffff;
	v7 =	vadd.s32 s25, v0  }
0x220: {  	v14 =	vadd.s32 s24, v0;
	v6 =	vor.u32 v2, v6;
	v31 =	vld.idx.msk [tilespmem:v25+s14+$0x0], $0xffff;
	v7 =	vand.u32 $0x7F, v7  }
0x221: {  	s28 =	simm.s32 $0x5;
	v30 =	vand.u32 $0x7F, v30;
	v14 =	vand.u32 $0x7F, v14;
	v32 =	vld.idx.msk [tilespmem:v25+s15+$0x0], $0xffff;
	v19 =	vor.u32 v2, v7  }
0x222: {  	s29 =	simm.s32 $0x3;
	v30 =	vor.u32 v2, v30;
	s30 =	simm.s32 $0x1;
	v25 =	vor.u32 v2, v14;
	v20 =	vld.idx.msk [tilespmem:v34+s16+$0x0], $0xffff;
	v7 =	vadd.s32 s28, v0  }
0x223: {  	v36 =	vadd.s32 s30, v0;
	v14 =	vadd.s32 s29, v0;
	v33 =	vld.idx.msk [tilespmem:v34+s14+$0x0], $0xffff;
	v7 =	vand.u32 $0x7F, v7  }
0x224: {  	v37 =	vand.u32 $0x7F, v36;
	v14 =	vand.u32 $0x7F, v14;
	v35 =	vld.idx.msk [tilespmem:v34+s15+$0x0], $0xffff;
	v34 =	vor.u32 v2, v7  }
0x225: {  	s23 =	simm.s32 $0x1F;
	v9 =	vimm.f32 $0.0e+00;
	v36 =	vor.u32 v2, v14;
	v14 =	vimm.f32 $0.0e+00;
	v7 =	vld.idx.msk [tilespmem:v6+s14+$0x0], $0xffff  }
.LBB2_15:
0x226: {  	p0 =	sne.s32 s23, $0x7F;
	v37 =	vor.u32 v2, v37;
	v38 =	vld.idx.msk [tilespmem:v19+s16+$0x0], $0xffff  }
0x227: {  	v39 =	vld.idx.msk [tilespmem:v25+s16+$0x0], $0xffff  }
0x228: {  	v40 =	vld.idx.msk [tilespmem:v30+s16+$0x0], $0xffff  }
0x229: {  	v41 =	vld.idx.msk [tilespmem:v34+s16+$0x0], $0xffff  }
0x22a: {  	s24 =	sadd.s32 $0xFFFFFFFB, s23;
	s25 =	sadd.s32 $0xFFFFFFFD, s23;
	s26 =	sadd.s32 $0xFFFFFFFF, s23;
	v42 =	vld.idx.msk [tilespmem:v36+s16+$0x0], $0xffff  }
0x22b: {  	s28 =	sadd.s32 $0xFFFFFFF1, s23;
	s29 =	sadd.s32 $0xFFFFFFF7, s23;
	s30 =	sadd.s32 $0xFFFFFFF9, s23;
	v43 =	vadd.s32 s24, v0;
	v44 =	vadd.s32 s25, v0;
	v45 =	vadd.s32 s26, v0;
	v46 =	vld.idx.msk [tilespmem:v37+s16+$0x0], $0xffff  }
0x22c: {  	v47 =	vor.u32 s28, v3;
	v48 =	vadd.s32 s29, v0;
	v49 =	vadd.s32 s30, v0;
	v50 =	vld.idx.msk [tilespmem:v37+s14+$0x0], $0xffff  }
0x22d: {  	v11 =	vadd.f32 v13, v11;
	v44 =	vand.u32 $0x7F, v44;
	v45 =	vand.u32 $0x7F, v45;
	v13 =	vld.idx.msk [tilespmem:v37+s15+$0x0], $0xffff  }
0x22e: {  	v21 =	vadd.f32 v22, v21;
	v16 =	vadd.f32 v18, v16;
	v37 =	vand.u32 $0x7F, v43;
	v43 =	vld.idx.msk [tilespmem:v36+s14+$0x0], $0xffff  }
0x22f: {  	v26 =	vadd.f32 v28, v26;
	v23 =	vadd.f32 v24, v23;
	v18 =	vand.u32 $0x7F, v49;
	v22 =	vld.idx.msk [tilespmem:v36+s15+$0x0], $0xffff  }
0x230: {  	v27 =	vadd.f32 v29, v27;
	v28 =	vadd.f32 v32, v31;
	s24 =	sadd.s32 $0xFFFFFFFE, s20;
	s20 =	smov.u32 s23;
	v24 =	vor.u32 v2, v45;
	v31 =	vld.idx.msk [tilespmem:v34+s14+$0x0], $0xffff  }
0x231: {  	v4 =	vsub.f32 v11, v4;
	v32 =	vadd.s32 s24, v0;
	v11 =	vadd.f32 v35, v33;
	v29 =	vld.idx.msk [tilespmem:v34+s15+$0x0], $0xffff  }
0x232: {  	v21 =	vsub.f32 v21, v8;
	v8 =	vand.u32 $0x7F, v32;
	v32 =	vsub.f32 v16, v5;
	v33 =	vld.idx.msk [tilespmem:v30+s14+$0x0], $0xffff  }
0x233: {  	v10 =	vsub.f32 v23, v10;
	v8 =	vor.u32 v2, v8;
	v5 =	vadd.f32 v13, v50;
	v13 =	vld.idx.msk [tilespmem:v30+s15+$0x0], $0xffff  }
0x234: {  	v12 =	vsub.f32 v26, v12;
	v23 =	vor.u32 v2, v44;
	v16 =	vsub.f32 v27, v17;
	v17 =	vld.idx.msk [tilespmem:v25+s14+$0x0], $0xffff  }
0x235: {  	v26 =	vor.u32 v2, v37;
	v5 =	vsub.f32 v5, v46;
	v22 =	vadd.f32 v22, v43;
	v25 =	vld.idx.msk [tilespmem:v25+s15+$0x0], $0xffff  }
0x236: {  	v15 =	vsub.f32 v28, v15;
	v4 =	vand.u32 $0x7FFFFFFF, v4;
	v11 =	vsub.f32 v11, v20;
	v20 =	vld.idx.msk [tilespmem:v19+s14+$0x0], $0xffff  }
0x237: {  	v5 =	vand.u32 $0x7FFFFFFF, v5;
	v22 =	vsub.f32 v22, v42;
	v27 =	vadd.f32 v29, v31;
	v19 =	vld.idx.msk [tilespmem:v19+s15+$0x0], $0xffff  }
0x238: {  	v4 =	vadd.f32 v4, v9;
	v9 =	vand.u32 $0x7FFFFFFF, v11;
	v5 =	vadd.f32 v5, v14;
	v14 =	vld.idx.msk [tilespmem:v8+s14+$0x0], $0xffff  }
0x239: {  	v11 =	vand.u32 $0x7FFFFFFF, v22;
	v22 =	vsub.f32 v27, v41;
	v13 =	vadd.f32 v13, v33;
	v27 =	vld.idx.msk [tilespmem:v8+s15+$0x0], $0xffff  }
0x23a: {  	v9 =	vadd.f32 v9, v4;
	v5 =	vadd.f32 v11, v5;
	v11 =	vand.u32 $0x7FFFFFFF, v15;
	v15 =	vld.idx.msk [tilespmem:v6+s15+$0x0], $0xffff  }
0x23b: {  	v22 =	vand.u32 $0x7FFFFFFF, v22;
	v13 =	vsub.f32 v13, v40;
	v17 =	vadd.f32 v25, v17;
	v25 =	vld.idx.msk [tilespmem:v8+s16+$0x0], $0xffff  }
0x23c: {  	v8 =	vadd.f32 v11, v9;
	v5 =	vadd.f32 v22, v5;
	v9 =	vand.u32 $0x7FFFFFFF, v16;
	v4 =	vld.idx.msk [tilespmem:v47+s16+$0x0], $0xffff  }
0x23d: {  	v13 =	vand.u32 $0x7FFFFFFF, v13;
	v16 =	vsub.f32 v17, v39;
	v17 =	vadd.f32 v19, v20;
	v6 =	vld.idx.msk [tilespmem:v6+s16+$0x0], $0xffff  }
0x23e: {  	v12 =	vand.u32 $0x7FFFFFFF, v12;
	v8 =	vadd.f32 v9, v8;
	v9 =	vadd.f32 v13, v5;
	v11 =	vld.idx.msk [tilespmem:v47+s14+$0x0], $0xffff  }
0x23f: {  	v16 =	vand.u32 $0x7FFFFFFF, v16;
	v17 =	vsub.f32 v17, v38;
	v14 =	vadd.f32 v27, v14;
	v13 =	vld.idx.msk [tilespmem:v47+s15+$0x0], $0xffff  }
0x240: {  	v10 =	vand.u32 $0x7FFFFFFF, v10;
	v12 =	vadd.f32 v12, v8;
	v9 =	vadd.f32 v16, v9;
	v5 =	vld.idx.msk [tilespmem:v24+s16+$0x0], $0xffff  }
0x241: {  	v7 =	vadd.f32 v15, v7;
	v17 =	vand.u32 $0x7FFFFFFF, v17;
	v14 =	vsub.f32 v14, v25;
	v8 =	vld.idx.msk [tilespmem:v23+s16+$0x0], $0xffff  }
0x242: {  	v15 =	vor.u32 v2, v18;
	v12 =	vadd.f32 v10, v12;
	v9 =	vadd.f32 v17, v9;
	v16 =	vld.idx.msk [tilespmem:v24+s14+$0x0], $0xffff  }
0x243: {  	v17 =	vand.u32 $0x7FFFFFFF, v21;
	v14 =	vand.u32 $0x7FFFFFFF, v14;
	v6 =	vsub.f32 v7, v6;
	v18 =	vld.idx.msk [tilespmem:v24+s15+$0x0], $0xffff  }
0x244: {  	v7 =	vand.u32 $0x7F, v48;
	v12 =	vadd.f32 v17, v12;
	v14 =	vadd.f32 v14, v9;
	v10 =	vld.idx.msk [tilespmem:v26+s16+$0x0], $0xffff  }
0x245: {  	s24 =	sadd.s32 $0xFFFFFFF5, s23;
	v7 =	vor.u32 v2, v7;
	v9 =	vand.u32 $0x7FFFFFFF, v32;
	v6 =	vand.u32 $0x7FFFFFFF, v6;
	v21 =	vld.idx.msk [tilespmem:v23+s14+$0x0], $0xffff  }
0x246: {  	v17 =	vadd.s32 s24, v0;
	v9 =	vadd.f32 v9, v12;
	v14 =	vadd.f32 v6, v14;
	v22 =	vld.idx.msk [tilespmem:v23+s15+$0x0], $0xffff  }
0x247: {  	v6 =	vand.u32 $0x7F, v17;
	v12 =	vld.idx.msk [tilespmem:v15+s16+$0x0], $0xffff  }
0x248: {  	s24 =	sadd.s32 $0xFFFFFFF3, s23;
	v25 =	vor.u32 v2, v6;
	v23 =	vld.idx.msk [tilespmem:v26+s14+$0x0], $0xffff  }
0x249: {  	v6 =	vadd.s32 s24, v0;
	v24 =	vld.idx.msk [tilespmem:v26+s15+$0x0], $0xffff  }
0x24a: {  	v6 =	vand.u32 $0x7F, v6;
	v17 =	vld.idx.msk [tilespmem:v7+s16+$0x0], $0xffff  }
0x24b: {  	v34 =	vor.u32 v2, v6;
	v26 =	vld.idx.msk [tilespmem:v15+s14+$0x0], $0xffff  }
0x24c: {  	v28 =	vld.idx.msk [tilespmem:v15+s15+$0x0], $0xffff  }
0x24d: {  	v15 =	vld.idx.msk [tilespmem:v25+s16+$0x0], $0xffff  }
0x24e: {  	s24 =	sadd.s32 $0xFFFFFFFC, s23;
	v6 =	vadd.s32 s23, v0;
	v27 =	vld.idx.msk [tilespmem:v7+s14+$0x0], $0xffff  }
0x24f: {  	s25 =	sadd.s32 $0xFFFFFFFA, s23;
	v6 =	vand.u32 $0x7F, v6;
	v29 =	vld.idx.msk [tilespmem:v7+s15+$0x0], $0xffff;
	v7 =	vadd.s32 s24, v0  }
0x250: {  	v19 =	vadd.s32 s25, v0;
	v6 =	vor.u32 v2, v6;
	s24 =	sadd.s32 $0xFFFFFFF8, s23;
	v20 =	vld.idx.msk [tilespmem:v34+s16+$0x0], $0xffff;
	v7 =	vand.u32 $0x7F, v7  }
.Ltmp6:
0x251: {  	s25 =	sadd.s32 $0xFFFFFFF6, s23;
	v33 =	vand.u32 $0x7F, v19;
	v30 =	vadd.s32 s24, v0;
	v31 =	vld.idx.msk [tilespmem:v25+s14+$0x0], $0xffff;
	v19 =	vor.u32 v2, v7;
	(pc) =	sbr.rel @p0 .LBB2_15-.Ltmp6, $4  }
0x252: {  	s24 =	sadd.s32 $0xFFFFFFF4, s23;
	v7 =	vadd.s32 s25, v0;
	v30 =	vand.u32 $0x7F, v30;
	v32 =	vld.idx.msk [tilespmem:v25+s15+$0x0], $0xffff;
	v25 =	vor.u32 v2, v33  }
0x253: {  	s25 =	sadd.s32 $0xFFFFFFF2, s23;
	v36 =	vadd.s32 s24, v0;
	v7 =	vand.u32 $0x7F, v7;
	v30 =	vor.u32 v2, v30;
	v33 =	vld.idx.msk [tilespmem:v34+s14+$0x0], $0xffff  }
0x254: {  	v37 =	vadd.s32 s25, v0;
	v36 =	vand.u32 $0x7F, v36;
	v35 =	vld.idx.msk [tilespmem:v34+s15+$0x0], $0xffff;
	v34 =	vor.u32 v2, v7  }
0x255: {  	s23 =	sadd.s32 $0x10, s23;
	v37 =	vand.u32 $0x7F, v37;
	v36 =	vor.u32 v2, v36;
	v7 =	vld.idx.msk [tilespmem:v6+s14+$0x0], $0xffff  }
0x256: {  	_ =	sdelay $0x2  }
0x257: {  	v3 =	vor.u32 v2, v37  }
0x258: {  	v59 =	vld.idx.msk [tilespmem:v19+s16+$0x0], $0xffff  }
0x259: {  	v38 =	vld.idx.msk [tilespmem:v25+s16+$0x0], $0xffff  }
0x25a: {  	v39 =	vld.idx.msk [tilespmem:v30+s16+$0x0], $0xffff  }
0x25b: {  	v16 =	vadd.f32 v18, v16;
	v18 =	vld.idx.msk [tilespmem:v36+s14+$0x0], $0xffff  }
0x25c: {  	v11 =	vadd.f32 v13, v11;
	v40 =	vld.idx.msk [tilespmem:v3+s16+$0x0], $0xffff  }
0x25d: {  	v13 =	vadd.f32 v22, v21;
	v21 =	vadd.f32 v28, v26;
	v41 =	vld.idx.msk [tilespmem:v3+s14+$0x0], $0xffff  }
0x25e: {  	v22 =	vadd.f32 v24, v23;
	v26 =	vadd.f32 v29, v27;
	v3 =	vld.idx.msk [tilespmem:v3+s15+$0x0], $0xffff  }
0x25f: {  	v23 =	vld.idx.msk [tilespmem:v36+s15+$0x0], $0xffff;
	v24 =	vadd.f32 v32, v31;
	v4 =	vsub.f32 v11, v4  }
0x260: {  	v28 =	vld.idx.msk [tilespmem:v34+s14+$0x0], $0xffff;
	s20 =	sadd.s32 $0xFFFFFFFE, s20;
	v13 =	vsub.f32 v13, v8;
	v16 =	vsub.f32 v16, v5  }
0x261: {  	s26 =	simm.s32 $0xC;
	v5 =	vld.idx.msk [tilespmem:v34+s15+$0x0], $0xffff;
	v8 =	vadd.s32 s20, v0;
	v22 =	vsub.f32 v22, v10;
	v17 =	vsub.f32 v26, v17  }
0x262: {  	v27 =	vld.idx.msk [tilespmem:v36+s16+$0x0], $0xffff;
	v12 =	vsub.f32 v21, v12;
	v26 =	vadd.s32 s26, v0;
	v11 =	vadd.f32 v35, v33  }
0x263: {  	v10 =	vld.idx.msk [tilespmem:v34+s16+$0x0], $0xffff;
	v8 =	vand.u32 $0x7F, v8;
	v15 =	vsub.f32 v24, v15;
	v3 =	vadd.f32 v3, v41  }
0x264: {  	v21 =	vld.idx.msk [tilespmem:v30+s14+$0x0], $0xffff;
	v8 =	vor.u32 v2, v8;
	v4 =	vand.u32 $0x7FFFFFFF, v4;
	v11 =	vsub.f32 v11, v20  }
0x265: {  	s24 =	sor.u32 $0x10, s18;
	v24 =	vld.idx.msk [tilespmem:v25+s15+$0x0], $0xffff;
	v12 =	vand.u32 $0x7FFFFFFF, v12;
	v2 =	vsub.f32 v3, v40;
	v3 =	vadd.f32 v23, v18  }
0x266: {  	v20 =	vld.idx.msk [tilespmem:v25+s14+$0x0], $0xffff;
	v4 =	vadd.f32 v4, v9;
	v5 =	vadd.f32 v5, v28;
	v23 =	vmov s24  }
0x267: {  	v18 =	vld.idx.msk [tilespmem:v30+s15+$0x0], $0xffff;
	v9 =	vshll.u32 v23, $0x7;
	v2 =	vand.u32 $0x7FFFFFFF, v2;
	v3 =	vsub.f32 v3, v27  }
0x268: {  	v11 =	vand.u32 $0x7FFFFFFF, v11;
	v23 =	vld.idx.msk [tilespmem:v19+s14+$0x0], $0xffff;
	v14 =	vadd.f32 v2, v14;
	v2 =	vor.u32 v1, v9  }
0x269: {  	s25 =	simm.s32 $0x0;
	v4 =	vadd.f32 v11, v4;
	v9 =	vld.idx.msk [tilespmem:v19+s15+$0x0], $0xffff;
	v19 =	vand.u32 $0x7FFFFFFF, v3;
	v3 =	vor.u32 v0, v2  }
0x26a: {  	v15 =	vand.u32 $0x7FFFFFFF, v15;
	v5 =	vsub.f32 v5, v10;
	v25 =	vld.idx.msk [tilespmem:v8+s14+$0x0], $0xffff;
	v11 =	vor.u32 s25, v3  }
0x26b: {  	v13 =	vand.u32 $0x7FFFFFFF, v13;
	v20 =	vadd.f32 v24, v20;
	v15 =	vadd.f32 v15, v4;
	v27 =	vld.idx.msk [tilespmem:v8+s16+$0x0], $0xffff  }
0x26c: {  	s23 =	simm.s32 $0xE;
	v5 =	vand.u32 $0x7FFFFFFF, v5;
	v10 =	vadd.f32 v18, v21;
	v18 =	vld.idx.msk [tilespmem:v8+s15+$0x0], $0xffff;
	v8 =	vand.u32 $0x7F, v26  }
0x26d: {  	v24 =	vld.idx.msk [tilespmem:v6+s16+$0x0], $0xffff;
	v14 =	vadd.f32 v19, v14;
	v19 =	vadd.s32 s23, v0;
	v26 =	vor.u32 v2, v8  }
0x26e: {  	s28 =	simm.s32 $0xA;
	v21 =	vld.idx.msk [tilespmem:v6+s15+$0x0], $0xffff;
	v6 =	vand.u32 $0x7FFFFFFF, v17;
	v19 =	vand.u32 $0x7F, v19;
	v10 =	vsub.f32 v10, v39  }
0x26f: {  	v17 =	vsub.f32 v20, v38;
	v8 =	vadd.s32 s28, v0;
	v19 =	vor.u32 v2, v19;
	v4 =	vld.idx.msk [tilespmem:v11+s16+$0x0], $0xffff  }
0x270: {  	s29 =	simm.s32 $0x8;
	v5 =	vadd.f32 v5, v14;
	v14 =	vand.u32 $0x7FFFFFFF, v10;
	v10 =	vand.u32 $0x7F, v8;
	v8 =	vld.idx.msk [tilespmem:v11+s14+$0x0], $0xffff  }
0x271: {  	v15 =	vadd.f32 v6, v15;
	v6 =	vadd.s32 s29, v0;
	v20 =	vor.u32 v2, v10;
	v10 =	vld.idx.msk [tilespmem:v11+s15+$0x0], $0xffff  }
0x272: {  	v9 =	vadd.f32 v9, v23;
	v11 =	vadd.f32 v14, v5;
	v14 =	vand.u32 $0x7F, v6;
	v6 =	vld.idx.msk [tilespmem:v26+s16+$0x0], $0xffff  }
0x273: {  	v17 =	vand.u32 $0x7FFFFFFF, v17;
	v12 =	vadd.f32 v12, v15;
	v7 =	vadd.f32 v21, v7;
	v21 =	vld.idx.msk [tilespmem:v26+s15+$0x0], $0xffff  }
0x274: {  	s30 =	simm.s32 $0x6;
	v9 =	vsub.f32 v9, v59;
	v18 =	vadd.f32 v18, v25;
	v28 =	vor.u32 v2, v14;
	v5 =	vld.idx.msk [tilespmem:v19+s16+$0x0], $0xffff  }
0x275: {  	v14 =	vld.idx.msk [tilespmem:v19+s14+$0x0], $0xffff;
	v11 =	vadd.f32 v17, v11;
	v17 =	vand.u32 $0x7FFFFFFF, v22;
	v22 =	vadd.s32 s30, v0  }
0x276: {  	s23 =	simm.s32 $0x4;
	v15 =	vld.idx.msk [tilespmem:v19+s15+$0x0], $0xffff;
	v23 =	vand.u32 $0x7FFFFFFF, v9;
	v18 =	vsub.f32 v18, v27;
	v19 =	vand.u32 $0x7F, v22  }
0x277: {  	v17 =	vadd.f32 v17, v12;
	v12 =	vadd.s32 s23, v0;
	v22 =	vor.u32 v2, v19;
	v19 =	vld.idx.msk [tilespmem:v26+s14+$0x0], $0xffff  }
0x278: {  	v7 =	vsub.f32 v7, v24;
	v11 =	vadd.f32 v23, v11;
	v23 =	vand.u32 $0x7F, v12;
	v9 =	vld.idx.msk [tilespmem:v20+s16+$0x0], $0xffff  }
0x279: {  	v18 =	vand.u32 $0x7FFFFFFF, v18;
	v13 =	vadd.f32 v13, v17;
	v17 =	vor.u32 v2, v23;
	v23 =	vld.idx.msk [tilespmem:v20+s14+$0x0], $0xffff  }
0x27a: {  	v24 =	vld.idx.msk [tilespmem:v20+s15+$0x0], $0xffff;
	v11 =	vadd.f32 v18, v11  }
0x27b: {  	v16 =	vand.u32 $0x7FFFFFFF, v16;
	v7 =	vand.u32 $0x7FFFFFFF, v7;
	v12 =	vld.idx.msk [tilespmem:v28+s16+$0x0], $0xffff  }
0x27c: {  	s24 =	simm.s32 $0x2;
	v25 =	vld.idx.msk [tilespmem:v28+s14+$0x0], $0xffff;
	v13 =	vadd.f32 v16, v13;
	v7 =	vadd.f32 v7, v11  }
0x27d: {  	v18 =	vadd.s32 s24, v0;
	v28 =	vld.idx.msk [tilespmem:v28+s15+$0x0], $0xffff  }
0x27e: {  	v11 =	vand.u32 $0x7F, v18;
	v18 =	vld.idx.msk [tilespmem:v22+s16+$0x0], $0xffff;
	v7 =	vadd.f32 v7, v13  }
0x27f: {  	s20 =	simm.s32 $0xF;
	v60 =	vor.u32 v2, v11;
	v27 =	vld.idx.msk [tilespmem:v22+s14+$0x0], $0xffff  }
0x280: {  	s26 =	simm.s32 $0x7;
	s25 =	simm.s32 $0xB;
	v29 =	vld.idx.msk [tilespmem:v22+s15+$0x0], $0xffff;
	v13 =	vsub.f32 $0.0e+00, v7;
	v7 =	vadd.s32 s20, v0  }
0x281: {  	v30 =	vadd.s32 s26, v0;
	s24 =	simm.s32 $0x9;
	v22 =	vadd.s32 s25, v0;
	v16 =	vld.idx.msk [tilespmem:v17+s16+$0x0], $0xffff;
	v7 =	vand.u32 $0x7F, v7  }
0x282: {  	v26 =	vadd.s32 s24, v0;
	v22 =	vand.u32 $0x7F, v22;
	v31 =	vld.idx.msk [tilespmem:v17+s14+$0x0], $0xffff;
	v7 =	vor.u32 v2, v7  }
0x283: {  	v30 =	vand.u32 $0x7F, v30;
	s28 =	simm.s32 $0x5;
	s29 =	simm.s32 $0x3;
	v26 =	vand.u32 $0x7F, v26;
	v33 =	vld.idx.msk [tilespmem:v17+s15+$0x0], $0xffff;
	v22 =	vor.u32 v2, v22  }
0x284: {  	v61 =	vadd.s32 s29, v0;
	v26 =	vor.u32 v2, v26;
	v17 =	vadd.s32 s28, v0;
	v20 =	vld.idx.msk [tilespmem:v60+s16+$0x0], $0xffff  }
0x285: {  	v30 =	vor.u32 v2, v30;
	v63 =	vand.u32 $0x7F, v61;
	s30 =	simm.s32 $0x1;
	v17 =	vand.u32 $0x7F, v17;
	v32 =	vld.idx.msk [tilespmem:v60+s14+$0x0], $0xffff  }
0x286: {  	v36 =	vor.u32 v2, v63;
	v62 =	vadd.s32 s30, v0;
	v35 =	vor.u32 v2, v17;
	v34 =	vld.idx.msk [tilespmem:v60+s15+$0x0], $0xffff  }
0x287: {  	s23 =	simm.s32 $0x1F;
	v37 =	vand.u32 $0x7F, v62;
	v11 =	vimm.f32 $0.0e+00;
	v17 =	vimm.f32 $0.0e+00;
	[tilespmem:s18+$0x18700] =	vst v13;
	v13 =	vld.idx.msk [tilespmem:v7+s14+$0x0], $0xffff  }
.LBB2_17:
0x288: {  	p0 =	sne.s32 s23, $0x7F;
	v37 =	vor.u32 v2, v37;
	v38 =	vld.idx.msk [tilespmem:v22+s16+$0x0], $0xffff  }
0x289: {  	v39 =	vld.idx.msk [tilespmem:v26+s16+$0x0], $0xffff  }
0x28a: {  	v40 =	vld.idx.msk [tilespmem:v30+s16+$0x0], $0xffff  }
0x28b: {  	v41 =	vld.idx.msk [tilespmem:v35+s16+$0x0], $0xffff  }
0x28c: {  	s24 =	sadd.s32 $0xFFFFFFFB, s23;
	s25 =	sadd.s32 $0xFFFFFFFD, s23;
	s26 =	sadd.s32 $0xFFFFFFFF, s23;
	v42 =	vld.idx.msk [tilespmem:v36+s16+$0x0], $0xffff  }
0x28d: {  	s28 =	sadd.s32 $0xFFFFFFF1, s23;
	s29 =	sadd.s32 $0xFFFFFFF7, s23;
	s30 =	sadd.s32 $0xFFFFFFF9, s23;
	v43 =	vadd.s32 s24, v0;
	v44 =	vadd.s32 s25, v0;
	v45 =	vadd.s32 s26, v0;
	v46 =	vld.idx.msk [tilespmem:v37+s16+$0x0], $0xffff  }
0x28e: {  	v47 =	vor.u32 s28, v3;
	v48 =	vadd.s32 s29, v0;
	v49 =	vadd.s32 s30, v0;
	v50 =	vld.idx.msk [tilespmem:v37+s14+$0x0], $0xffff  }
0x28f: {  	v8 =	vadd.f32 v10, v8;
	v44 =	vand.u32 $0x7F, v44;
	v45 =	vand.u32 $0x7F, v45;
	v10 =	vld.idx.msk [tilespmem:v37+s15+$0x0], $0xffff  }
0x290: {  	v19 =	vadd.f32 v21, v19;
	v14 =	vadd.f32 v15, v14;
	v37 =	vand.u32 $0x7F, v43;
	v43 =	vld.idx.msk [tilespmem:v36+s14+$0x0], $0xffff  }
0x291: {  	v25 =	vadd.f32 v28, v25;
	v23 =	vadd.f32 v24, v23;
	v15 =	vand.u32 $0x7F, v49;
	v21 =	vld.idx.msk [tilespmem:v36+s15+$0x0], $0xffff  }
0x292: {  	v27 =	vadd.f32 v29, v27;
	v28 =	vadd.f32 v33, v31;
	s24 =	sadd.s32 $0xFFFFFFFE, s20;
	s20 =	smov.u32 s23;
	v24 =	vor.u32 v2, v45;
	v31 =	vld.idx.msk [tilespmem:v35+s14+$0x0], $0xffff  }
0x293: {  	v4 =	vsub.f32 v8, v4;
	v8 =	vadd.f32 v34, v32;
	v32 =	vadd.s32 s24, v0;
	v29 =	vld.idx.msk [tilespmem:v35+s15+$0x0], $0xffff  }
0x294: {  	v19 =	vsub.f32 v19, v6;
	v6 =	vand.u32 $0x7F, v32;
	v32 =	vsub.f32 v14, v5;
	v33 =	vld.idx.msk [tilespmem:v30+s14+$0x0], $0xffff  }
0x295: {  	v9 =	vsub.f32 v23, v9;
	v6 =	vor.u32 v2, v6;
	v5 =	vadd.f32 v10, v50;
	v10 =	vld.idx.msk [tilespmem:v30+s15+$0x0], $0xffff  }
0x296: {  	v12 =	vsub.f32 v25, v12;
	v23 =	vor.u32 v2, v44;
	v14 =	vsub.f32 v27, v18;
	v18 =	vld.idx.msk [tilespmem:v26+s14+$0x0], $0xffff  }
0x297: {  	v25 =	vor.u32 v2, v37;
	v5 =	vsub.f32 v5, v46;
	v21 =	vadd.f32 v21, v43;
	v26 =	vld.idx.msk [tilespmem:v26+s15+$0x0], $0xffff  }
0x298: {  	v16 =	vsub.f32 v28, v16;
	v4 =	vand.u32 $0x7FFFFFFF, v4;
	v8 =	vsub.f32 v8, v20;
	v20 =	vld.idx.msk [tilespmem:v22+s14+$0x0], $0xffff  }
0x299: {  	v5 =	vand.u32 $0x7FFFFFFF, v5;
	v21 =	vsub.f32 v21, v42;
	v27 =	vadd.f32 v29, v31;
	v22 =	vld.idx.msk [tilespmem:v22+s15+$0x0], $0xffff  }
0x29a: {  	v4 =	vadd.f32 v4, v11;
	v8 =	vand.u32 $0x7FFFFFFF, v8;
	v5 =	vadd.f32 v5, v17;
	v11 =	vld.idx.msk [tilespmem:v6+s14+$0x0], $0xffff  }
0x29b: {  	v17 =	vand.u32 $0x7FFFFFFF, v21;
	v21 =	vsub.f32 v27, v41;
	v10 =	vadd.f32 v10, v33;
	v27 =	vld.idx.msk [tilespmem:v6+s15+$0x0], $0xffff  }
0x29c: {  	v16 =	vand.u32 $0x7FFFFFFF, v16;
	v8 =	vadd.f32 v8, v4;
	v5 =	vadd.f32 v17, v5;
	v17 =	vld.idx.msk [tilespmem:v7+s15+$0x0], $0xffff  }
0x29d: {  	v21 =	vand.u32 $0x7FFFFFFF, v21;
	v10 =	vsub.f32 v10, v40;
	v18 =	vadd.f32 v26, v18;
	v26 =	vld.idx.msk [tilespmem:v6+s16+$0x0], $0xffff  }
0x29e: {  	v14 =	vand.u32 $0x7FFFFFFF, v14;
	v6 =	vadd.f32 v16, v8;
	v5 =	vadd.f32 v21, v5;
	v4 =	vld.idx.msk [tilespmem:v47+s16+$0x0], $0xffff  }
0x29f: {  	v10 =	vand.u32 $0x7FFFFFFF, v10;
	v16 =	vsub.f32 v18, v39;
	v18 =	vadd.f32 v22, v20;
	v7 =	vld.idx.msk [tilespmem:v7+s16+$0x0], $0xffff  }
0x2a0: {  	v12 =	vand.u32 $0x7FFFFFFF, v12;
	v6 =	vadd.f32 v14, v6;
	v14 =	vadd.f32 v10, v5;
	v8 =	vld.idx.msk [tilespmem:v47+s14+$0x0], $0xffff  }
0x2a1: {  	v16 =	vand.u32 $0x7FFFFFFF, v16;
	v18 =	vsub.f32 v18, v38;
	v11 =	vadd.f32 v27, v11;
	v10 =	vld.idx.msk [tilespmem:v47+s15+$0x0], $0xffff  }
0x2a2: {  	v9 =	vand.u32 $0x7FFFFFFF, v9;
	v12 =	vadd.f32 v12, v6;
	v16 =	vadd.f32 v16, v14;
	v5 =	vld.idx.msk [tilespmem:v24+s16+$0x0], $0xffff  }
0x2a3: {  	v13 =	vadd.f32 v17, v13;
	v18 =	vand.u32 $0x7FFFFFFF, v18;
	v11 =	vsub.f32 v11, v26;
	v6 =	vld.idx.msk [tilespmem:v23+s16+$0x0], $0xffff  }
0x2a4: {  	v20 =	vor.u32 v2, v15;
	v12 =	vadd.f32 v9, v12;
	v16 =	vadd.f32 v18, v16;
	v14 =	vld.idx.msk [tilespmem:v24+s14+$0x0], $0xffff  }
0x2a5: {  	v17 =	vand.u32 $0x7FFFFFFF, v19;
	v11 =	vand.u32 $0x7FFFFFFF, v11;
	v7 =	vsub.f32 v13, v7;
	v15 =	vld.idx.msk [tilespmem:v24+s15+$0x0], $0xffff  }
0x2a6: {  	v13 =	vand.u32 $0x7F, v48;
	v12 =	vadd.f32 v17, v12;
	v16 =	vadd.f32 v11, v16;
	v9 =	vld.idx.msk [tilespmem:v25+s16+$0x0], $0xffff  }
0x2a7: {  	s24 =	sadd.s32 $0xFFFFFFF5, s23;
	v13 =	vor.u32 v2, v13;
	v11 =	vand.u32 $0x7FFFFFFF, v32;
	v7 =	vand.u32 $0x7FFFFFFF, v7;
	v19 =	vld.idx.msk [tilespmem:v23+s14+$0x0], $0xffff  }
0x2a8: {  	v18 =	vadd.s32 s24, v0;
	v11 =	vadd.f32 v11, v12;
	v17 =	vadd.f32 v7, v16;
	v21 =	vld.idx.msk [tilespmem:v23+s15+$0x0], $0xffff  }
0x2a9: {  	v7 =	vand.u32 $0x7F, v18;
	v12 =	vld.idx.msk [tilespmem:v20+s16+$0x0], $0xffff  }
0x2aa: {  	s24 =	sadd.s32 $0xFFFFFFF3, s23;
	v26 =	vor.u32 v2, v7;
	v23 =	vld.idx.msk [tilespmem:v25+s14+$0x0], $0xffff  }
0x2ab: {  	v7 =	vadd.s32 s24, v0;
	v24 =	vld.idx.msk [tilespmem:v25+s15+$0x0], $0xffff  }
0x2ac: {  	v7 =	vand.u32 $0x7F, v7;
	v18 =	vld.idx.msk [tilespmem:v13+s16+$0x0], $0xffff  }
0x2ad: {  	v34 =	vor.u32 v2, v7;
	v25 =	vld.idx.msk [tilespmem:v20+s14+$0x0], $0xffff  }
0x2ae: {  	v28 =	vld.idx.msk [tilespmem:v20+s15+$0x0], $0xffff  }
0x2af: {  	v16 =	vld.idx.msk [tilespmem:v26+s16+$0x0], $0xffff  }
0x2b0: {  	s24 =	sadd.s32 $0xFFFFFFFC, s23;
	v7 =	vadd.s32 s23, v0;
	v27 =	vld.idx.msk [tilespmem:v13+s14+$0x0], $0xffff  }
0x2b1: {  	s25 =	sadd.s32 $0xFFFFFFFA, s23;
	v7 =	vand.u32 $0x7F, v7;
	v29 =	vld.idx.msk [tilespmem:v13+s15+$0x0], $0xffff;
	v13 =	vadd.s32 s24, v0  }
0x2b2: {  	v22 =	vadd.s32 s25, v0;
	v7 =	vor.u32 v2, v7;
	s24 =	sadd.s32 $0xFFFFFFF8, s23;
	v20 =	vld.idx.msk [tilespmem:v34+s16+$0x0], $0xffff;
	v13 =	vand.u32 $0x7F, v13  }
.Ltmp7:
0x2b3: {  	s25 =	sadd.s32 $0xFFFFFFF6, s23;
	v32 =	vand.u32 $0x7F, v22;
	v30 =	vadd.s32 s24, v0;
	v31 =	vld.idx.msk [tilespmem:v26+s14+$0x0], $0xffff;
	v22 =	vor.u32 v2, v13;
	(pc) =	sbr.rel @p0 .LBB2_17-.Ltmp7, $4  }
0x2b4: {  	s24 =	sadd.s32 $0xFFFFFFF4, s23;
	v13 =	vadd.s32 s25, v0;
	v30 =	vand.u32 $0x7F, v30;
	v33 =	vld.idx.msk [tilespmem:v26+s15+$0x0], $0xffff;
	v26 =	vor.u32 v2, v32  }
0x2b5: {  	s25 =	sadd.s32 $0xFFFFFFF2, s23;
	v35 =	vadd.s32 s24, v0;
	v13 =	vand.u32 $0x7F, v13;
	v30 =	vor.u32 v2, v30;
	v32 =	vld.idx.msk [tilespmem:v34+s14+$0x0], $0xffff  }
0x2b6: {  	v36 =	vadd.s32 s25, v0;
	v38 =	vand.u32 $0x7F, v35;
	v35 =	vor.u32 v2, v13;
	v34 =	vld.idx.msk [tilespmem:v34+s15+$0x0], $0xffff  }
0x2b7: {  	s23 =	sadd.s32 $0x10, s23;
	v37 =	vand.u32 $0x7F, v36;
	v36 =	vor.u32 v2, v38;
	v13 =	vld.idx.msk [tilespmem:v7+s14+$0x0], $0xffff  }
0x2b8: {  	_ =	sdelay $0x3  }
0x2b9: {  	v3 =	vor.u32 v2, v37;
	v37 =	vld.idx.msk [tilespmem:v22+s16+$0x0], $0xffff  }
0x2ba: {  	v38 =	vld.idx.msk [tilespmem:v26+s16+$0x0], $0xffff  }
0x2bb: {  	v39 =	vld.idx.msk [tilespmem:v30+s16+$0x0], $0xffff  }
0x2bc: {  	v40 =	vld.idx.msk [tilespmem:v35+s16+$0x0], $0xffff  }
0x2bd: {  	v41 =	vld.idx.msk [tilespmem:v36+s16+$0x0], $0xffff  }
0x2be: {  	v42 =	vld.idx.msk [tilespmem:v3+s16+$0x0], $0xffff  }
0x2bf: {  	v8 =	vadd.f32 v10, v8;
	v43 =	vld.idx.msk [tilespmem:v3+s14+$0x0], $0xffff  }
0x2c0: {  	v53 =	vadd.f32 v21, v19;
	v14 =	vadd.f32 v15, v14;
	v3 =	vld.idx.msk [tilespmem:v3+s15+$0x0], $0xffff  }
0x2c1: {  	v54 =	vld.idx.msk [tilespmem:v36+s14+$0x0], $0xffff;
	v55 =	vadd.f32 v28, v25;
	v56 =	vadd.f32 v24, v23  }
0x2c2: {  	v57 =	vld.idx.msk [tilespmem:v36+s15+$0x0], $0xffff;
	v59 =	vadd.f32 v29, v27;
	v58 =	vadd.f32 v33, v31  }
0x2c3: {  	v60 =	vld.idx.msk [tilespmem:v35+s14+$0x0], $0xffff;
	s20 =	sadd.s32 $0xFFFFFFFE, s20;
	v4 =	vsub.f32 v8, v4;
	v6 =	vsub.f32 v53, v6  }
0x2c4: {  	v62 =	vld.idx.msk [tilespmem:v35+s15+$0x0], $0xffff;
	v63 =	vadd.s32 s20, v0;
	v5 =	vsub.f32 v14, v5;
	v9 =	vsub.f32 v56, v9  }
0x2c5: {  	v33 =	vand.u32 $0x7F, v63;
	v61 =	vadd.f32 v34, v32;
	v32 =	vld.idx.msk [tilespmem:v30+s14+$0x0], $0xffff;
	v3 =	vadd.f32 v3, v43  }
0x2c6: {  	v35 =	vsub.f32 v59, v18;
	v12 =	vsub.f32 v55, v12;
	v34 =	vld.idx.msk [tilespmem:v30+s15+$0x0], $0xffff;
	v2 =	vor.u32 v2, v33  }
0x2c7: {  	v36 =	vld.idx.msk [tilespmem:v26+s14+$0x0], $0xffff;
	v15 =	vadd.f32 v57, v54;
	v3 =	vsub.f32 v3, v42  }
0x2c8: {  	v16 =	vsub.f32 v58, v16;
	v4 =	vand.u32 $0x7FFFFFFF, v4;
	v8 =	vsub.f32 v61, v20;
	v42 =	vld.idx.msk [tilespmem:v26+s15+$0x0], $0xffff  }
0x2c9: {  	v45 =	vld.idx.msk [tilespmem:v22+s15+$0x0], $0xffff;
	v44 =	vadd.f32 v62, v60;
	v15 =	vsub.f32 v15, v41;
	v3 =	vand.u32 $0x7FFFFFFF, v3  }
0x2ca: {  	v4 =	vadd.f32 v4, v11;
	v8 =	vand.u32 $0x7FFFFFFF, v8;
	v43 =	vld.idx.msk [tilespmem:v22+s14+$0x0], $0xffff;
	v3 =	vadd.f32 v3, v17  }
0x2cb: {  	v47 =	vsub.f32 v44, v40;
	v46 =	vld.idx.msk [tilespmem:v2+s14+$0x0], $0xffff;
	v10 =	vadd.f32 v34, v32;
	v15 =	vand.u32 $0x7FFFFFFF, v15  }
0x2cc: {  	v49 =	vand.u32 $0x7FFFFFFF, v16;
	v48 =	vld.idx.msk [tilespmem:v2+s15+$0x0], $0xffff;
	v4 =	vadd.f32 v8, v4;
	v3 =	vadd.f32 v15, v3  }
0x2cd: {  	v50 =	vld.idx.msk [tilespmem:v7+s15+$0x0], $0xffff;
	v51 =	vand.u32 $0x7FFFFFFF, v47;
	v10 =	vsub.f32 v10, v39;
	v52 =	vadd.f32 v42, v36  }
0x2ce: {  	v53 =	vand.u32 $0x7FFFFFFF, v35;
	v2 =	vld.idx.msk [tilespmem:v2+s16+$0x0], $0xffff;
	v4 =	vadd.f32 v49, v4;
	v3 =	vadd.f32 v51, v3  }
0x2cf: {  	v10 =	vand.u32 $0x7FFFFFFF, v10;
	v55 =	vadd.f32 v45, v43;
	v54 =	vsub.f32 v52, v38  }
0x2d0: {  	v56 =	vld.idx.msk [tilespmem:v7+s16+$0x0], $0xffff;
	v57 =	vand.u32 $0x7FFFFFFF, v12;
	v4 =	vadd.f32 v53, v4;
	v3 =	vadd.f32 v10, v3  }
0x2d1: {  	v11 =	vadd.f32 v48, v46;
	v59 =	vsub.f32 v55, v37;
	v58 =	vand.u32 $0x7FFFFFFF, v54  }
0x2d2: {  	v60 =	vand.u32 $0x7FFFFFFF, v9;
	v4 =	vadd.f32 v57, v4;
	v3 =	vadd.f32 v58, v3  }
0x2d3: {  	v62 =	vadd.f32 v50, v13;
	v2 =	vsub.f32 v11, v2;
	v61 =	vand.u32 $0x7FFFFFFF, v59  }
0x2d4: {  	v4 =	vadd.f32 v60, v4;
	v3 =	vadd.f32 v61, v3  }
0x2d5: {  	v6 =	vand.u32 $0x7FFFFFFF, v6;
	v7 =	vsub.f32 v62, v56;
	v2 =	vand.u32 $0x7FFFFFFF, v2  }
0x2d6: {  	v4 =	vadd.f32 v6, v4;
	v2 =	vadd.f32 v2, v3  }
0x2d7: {  	v63 =	vand.u32 $0x7FFFFFFF, v7;
	v3 =	vand.u32 $0x7FFFFFFF, v5  }
0x2d8: {  	v3 =	vadd.f32 v3, v4;
	v2 =	vadd.f32 v63, v2  }
0x2d9: {  	p0 =	slt.u32 s3, $0x6  }
.Ltmp8:
0x2da: {  	v2 =	vadd.f32 v2, v3;
	(pc) =	sbr.rel @p0 .LBB2_14-.Ltmp8, $4  }
0x2db: {  	_ = 	snop  }
0x2dc: {  	v2 =	vsub.f32 $0.0e+00, v2  }
0x2dd: {  	s30 =	sadd.s32 $0x2, s3  }
0x2de: {  	s3 =	smov.u32 s30;
	[tilespmem:s18+$0x18710] =	vst v2  }
0x2df: {  	_ =	swait.ge [sflag:s22], $0x4000  }
0x2e0: {  	[sflag:s22] =	ssyncset.done $0x0  }
0x2e1: {  	[sflag:s22] =	ssyncadd.s32 $0xFFFFC000  }
0x2e2: {  	_ =	swait.ge [sflag:s22], $0x4000  }
0x2e3: {  	[sflag:s22] =	ssyncset.done $0x0  }
0x2e4: {  	[sflag:s22] =	ssyncadd.s32 $0xFFFFC000  }
0x2e5: {  	_ =	swait.ge [sflag:s22], $0x4000  }
0x2e6: {  	[sflag:s22] =	ssyncset.done $0x0  }
0x2e7: {  	s3 =	simm.s32 $0x0;
	[sflag:s22] =	ssyncadd.s32 $0xFFFFC000  }
.LBB2_20:
0x2e8: {  	s18 =	sshll.u32 s3, $0x4  }
0x2e9: {  	s26 =	simm.s32 $0xC;
	v2 =	vmov s18  }
0x2ea: {  	s23 =	simm.s32 $0xE;
	v6 =	vadd.s32 s26, v0;
	v2 =	vshll.u32 v2, $0x7  }
0x2eb: {  	v4 =	vadd.s32 s23, v0;
	v6 =	vand.u32 $0x7F, v6;
	v2 =	vor.u32 v1, v2  }
0x2ec: {  	v4 =	vand.u32 $0x7F, v4;
	v6 =	vor.u32 v2, v6  }
0x2ed: {  	s28 =	simm.s32 $0xA;
	v7 =	vor.u32 v2, v4  }
0x2ee: {  	v8 =	vadd.s32 s28, v0  }
0x2ef: {  	s29 =	simm.s32 $0x8;
	v8 =	vand.u32 $0x7F, v8  }
0x2f0: {  	v9 =	vor.u32 v2, v8;
	v8 =	vadd.s32 s29, v0  }
0x2f1: {  	v10 =	vand.u32 $0x7F, v8;
	v8 =	vld.idx.msk [tilespmem:v6+s21+$0x0], $0xffff  }
0x2f2: {  	s20 =	simm.s32 $0x0;
	v3 =	vor.u32 v0, v2;
	v16 =	vld.idx.msk [tilespmem:v7+s17+$0x0], $0xffff  }
0x2f3: {  	v5 =	vor.u32 s20, v3;
	v18 =	vld.idx.msk [tilespmem:v7+s19+$0x0], $0xffff  }
0x2f4: {  	v21 =	vld.idx.msk [tilespmem:v6+s17+$0x0], $0xffff  }
0x2f5: {  	v22 =	vld.idx.msk [tilespmem:v6+s19+$0x0], $0xffff  }
0x2f6: {  	v23 =	vld.idx.msk [tilespmem:v9+s17+$0x0], $0xffff  }
0x2f7: {  	v24 =	vld.idx.msk [tilespmem:v9+s19+$0x0], $0xffff  }
0x2f8: {  	s23 =	simm.s32 $0x4;
	v14 =	vor.u32 v2, v10;
	v4 =	vld.idx.msk [tilespmem:v5+s21+$0x0], $0xffff  }
0x2f9: {  	s30 =	simm.s32 $0x6;
	v12 =	vadd.s32 s23, v0;
	v11 =	vld.idx.msk [tilespmem:v5+s17+$0x0], $0xffff  }
0x2fa: {  	v10 =	vadd.s32 s30, v0;
	v6 =	vand.u32 $0x7F, v12;
	v13 =	vld.idx.msk [tilespmem:v5+s19+$0x0], $0xffff  }
0x2fb: {  	v5 =	vld.idx.msk [tilespmem:v7+s21+$0x0], $0xffff;
	v7 =	vand.u32 $0x7F, v10;
	v25 =	vor.u32 v2, v6  }
0x2fc: {  	v10 =	vld.idx.msk [tilespmem:v9+s21+$0x0], $0xffff;
	v7 =	vor.u32 v2, v7  }
0x2fd: {  	v12 =	vld.idx.msk [tilespmem:v14+s21+$0x0], $0xffff  }
0x2fe: {  	s24 =	simm.s32 $0x2;
	v26 =	vld.idx.msk [tilespmem:v14+s17+$0x0], $0xffff  }
0x2ff: {  	v6 =	vadd.s32 s24, v0;
	v28 =	vld.idx.msk [tilespmem:v14+s19+$0x0], $0xffff  }
0x300: {  	v6 =	vand.u32 $0x7F, v6;
	v15 =	vld.idx.msk [tilespmem:v25+s21+$0x0], $0xffff  }
0x301: {  	s20 =	simm.s32 $0xF;
	v34 =	vor.u32 v2, v6;
	v17 =	vld.idx.msk [tilespmem:v7+s21+$0x0], $0xffff  }
0x302: {  	s25 =	simm.s32 $0xB;
	s26 =	simm.s32 $0x7;
	v6 =	vadd.s32 s20, v0;
	v27 =	vld.idx.msk [tilespmem:v7+s17+$0x0], $0xffff  }
0x303: {  	v30 =	vadd.s32 s26, v0;
	s24 =	simm.s32 $0x9;
	v6 =	vand.u32 $0x7F, v6;
	v29 =	vld.idx.msk [tilespmem:v7+s19+$0x0], $0xffff;
	v7 =	vadd.s32 s25, v0  }
0x304: {  	v14 =	vadd.s32 s24, v0;
	v6 =	vor.u32 v2, v6;
	v31 =	vld.idx.msk [tilespmem:v25+s17+$0x0], $0xffff;
	v7 =	vand.u32 $0x7F, v7  }
0x305: {  	s28 =	simm.s32 $0x5;
	v30 =	vand.u32 $0x7F, v30;
	v14 =	vand.u32 $0x7F, v14;
	v32 =	vld.idx.msk [tilespmem:v25+s19+$0x0], $0xffff;
	v19 =	vor.u32 v2, v7  }
0x306: {  	s29 =	simm.s32 $0x3;
	v30 =	vor.u32 v2, v30;
	s30 =	simm.s32 $0x1;
	v25 =	vor.u32 v2, v14;
	v20 =	vld.idx.msk [tilespmem:v34+s21+$0x0], $0xffff;
	v7 =	vadd.s32 s28, v0  }
0x307: {  	v36 =	vadd.s32 s30, v0;
	v14 =	vadd.s32 s29, v0;
	v33 =	vld.idx.msk [tilespmem:v34+s17+$0x0], $0xffff;
	v7 =	vand.u32 $0x7F, v7  }
0x308: {  	v37 =	vand.u32 $0x7F, v36;
	v14 =	vand.u32 $0x7F, v14;
	v35 =	vld.idx.msk [tilespmem:v34+s19+$0x0], $0xffff;
	v34 =	vor.u32 v2, v7  }
0x309: {  	s23 =	simm.s32 $0x1F;
	v9 =	vimm.f32 $0.0e+00;
	v36 =	vor.u32 v2, v14;
	v14 =	vimm.f32 $0.0e+00;
	v7 =	vld.idx.msk [tilespmem:v6+s17+$0x0], $0xffff  }
.LBB2_21:
0x30a: {  	p0 =	sne.s32 s23, $0x7F;
	v37 =	vor.u32 v2, v37;
	v38 =	vld.idx.msk [tilespmem:v19+s21+$0x0], $0xffff  }
0x30b: {  	v39 =	vld.idx.msk [tilespmem:v25+s21+$0x0], $0xffff  }
0x30c: {  	v40 =	vld.idx.msk [tilespmem:v30+s21+$0x0], $0xffff  }
0x30d: {  	v41 =	vld.idx.msk [tilespmem:v34+s21+$0x0], $0xffff  }
0x30e: {  	s24 =	sadd.s32 $0xFFFFFFFB, s23;
	s25 =	sadd.s32 $0xFFFFFFFD, s23;
	s26 =	sadd.s32 $0xFFFFFFFF, s23;
	v42 =	vld.idx.msk [tilespmem:v36+s21+$0x0], $0xffff  }
0x30f: {  	s28 =	sadd.s32 $0xFFFFFFF1, s23;
	s29 =	sadd.s32 $0xFFFFFFF7, s23;
	s30 =	sadd.s32 $0xFFFFFFF9, s23;
	v43 =	vadd.s32 s24, v0;
	v44 =	vadd.s32 s25, v0;
	v45 =	vadd.s32 s26, v0;
	v46 =	vld.idx.msk [tilespmem:v37+s21+$0x0], $0xffff  }
0x310: {  	v47 =	vor.u32 s28, v3;
	v48 =	vadd.s32 s29, v0;
	v49 =	vadd.s32 s30, v0;
	v50 =	vld.idx.msk [tilespmem:v37+s17+$0x0], $0xffff  }
0x311: {  	v11 =	vadd.f32 v13, v11;
	v44 =	vand.u32 $0x7F, v44;
	v45 =	vand.u32 $0x7F, v45;
	v13 =	vld.idx.msk [tilespmem:v37+s19+$0x0], $0xffff  }
0x312: {  	v21 =	vadd.f32 v22, v21;
	v16 =	vadd.f32 v18, v16;
	v37 =	vand.u32 $0x7F, v43;
	v43 =	vld.idx.msk [tilespmem:v36+s17+$0x0], $0xffff  }
0x313: {  	v26 =	vadd.f32 v28, v26;
	v23 =	vadd.f32 v24, v23;
	v18 =	vand.u32 $0x7F, v49;
	v22 =	vld.idx.msk [tilespmem:v36+s19+$0x0], $0xffff  }
0x314: {  	v27 =	vadd.f32 v29, v27;
	v28 =	vadd.f32 v32, v31;
	s24 =	sadd.s32 $0xFFFFFFFE, s20;
	s20 =	smov.u32 s23;
	v24 =	vor.u32 v2, v45;
	v31 =	vld.idx.msk [tilespmem:v34+s17+$0x0], $0xffff  }
0x315: {  	v4 =	vsub.f32 v11, v4;
	v32 =	vadd.s32 s24, v0;
	v11 =	vadd.f32 v35, v33;
	v29 =	vld.idx.msk [tilespmem:v34+s19+$0x0], $0xffff  }
0x316: {  	v21 =	vsub.f32 v21, v8;
	v8 =	vand.u32 $0x7F, v32;
	v32 =	vsub.f32 v16, v5;
	v33 =	vld.idx.msk [tilespmem:v30+s17+$0x0], $0xffff  }
0x317: {  	v10 =	vsub.f32 v23, v10;
	v8 =	vor.u32 v2, v8;
	v5 =	vadd.f32 v13, v50;
	v13 =	vld.idx.msk [tilespmem:v30+s19+$0x0], $0xffff  }
0x318: {  	v12 =	vsub.f32 v26, v12;
	v23 =	vor.u32 v2, v44;
	v16 =	vsub.f32 v27, v17;
	v17 =	vld.idx.msk [tilespmem:v25+s17+$0x0], $0xffff  }
0x319: {  	v26 =	vor.u32 v2, v37;
	v5 =	vsub.f32 v5, v46;
	v22 =	vadd.f32 v22, v43;
	v25 =	vld.idx.msk [tilespmem:v25+s19+$0x0], $0xffff  }
0x31a: {  	v15 =	vsub.f32 v28, v15;
	v4 =	vand.u32 $0x7FFFFFFF, v4;
	v11 =	vsub.f32 v11, v20;
	v20 =	vld.idx.msk [tilespmem:v19+s17+$0x0], $0xffff  }
0x31b: {  	v5 =	vand.u32 $0x7FFFFFFF, v5;
	v22 =	vsub.f32 v22, v42;
	v27 =	vadd.f32 v29, v31;
	v19 =	vld.idx.msk [tilespmem:v19+s19+$0x0], $0xffff  }
0x31c: {  	v4 =	vadd.f32 v4, v9;
	v9 =	vand.u32 $0x7FFFFFFF, v11;
	v5 =	vadd.f32 v5, v14;
	v14 =	vld.idx.msk [tilespmem:v8+s17+$0x0], $0xffff  }
0x31d: {  	v11 =	vand.u32 $0x7FFFFFFF, v22;
	v22 =	vsub.f32 v27, v41;
	v13 =	vadd.f32 v13, v33;
	v27 =	vld.idx.msk [tilespmem:v8+s19+$0x0], $0xffff  }
0x31e: {  	v9 =	vadd.f32 v9, v4;
	v5 =	vadd.f32 v11, v5;
	v11 =	vand.u32 $0x7FFFFFFF, v15;
	v15 =	vld.idx.msk [tilespmem:v6+s19+$0x0], $0xffff  }
0x31f: {  	v22 =	vand.u32 $0x7FFFFFFF, v22;
	v13 =	vsub.f32 v13, v40;
	v17 =	vadd.f32 v25, v17;
	v25 =	vld.idx.msk [tilespmem:v8+s21+$0x0], $0xffff  }
0x320: {  	v8 =	vadd.f32 v11, v9;
	v5 =	vadd.f32 v22, v5;
	v9 =	vand.u32 $0x7FFFFFFF, v16;
	v4 =	vld.idx.msk [tilespmem:v47+s21+$0x0], $0xffff  }
0x321: {  	v13 =	vand.u32 $0x7FFFFFFF, v13;
	v16 =	vsub.f32 v17, v39;
	v17 =	vadd.f32 v19, v20;
	v6 =	vld.idx.msk [tilespmem:v6+s21+$0x0], $0xffff  }
0x322: {  	v12 =	vand.u32 $0x7FFFFFFF, v12;
	v8 =	vadd.f32 v9, v8;
	v9 =	vadd.f32 v13, v5;
	v11 =	vld.idx.msk [tilespmem:v47+s17+$0x0], $0xffff  }
0x323: {  	v16 =	vand.u32 $0x7FFFFFFF, v16;
	v17 =	vsub.f32 v17, v38;
	v14 =	vadd.f32 v27, v14;
	v13 =	vld.idx.msk [tilespmem:v47+s19+$0x0], $0xffff  }
0x324: {  	v10 =	vand.u32 $0x7FFFFFFF, v10;
	v12 =	vadd.f32 v12, v8;
	v9 =	vadd.f32 v16, v9;
	v5 =	vld.idx.msk [tilespmem:v24+s21+$0x0], $0xffff  }
0x325: {  	v7 =	vadd.f32 v15, v7;
	v17 =	vand.u32 $0x7FFFFFFF, v17;
	v14 =	vsub.f32 v14, v25;
	v8 =	vld.idx.msk [tilespmem:v23+s21+$0x0], $0xffff  }
0x326: {  	v15 =	vor.u32 v2, v18;
	v12 =	vadd.f32 v10, v12;
	v9 =	vadd.f32 v17, v9;
	v16 =	vld.idx.msk [tilespmem:v24+s17+$0x0], $0xffff  }
0x327: {  	v17 =	vand.u32 $0x7FFFFFFF, v21;
	v14 =	vand.u32 $0x7FFFFFFF, v14;
	v6 =	vsub.f32 v7, v6;
	v18 =	vld.idx.msk [tilespmem:v24+s19+$0x0], $0xffff  }
0x328: {  	v7 =	vand.u32 $0x7F, v48;
	v12 =	vadd.f32 v17, v12;
	v14 =	vadd.f32 v14, v9;
	v10 =	vld.idx.msk [tilespmem:v26+s21+$0x0], $0xffff  }
0x329: {  	s24 =	sadd.s32 $0xFFFFFFF5, s23;
	v7 =	vor.u32 v2, v7;
	v9 =	vand.u32 $0x7FFFFFFF, v32;
	v6 =	vand.u32 $0x7FFFFFFF, v6;
	v21 =	vld.idx.msk [tilespmem:v23+s17+$0x0], $0xffff  }
0x32a: {  	v17 =	vadd.s32 s24, v0;
	v9 =	vadd.f32 v9, v12;
	v14 =	vadd.f32 v6, v14;
	v22 =	vld.idx.msk [tilespmem:v23+s19+$0x0], $0xffff  }
0x32b: {  	v6 =	vand.u32 $0x7F, v17;
	v12 =	vld.idx.msk [tilespmem:v15+s21+$0x0], $0xffff  }
0x32c: {  	s24 =	sadd.s32 $0xFFFFFFF3, s23;
	v25 =	vor.u32 v2, v6;
	v23 =	vld.idx.msk [tilespmem:v26+s17+$0x0], $0xffff  }
0x32d: {  	v6 =	vadd.s32 s24, v0;
	v24 =	vld.idx.msk [tilespmem:v26+s19+$0x0], $0xffff  }
0x32e: {  	v6 =	vand.u32 $0x7F, v6;
	v17 =	vld.idx.msk [tilespmem:v7+s21+$0x0], $0xffff  }
0x32f: {  	v34 =	vor.u32 v2, v6;
	v26 =	vld.idx.msk [tilespmem:v15+s17+$0x0], $0xffff  }
0x330: {  	v28 =	vld.idx.msk [tilespmem:v15+s19+$0x0], $0xffff  }
0x331: {  	v15 =	vld.idx.msk [tilespmem:v25+s21+$0x0], $0xffff  }
0x332: {  	s24 =	sadd.s32 $0xFFFFFFFC, s23;
	v6 =	vadd.s32 s23, v0;
	v27 =	vld.idx.msk [tilespmem:v7+s17+$0x0], $0xffff  }
0x333: {  	s25 =	sadd.s32 $0xFFFFFFFA, s23;
	v6 =	vand.u32 $0x7F, v6;
	v29 =	vld.idx.msk [tilespmem:v7+s19+$0x0], $0xffff;
	v7 =	vadd.s32 s24, v0  }
0x334: {  	v19 =	vadd.s32 s25, v0;
	v6 =	vor.u32 v2, v6;
	s24 =	sadd.s32 $0xFFFFFFF8, s23;
	v20 =	vld.idx.msk [tilespmem:v34+s21+$0x0], $0xffff;
	v7 =	vand.u32 $0x7F, v7  }
.Ltmp9:
0x335: {  	s25 =	sadd.s32 $0xFFFFFFF6, s23;
	v33 =	vand.u32 $0x7F, v19;
	v30 =	vadd.s32 s24, v0;
	v31 =	vld.idx.msk [tilespmem:v25+s17+$0x0], $0xffff;
	v19 =	vor.u32 v2, v7;
	(pc) =	sbr.rel @p0 .LBB2_21-.Ltmp9, $4  }
0x336: {  	s24 =	sadd.s32 $0xFFFFFFF4, s23;
	v7 =	vadd.s32 s25, v0;
	v30 =	vand.u32 $0x7F, v30;
	v32 =	vld.idx.msk [tilespmem:v25+s19+$0x0], $0xffff;
	v25 =	vor.u32 v2, v33  }
0x337: {  	s25 =	sadd.s32 $0xFFFFFFF2, s23;
	v36 =	vadd.s32 s24, v0;
	v7 =	vand.u32 $0x7F, v7;
	v30 =	vor.u32 v2, v30;
	v33 =	vld.idx.msk [tilespmem:v34+s17+$0x0], $0xffff  }
0x338: {  	v37 =	vadd.s32 s25, v0;
	v36 =	vand.u32 $0x7F, v36;
	v35 =	vld.idx.msk [tilespmem:v34+s19+$0x0], $0xffff;
	v34 =	vor.u32 v2, v7  }
0x339: {  	s23 =	sadd.s32 $0x10, s23;
	v37 =	vand.u32 $0x7F, v37;
	v36 =	vor.u32 v2, v36;
	v7 =	vld.idx.msk [tilespmem:v6+s17+$0x0], $0xffff  }
0x33a: {  	_ =	sdelay $0x2  }
0x33b: {  	v3 =	vor.u32 v2, v37  }
0x33c: {  	v59 =	vld.idx.msk [tilespmem:v19+s21+$0x0], $0xffff  }
0x33d: {  	v38 =	vld.idx.msk [tilespmem:v25+s21+$0x0], $0xffff  }
0x33e: {  	v39 =	vld.idx.msk [tilespmem:v30+s21+$0x0], $0xffff  }
0x33f: {  	v16 =	vadd.f32 v18, v16;
	v18 =	vld.idx.msk [tilespmem:v36+s17+$0x0], $0xffff  }
0x340: {  	v11 =	vadd.f32 v13, v11;
	v40 =	vld.idx.msk [tilespmem:v3+s21+$0x0], $0xffff  }
0x341: {  	v13 =	vadd.f32 v22, v21;
	v21 =	vadd.f32 v28, v26;
	v41 =	vld.idx.msk [tilespmem:v3+s17+$0x0], $0xffff  }
0x342: {  	v22 =	vadd.f32 v24, v23;
	v26 =	vadd.f32 v29, v27;
	v3 =	vld.idx.msk [tilespmem:v3+s19+$0x0], $0xffff  }
0x343: {  	v23 =	vld.idx.msk [tilespmem:v36+s19+$0x0], $0xffff;
	v24 =	vadd.f32 v32, v31;
	v4 =	vsub.f32 v11, v4  }
0x344: {  	v28 =	vld.idx.msk [tilespmem:v34+s17+$0x0], $0xffff;
	s20 =	sadd.s32 $0xFFFFFFFE, s20;
	v13 =	vsub.f32 v13, v8;
	v16 =	vsub.f32 v16, v5  }
0x345: {  	s26 =	simm.s32 $0xC;
	v5 =	vld.idx.msk [tilespmem:v34+s19+$0x0], $0xffff;
	v8 =	vadd.s32 s20, v0;
	v22 =	vsub.f32 v22, v10;
	v17 =	vsub.f32 v26, v17  }
0x346: {  	v27 =	vld.idx.msk [tilespmem:v36+s21+$0x0], $0xffff;
	v12 =	vsub.f32 v21, v12;
	v26 =	vadd.s32 s26, v0;
	v11 =	vadd.f32 v35, v33  }
0x347: {  	v10 =	vld.idx.msk [tilespmem:v34+s21+$0x0], $0xffff;
	v8 =	vand.u32 $0x7F, v8;
	v15 =	vsub.f32 v24, v15;
	v3 =	vadd.f32 v3, v41  }
0x348: {  	v21 =	vld.idx.msk [tilespmem:v30+s17+$0x0], $0xffff;
	v8 =	vor.u32 v2, v8;
	v4 =	vand.u32 $0x7FFFFFFF, v4;
	v11 =	vsub.f32 v11, v20  }
0x349: {  	s24 =	sor.u32 $0x10, s18;
	v24 =	vld.idx.msk [tilespmem:v25+s19+$0x0], $0xffff;
	v12 =	vand.u32 $0x7FFFFFFF, v12;
	v2 =	vsub.f32 v3, v40;
	v3 =	vadd.f32 v23, v18  }
0x34a: {  	v20 =	vld.idx.msk [tilespmem:v25+s17+$0x0], $0xffff;
	v4 =	vadd.f32 v4, v9;
	v5 =	vadd.f32 v5, v28;
	v23 =	vmov s24  }
0x34b: {  	v18 =	vld.idx.msk [tilespmem:v30+s19+$0x0], $0xffff;
	v9 =	vshll.u32 v23, $0x7;
	v2 =	vand.u32 $0x7FFFFFFF, v2;
	v3 =	vsub.f32 v3, v27  }
0x34c: {  	v11 =	vand.u32 $0x7FFFFFFF, v11;
	v23 =	vld.idx.msk [tilespmem:v19+s17+$0x0], $0xffff;
	v14 =	vadd.f32 v2, v14;
	v2 =	vor.u32 v1, v9  }
0x34d: {  	s25 =	simm.s32 $0x0;
	v4 =	vadd.f32 v11, v4;
	v9 =	vld.idx.msk [tilespmem:v19+s19+$0x0], $0xffff;
	v19 =	vand.u32 $0x7FFFFFFF, v3;
	v3 =	vor.u32 v0, v2  }
0x34e: {  	v15 =	vand.u32 $0x7FFFFFFF, v15;
	v5 =	vsub.f32 v5, v10;
	v25 =	vld.idx.msk [tilespmem:v8+s17+$0x0], $0xffff;
	v11 =	vor.u32 s25, v3  }
0x34f: {  	v13 =	vand.u32 $0x7FFFFFFF, v13;
	v20 =	vadd.f32 v24, v20;
	v15 =	vadd.f32 v15, v4;
	v27 =	vld.idx.msk [tilespmem:v8+s21+$0x0], $0xffff  }
0x350: {  	s23 =	simm.s32 $0xE;
	v5 =	vand.u32 $0x7FFFFFFF, v5;
	v10 =	vadd.f32 v18, v21;
	v18 =	vld.idx.msk [tilespmem:v8+s19+$0x0], $0xffff;
	v8 =	vand.u32 $0x7F, v26  }
0x351: {  	v24 =	vld.idx.msk [tilespmem:v6+s21+$0x0], $0xffff;
	v14 =	vadd.f32 v19, v14;
	v19 =	vadd.s32 s23, v0;
	v26 =	vor.u32 v2, v8  }
0x352: {  	s28 =	simm.s32 $0xA;
	v21 =	vld.idx.msk [tilespmem:v6+s19+$0x0], $0xffff;
	v6 =	vand.u32 $0x7FFFFFFF, v17;
	v19 =	vand.u32 $0x7F, v19;
	v10 =	vsub.f32 v10, v39  }
0x353: {  	v17 =	vsub.f32 v20, v38;
	v8 =	vadd.s32 s28, v0;
	v19 =	vor.u32 v2, v19;
	v4 =	vld.idx.msk [tilespmem:v11+s21+$0x0], $0xffff  }
0x354: {  	s29 =	simm.s32 $0x8;
	v5 =	vadd.f32 v5, v14;
	v14 =	vand.u32 $0x7FFFFFFF, v10;
	v10 =	vand.u32 $0x7F, v8;
	v8 =	vld.idx.msk [tilespmem:v11+s17+$0x0], $0xffff  }
0x355: {  	v15 =	vadd.f32 v6, v15;
	v6 =	vadd.s32 s29, v0;
	v20 =	vor.u32 v2, v10;
	v10 =	vld.idx.msk [tilespmem:v11+s19+$0x0], $0xffff  }
0x356: {  	v9 =	vadd.f32 v9, v23;
	v11 =	vadd.f32 v14, v5;
	v14 =	vand.u32 $0x7F, v6;
	v6 =	vld.idx.msk [tilespmem:v26+s21+$0x0], $0xffff  }
0x357: {  	v17 =	vand.u32 $0x7FFFFFFF, v17;
	v12 =	vadd.f32 v12, v15;
	v7 =	vadd.f32 v21, v7;
	v21 =	vld.idx.msk [tilespmem:v26+s19+$0x0], $0xffff  }
0x358: {  	s30 =	simm.s32 $0x6;
	v9 =	vsub.f32 v9, v59;
	v18 =	vadd.f32 v18, v25;
	v28 =	vor.u32 v2, v14;
	v5 =	vld.idx.msk [tilespmem:v19+s21+$0x0], $0xffff  }
0x359: {  	v14 =	vld.idx.msk [tilespmem:v19+s17+$0x0], $0xffff;
	v11 =	vadd.f32 v17, v11;
	v17 =	vand.u32 $0x7FFFFFFF, v22;
	v22 =	vadd.s32 s30, v0  }
0x35a: {  	s23 =	simm.s32 $0x4;
	v15 =	vld.idx.msk [tilespmem:v19+s19+$0x0], $0xffff;
	v23 =	vand.u32 $0x7FFFFFFF, v9;
	v18 =	vsub.f32 v18, v27;
	v19 =	vand.u32 $0x7F, v22  }
0x35b: {  	v17 =	vadd.f32 v17, v12;
	v12 =	vadd.s32 s23, v0;
	v22 =	vor.u32 v2, v19;
	v19 =	vld.idx.msk [tilespmem:v26+s17+$0x0], $0xffff  }
0x35c: {  	v7 =	vsub.f32 v7, v24;
	v11 =	vadd.f32 v23, v11;
	v23 =	vand.u32 $0x7F, v12;
	v9 =	vld.idx.msk [tilespmem:v20+s21+$0x0], $0xffff  }
0x35d: {  	v18 =	vand.u32 $0x7FFFFFFF, v18;
	v13 =	vadd.f32 v13, v17;
	v17 =	vor.u32 v2, v23;
	v23 =	vld.idx.msk [tilespmem:v20+s17+$0x0], $0xffff  }
0x35e: {  	v24 =	vld.idx.msk [tilespmem:v20+s19+$0x0], $0xffff;
	v11 =	vadd.f32 v18, v11  }
0x35f: {  	v16 =	vand.u32 $0x7FFFFFFF, v16;
	v7 =	vand.u32 $0x7FFFFFFF, v7;
	v12 =	vld.idx.msk [tilespmem:v28+s21+$0x0], $0xffff  }
0x360: {  	s24 =	simm.s32 $0x2;
	v25 =	vld.idx.msk [tilespmem:v28+s17+$0x0], $0xffff;
	v13 =	vadd.f32 v16, v13;
	v7 =	vadd.f32 v7, v11  }
0x361: {  	v18 =	vadd.s32 s24, v0;
	v28 =	vld.idx.msk [tilespmem:v28+s19+$0x0], $0xffff  }
0x362: {  	v11 =	vand.u32 $0x7F, v18;
	v18 =	vld.idx.msk [tilespmem:v22+s21+$0x0], $0xffff;
	v7 =	vadd.f32 v7, v13  }
0x363: {  	s20 =	simm.s32 $0xF;
	v60 =	vor.u32 v2, v11;
	v27 =	vld.idx.msk [tilespmem:v22+s17+$0x0], $0xffff  }
0x364: {  	s26 =	simm.s32 $0x7;
	s25 =	simm.s32 $0xB;
	v29 =	vld.idx.msk [tilespmem:v22+s19+$0x0], $0xffff;
	v13 =	vsub.f32 $0.0e+00, v7;
	v7 =	vadd.s32 s20, v0  }
0x365: {  	v30 =	vadd.s32 s26, v0;
	s24 =	simm.s32 $0x9;
	v22 =	vadd.s32 s25, v0;
	v16 =	vld.idx.msk [tilespmem:v17+s21+$0x0], $0xffff;
	v7 =	vand.u32 $0x7F, v7  }
0x366: {  	v26 =	vadd.s32 s24, v0;
	v22 =	vand.u32 $0x7F, v22;
	v31 =	vld.idx.msk [tilespmem:v17+s17+$0x0], $0xffff;
	v7 =	vor.u32 v2, v7  }
0x367: {  	v30 =	vand.u32 $0x7F, v30;
	s28 =	simm.s32 $0x5;
	s29 =	simm.s32 $0x3;
	v26 =	vand.u32 $0x7F, v26;
	v33 =	vld.idx.msk [tilespmem:v17+s19+$0x0], $0xffff;
	v22 =	vor.u32 v2, v22  }
0x368: {  	v61 =	vadd.s32 s29, v0;
	v26 =	vor.u32 v2, v26;
	v17 =	vadd.s32 s28, v0;
	v20 =	vld.idx.msk [tilespmem:v60+s21+$0x0], $0xffff  }
0x369: {  	v30 =	vor.u32 v2, v30;
	v63 =	vand.u32 $0x7F, v61;
	s30 =	simm.s32 $0x1;
	v17 =	vand.u32 $0x7F, v17;
	v32 =	vld.idx.msk [tilespmem:v60+s17+$0x0], $0xffff  }
0x36a: {  	v36 =	vor.u32 v2, v63;
	v62 =	vadd.s32 s30, v0;
	v35 =	vor.u32 v2, v17;
	v34 =	vld.idx.msk [tilespmem:v60+s19+$0x0], $0xffff  }
0x36b: {  	s23 =	simm.s32 $0x1F;
	v37 =	vand.u32 $0x7F, v62;
	v11 =	vimm.f32 $0.0e+00;
	v17 =	vimm.f32 $0.0e+00;
	[tilespmem:s18+$0x18780] =	vst v13;
	v13 =	vld.idx.msk [tilespmem:v7+s17+$0x0], $0xffff  }
.LBB2_23:
0x36c: {  	p0 =	sne.s32 s23, $0x7F;
	v37 =	vor.u32 v2, v37;
	v38 =	vld.idx.msk [tilespmem:v22+s21+$0x0], $0xffff  }
0x36d: {  	v39 =	vld.idx.msk [tilespmem:v26+s21+$0x0], $0xffff  }
0x36e: {  	v40 =	vld.idx.msk [tilespmem:v30+s21+$0x0], $0xffff  }
0x36f: {  	v41 =	vld.idx.msk [tilespmem:v35+s21+$0x0], $0xffff  }
0x370: {  	s24 =	sadd.s32 $0xFFFFFFFB, s23;
	s25 =	sadd.s32 $0xFFFFFFFD, s23;
	s26 =	sadd.s32 $0xFFFFFFFF, s23;
	v42 =	vld.idx.msk [tilespmem:v36+s21+$0x0], $0xffff  }
0x371: {  	s28 =	sadd.s32 $0xFFFFFFF1, s23;
	s29 =	sadd.s32 $0xFFFFFFF7, s23;
	s30 =	sadd.s32 $0xFFFFFFF9, s23;
	v43 =	vadd.s32 s24, v0;
	v44 =	vadd.s32 s25, v0;
	v45 =	vadd.s32 s26, v0;
	v46 =	vld.idx.msk [tilespmem:v37+s21+$0x0], $0xffff  }
0x372: {  	v47 =	vor.u32 s28, v3;
	v48 =	vadd.s32 s29, v0;
	v49 =	vadd.s32 s30, v0;
	v50 =	vld.idx.msk [tilespmem:v37+s17+$0x0], $0xffff  }
0x373: {  	v8 =	vadd.f32 v10, v8;
	v44 =	vand.u32 $0x7F, v44;
	v45 =	vand.u32 $0x7F, v45;
	v10 =	vld.idx.msk [tilespmem:v37+s19+$0x0], $0xffff  }
0x374: {  	v19 =	vadd.f32 v21, v19;
	v14 =	vadd.f32 v15, v14;
	v37 =	vand.u32 $0x7F, v43;
	v43 =	vld.idx.msk [tilespmem:v36+s17+$0x0], $0xffff  }
0x375: {  	v25 =	vadd.f32 v28, v25;
	v23 =	vadd.f32 v24, v23;
	v15 =	vand.u32 $0x7F, v49;
	v21 =	vld.idx.msk [tilespmem:v36+s19+$0x0], $0xffff  }
0x376: {  	v27 =	vadd.f32 v29, v27;
	v28 =	vadd.f32 v33, v31;
	s24 =	sadd.s32 $0xFFFFFFFE, s20;
	s20 =	smov.u32 s23;
	v24 =	vor.u32 v2, v45;
	v31 =	vld.idx.msk [tilespmem:v35+s17+$0x0], $0xffff  }
0x377: {  	v4 =	vsub.f32 v8, v4;
	v8 =	vadd.f32 v34, v32;
	v32 =	vadd.s32 s24, v0;
	v29 =	vld.idx.msk [tilespmem:v35+s19+$0x0], $0xffff  }
0x378: {  	v19 =	vsub.f32 v19, v6;
	v6 =	vand.u32 $0x7F, v32;
	v32 =	vsub.f32 v14, v5;
	v33 =	vld.idx.msk [tilespmem:v30+s17+$0x0], $0xffff  }
0x379: {  	v9 =	vsub.f32 v23, v9;
	v6 =	vor.u32 v2, v6;
	v5 =	vadd.f32 v10, v50;
	v10 =	vld.idx.msk [tilespmem:v30+s19+$0x0], $0xffff  }
0x37a: {  	v12 =	vsub.f32 v25, v12;
	v23 =	vor.u32 v2, v44;
	v14 =	vsub.f32 v27, v18;
	v18 =	vld.idx.msk [tilespmem:v26+s17+$0x0], $0xffff  }
0x37b: {  	v25 =	vor.u32 v2, v37;
	v5 =	vsub.f32 v5, v46;
	v21 =	vadd.f32 v21, v43;
	v26 =	vld.idx.msk [tilespmem:v26+s19+$0x0], $0xffff  }
0x37c: {  	v16 =	vsub.f32 v28, v16;
	v4 =	vand.u32 $0x7FFFFFFF, v4;
	v8 =	vsub.f32 v8, v20;
	v20 =	vld.idx.msk [tilespmem:v22+s17+$0x0], $0xffff  }
0x37d: {  	v5 =	vand.u32 $0x7FFFFFFF, v5;
	v21 =	vsub.f32 v21, v42;
	v27 =	vadd.f32 v29, v31;
	v22 =	vld.idx.msk [tilespmem:v22+s19+$0x0], $0xffff  }
0x37e: {  	v4 =	vadd.f32 v4, v11;
	v8 =	vand.u32 $0x7FFFFFFF, v8;
	v5 =	vadd.f32 v5, v17;
	v11 =	vld.idx.msk [tilespmem:v6+s17+$0x0], $0xffff  }
0x37f: {  	v17 =	vand.u32 $0x7FFFFFFF, v21;
	v21 =	vsub.f32 v27, v41;
	v10 =	vadd.f32 v10, v33;
	v27 =	vld.idx.msk [tilespmem:v6+s19+$0x0], $0xffff  }
0x380: {  	v16 =	vand.u32 $0x7FFFFFFF, v16;
	v8 =	vadd.f32 v8, v4;
	v5 =	vadd.f32 v17, v5;
	v17 =	vld.idx.msk [tilespmem:v7+s19+$0x0], $0xffff  }
0x381: {  	v21 =	vand.u32 $0x7FFFFFFF, v21;
	v10 =	vsub.f32 v10, v40;
	v18 =	vadd.f32 v26, v18;
	v26 =	vld.idx.msk [tilespmem:v6+s21+$0x0], $0xffff  }
0x382: {  	v14 =	vand.u32 $0x7FFFFFFF, v14;
	v6 =	vadd.f32 v16, v8;
	v5 =	vadd.f32 v21, v5;
	v4 =	vld.idx.msk [tilespmem:v47+s21+$0x0], $0xffff  }
0x383: {  	v10 =	vand.u32 $0x7FFFFFFF, v10;
	v16 =	vsub.f32 v18, v39;
	v18 =	vadd.f32 v22, v20;
	v7 =	vld.idx.msk [tilespmem:v7+s21+$0x0], $0xffff  }
0x384: {  	v12 =	vand.u32 $0x7FFFFFFF, v12;
	v6 =	vadd.f32 v14, v6;
	v14 =	vadd.f32 v10, v5;
	v8 =	vld.idx.msk [tilespmem:v47+s17+$0x0], $0xffff  }
0x385: {  	v16 =	vand.u32 $0x7FFFFFFF, v16;
	v18 =	vsub.f32 v18, v38;
	v11 =	vadd.f32 v27, v11;
	v10 =	vld.idx.msk [tilespmem:v47+s19+$0x0], $0xffff  }
0x386: {  	v9 =	vand.u32 $0x7FFFFFFF, v9;
	v12 =	vadd.f32 v12, v6;
	v16 =	vadd.f32 v16, v14;
	v5 =	vld.idx.msk [tilespmem:v24+s21+$0x0], $0xffff  }
0x387: {  	v13 =	vadd.f32 v17, v13;
	v18 =	vand.u32 $0x7FFFFFFF, v18;
	v11 =	vsub.f32 v11, v26;
	v6 =	vld.idx.msk [tilespmem:v23+s21+$0x0], $0xffff  }
0x388: {  	v20 =	vor.u32 v2, v15;
	v12 =	vadd.f32 v9, v12;
	v16 =	vadd.f32 v18, v16;
	v14 =	vld.idx.msk [tilespmem:v24+s17+$0x0], $0xffff  }
0x389: {  	v17 =	vand.u32 $0x7FFFFFFF, v19;
	v11 =	vand.u32 $0x7FFFFFFF, v11;
	v7 =	vsub.f32 v13, v7;
	v15 =	vld.idx.msk [tilespmem:v24+s19+$0x0], $0xffff  }
0x38a: {  	v13 =	vand.u32 $0x7F, v48;
	v12 =	vadd.f32 v17, v12;
	v16 =	vadd.f32 v11, v16;
	v9 =	vld.idx.msk [tilespmem:v25+s21+$0x0], $0xffff  }
0x38b: {  	s24 =	sadd.s32 $0xFFFFFFF5, s23;
	v13 =	vor.u32 v2, v13;
	v11 =	vand.u32 $0x7FFFFFFF, v32;
	v7 =	vand.u32 $0x7FFFFFFF, v7;
	v19 =	vld.idx.msk [tilespmem:v23+s17+$0x0], $0xffff  }
0x38c: {  	v18 =	vadd.s32 s24, v0;
	v11 =	vadd.f32 v11, v12;
	v17 =	vadd.f32 v7, v16;
	v21 =	vld.idx.msk [tilespmem:v23+s19+$0x0], $0xffff  }
0x38d: {  	v7 =	vand.u32 $0x7F, v18;
	v12 =	vld.idx.msk [tilespmem:v20+s21+$0x0], $0xffff  }
0x38e: {  	s24 =	sadd.s32 $0xFFFFFFF3, s23;
	v26 =	vor.u32 v2, v7;
	v23 =	vld.idx.msk [tilespmem:v25+s17+$0x0], $0xffff  }
0x38f: {  	v7 =	vadd.s32 s24, v0;
	v24 =	vld.idx.msk [tilespmem:v25+s19+$0x0], $0xffff  }
0x390: {  	v7 =	vand.u32 $0x7F, v7;
	v18 =	vld.idx.msk [tilespmem:v13+s21+$0x0], $0xffff  }
0x391: {  	v34 =	vor.u32 v2, v7;
	v25 =	vld.idx.msk [tilespmem:v20+s17+$0x0], $0xffff  }
0x392: {  	v28 =	vld.idx.msk [tilespmem:v20+s19+$0x0], $0xffff  }
0x393: {  	v16 =	vld.idx.msk [tilespmem:v26+s21+$0x0], $0xffff  }
0x394: {  	s24 =	sadd.s32 $0xFFFFFFFC, s23;
	v7 =	vadd.s32 s23, v0;
	v27 =	vld.idx.msk [tilespmem:v13+s17+$0x0], $0xffff  }
0x395: {  	s25 =	sadd.s32 $0xFFFFFFFA, s23;
	v7 =	vand.u32 $0x7F, v7;
	v29 =	vld.idx.msk [tilespmem:v13+s19+$0x0], $0xffff;
	v13 =	vadd.s32 s24, v0  }
0x396: {  	v22 =	vadd.s32 s25, v0;
	v7 =	vor.u32 v2, v7;
	s24 =	sadd.s32 $0xFFFFFFF8, s23;
	v20 =	vld.idx.msk [tilespmem:v34+s21+$0x0], $0xffff;
	v13 =	vand.u32 $0x7F, v13  }
.Ltmp10:
0x397: {  	s25 =	sadd.s32 $0xFFFFFFF6, s23;
	v32 =	vand.u32 $0x7F, v22;
	v30 =	vadd.s32 s24, v0;
	v31 =	vld.idx.msk [tilespmem:v26+s17+$0x0], $0xffff;
	v22 =	vor.u32 v2, v13;
	(pc) =	sbr.rel @p0 .LBB2_23-.Ltmp10, $4  }
0x398: {  	s24 =	sadd.s32 $0xFFFFFFF4, s23;
	v13 =	vadd.s32 s25, v0;
	v30 =	vand.u32 $0x7F, v30;
	v33 =	vld.idx.msk [tilespmem:v26+s19+$0x0], $0xffff;
	v26 =	vor.u32 v2, v32  }
0x399: {  	s25 =	sadd.s32 $0xFFFFFFF2, s23;
	v35 =	vadd.s32 s24, v0;
	v13 =	vand.u32 $0x7F, v13;
	v30 =	vor.u32 v2, v30;
	v32 =	vld.idx.msk [tilespmem:v34+s17+$0x0], $0xffff  }
0x39a: {  	v36 =	vadd.s32 s25, v0;
	v38 =	vand.u32 $0x7F, v35;
	v35 =	vor.u32 v2, v13;
	v34 =	vld.idx.msk [tilespmem:v34+s19+$0x0], $0xffff  }
0x39b: {  	s23 =	sadd.s32 $0x10, s23;
	v37 =	vand.u32 $0x7F, v36;
	v36 =	vor.u32 v2, v38;
	v13 =	vld.idx.msk [tilespmem:v7+s17+$0x0], $0xffff  }
0x39c: {  	_ =	sdelay $0x3  }
0x39d: {  	v3 =	vor.u32 v2, v37;
	v37 =	vld.idx.msk [tilespmem:v22+s21+$0x0], $0xffff  }
0x39e: {  	v38 =	vld.idx.msk [tilespmem:v26+s21+$0x0], $0xffff  }
0x39f: {  	v39 =	vld.idx.msk [tilespmem:v30+s21+$0x0], $0xffff  }
0x3a0: {  	v40 =	vld.idx.msk [tilespmem:v35+s21+$0x0], $0xffff  }
0x3a1: {  	v41 =	vld.idx.msk [tilespmem:v36+s21+$0x0], $0xffff  }
0x3a2: {  	v42 =	vld.idx.msk [tilespmem:v3+s21+$0x0], $0xffff  }
0x3a3: {  	v8 =	vadd.f32 v10, v8;
	v43 =	vld.idx.msk [tilespmem:v3+s17+$0x0], $0xffff  }
0x3a4: {  	v53 =	vadd.f32 v21, v19;
	v14 =	vadd.f32 v15, v14;
	v3 =	vld.idx.msk [tilespmem:v3+s19+$0x0], $0xffff  }
0x3a5: {  	v54 =	vld.idx.msk [tilespmem:v36+s17+$0x0], $0xffff;
	v55 =	vadd.f32 v28, v25;
	v56 =	vadd.f32 v24, v23  }
0x3a6: {  	v57 =	vld.idx.msk [tilespmem:v36+s19+$0x0], $0xffff;
	v59 =	vadd.f32 v29, v27;
	v58 =	vadd.f32 v33, v31  }
0x3a7: {  	v60 =	vld.idx.msk [tilespmem:v35+s17+$0x0], $0xffff;
	s20 =	sadd.s32 $0xFFFFFFFE, s20;
	v4 =	vsub.f32 v8, v4;
	v6 =	vsub.f32 v53, v6  }
0x3a8: {  	v62 =	vld.idx.msk [tilespmem:v35+s19+$0x0], $0xffff;
	v63 =	vadd.s32 s20, v0;
	v5 =	vsub.f32 v14, v5;
	v9 =	vsub.f32 v56, v9  }
0x3a9: {  	v33 =	vand.u32 $0x7F, v63;
	v61 =	vadd.f32 v34, v32;
	v32 =	vld.idx.msk [tilespmem:v30+s17+$0x0], $0xffff;
	v3 =	vadd.f32 v3, v43  }
0x3aa: {  	v35 =	vsub.f32 v59, v18;
	v12 =	vsub.f32 v55, v12;
	v34 =	vld.idx.msk [tilespmem:v30+s19+$0x0], $0xffff;
	v2 =	vor.u32 v2, v33  }
0x3ab: {  	v36 =	vld.idx.msk [tilespmem:v26+s17+$0x0], $0xffff;
	v15 =	vadd.f32 v57, v54;
	v3 =	vsub.f32 v3, v42  }
0x3ac: {  	v16 =	vsub.f32 v58, v16;
	v4 =	vand.u32 $0x7FFFFFFF, v4;
	v8 =	vsub.f32 v61, v20;
	v42 =	vld.idx.msk [tilespmem:v26+s19+$0x0], $0xffff  }
0x3ad: {  	v45 =	vld.idx.msk [tilespmem:v22+s19+$0x0], $0xffff;
	v44 =	vadd.f32 v62, v60;
	v15 =	vsub.f32 v15, v41;
	v3 =	vand.u32 $0x7FFFFFFF, v3  }
0x3ae: {  	v4 =	vadd.f32 v4, v11;
	v8 =	vand.u32 $0x7FFFFFFF, v8;
	v43 =	vld.idx.msk [tilespmem:v22+s17+$0x0], $0xffff;
	v3 =	vadd.f32 v3, v17  }
0x3af: {  	v47 =	vsub.f32 v44, v40;
	v46 =	vld.idx.msk [tilespmem:v2+s17+$0x0], $0xffff;
	v10 =	vadd.f32 v34, v32;
	v15 =	vand.u32 $0x7FFFFFFF, v15  }
0x3b0: {  	v49 =	vand.u32 $0x7FFFFFFF, v16;
	v48 =	vld.idx.msk [tilespmem:v2+s19+$0x0], $0xffff;
	v4 =	vadd.f32 v8, v4;
	v3 =	vadd.f32 v15, v3  }
0x3b1: {  	v50 =	vld.idx.msk [tilespmem:v7+s19+$0x0], $0xffff;
	v51 =	vand.u32 $0x7FFFFFFF, v47;
	v10 =	vsub.f32 v10, v39;
	v52 =	vadd.f32 v42, v36  }
0x3b2: {  	v53 =	vand.u32 $0x7FFFFFFF, v35;
	v2 =	vld.idx.msk [tilespmem:v2+s21+$0x0], $0xffff;
	v4 =	vadd.f32 v49, v4;
	v3 =	vadd.f32 v51, v3  }
0x3b3: {  	v10 =	vand.u32 $0x7FFFFFFF, v10;
	v55 =	vadd.f32 v45, v43;
	v54 =	vsub.f32 v52, v38  }
0x3b4: {  	v56 =	vld.idx.msk [tilespmem:v7+s21+$0x0], $0xffff;
	v57 =	vand.u32 $0x7FFFFFFF, v12;
	v4 =	vadd.f32 v53, v4;
	v3 =	vadd.f32 v10, v3  }
0x3b5: {  	v11 =	vadd.f32 v48, v46;
	v59 =	vsub.f32 v55, v37;
	v58 =	vand.u32 $0x7FFFFFFF, v54  }
0x3b6: {  	v60 =	vand.u32 $0x7FFFFFFF, v9;
	v4 =	vadd.f32 v57, v4;
	v3 =	vadd.f32 v58, v3  }
0x3b7: {  	v62 =	vadd.f32 v50, v13;
	v2 =	vsub.f32 v11, v2;
	v61 =	vand.u32 $0x7FFFFFFF, v59  }
0x3b8: {  	v4 =	vadd.f32 v60, v4;
	v3 =	vadd.f32 v61, v3  }
0x3b9: {  	v6 =	vand.u32 $0x7FFFFFFF, v6;
	v7 =	vsub.f32 v62, v56;
	v2 =	vand.u32 $0x7FFFFFFF, v2  }
0x3ba: {  	v4 =	vadd.f32 v6, v4;
	v2 =	vadd.f32 v2, v3  }
0x3bb: {  	v63 =	vand.u32 $0x7FFFFFFF, v7;
	v3 =	vand.u32 $0x7FFFFFFF, v5  }
0x3bc: {  	v3 =	vadd.f32 v3, v4;
	v2 =	vadd.f32 v63, v2  }
0x3bd: {  	p0 =	slt.u32 s3, $0x6  }
.Ltmp11:
0x3be: {  	v2 =	vadd.f32 v2, v3;
	(pc) =	sbr.rel @p0 .LBB2_20-.Ltmp11, $4  }
0x3bf: {  	_ = 	snop  }
0x3c0: {  	v2 =	vsub.f32 $0.0e+00, v2  }
0x3c1: {  	s30 =	sadd.s32 $0x2, s3  }
0x3c2: {  	s3 =	smov.u32 s30;
	[tilespmem:s18+$0x18790] =	vst v2  }
0x3c3: {  	s0 =	sadd.s32 $0x1, s0  }
0x3c4: {  	p0 =	sne.s32 s0, s9  }
.Ltmp12:
0x3c5: {  	s3 =	simm.s32 $0x18600;
	(pc) =	sbr.rel @p0 .LBB2_1-.Ltmp12, $4  }
0x3c6: {  	[hbm4b:s8+s4] =	stream.linear.scatter [tilespmem:s3], [sflag:$0x3], $0x200, $0x38;
	[tilespmem:$0x18800] =	vst v63  }
0x3c7: {  	_ =	swait.ge [sflag:s31], $0x200  }
0x3c8: {  	[sflag:s31] =	ssyncset.done $0x0  }
0x3c9: {  	[sflag:s31] =	ssyncadd.s32 $0xFFFFFE00  }
0x3ca: {  	_ =	sfence.sel $0x180000  }
0x3cb: {  	[bflag:$0x0] =	sbarrier.arrive $0xFFFF  }
0x3cc: {  	_ =	strace $0x90000047  }
0x3cd: {  	s0 =	stileid.u32;
	[bflag:$0x2] =	sbarrier.arrive $0xFFFF  }
0x3ce: {  	p0 =	sne.s32 s0, $0x0;
	s0 =	rddreg [dreg:$0x6]  }
0x3cf: {  	s0 =	sadd.s32 @!p0 $0x100000, s0  }
0x3d0: {  	[sflag:s0] =	ssyncadd.tile.s32 @!p0 $0x1;
	_ =	shalt  }
.Lfunc_end2:
_tile_overlayer_lowered:
.L_overlay_start_2:
0x3d1: {  	(tag) =	ssettag $0x2  }
0x3d2: {  	s0 =	rddreg [dreg:$0x0];
	s2 =	stileid.u32  }
0x3d3: {  	s1 =	rddreg [dreg:$0x1];
	p0 =	sne.s32 s2, $0x0  }
0x3d4: {  	s3 =	rddreg [dreg:$0x2];
	[bflag:$0x3] =	sbarrier.arrive $0xFFFF;
	s2 =	simm.s32 @!p0 $0x1C03  }
0x3d5: {  	[timem:s3], [sflag:s2] =	dma.local @!p0 [hbm:s0], s1  }
0x3d6: {  	s0 =	simm.s32 @!p0 $0x3  }
0x3d7: {  	_ =	swait.ge @!p0 [sflag:s0], s1  }
0x3d8: {  	s1 =	ssub.s32 @!p0 $0x0, s1;
	[sflag:s0] =	ssyncset.done @!p0 $0x0  }
0x3d9: {  	[sflag:s0] =	ssyncadd.s32 @!p0 s1  }
0x3da: {  	[bflag:$0x3] =	sbarrier.arrive $0xFFFF  }
0x3db: {  	_ =	shalt  }

</sc_bundles>
